<compile_context>
chip_gen: v7x
topology: tpu7x:2x2x1
jax: 0.10.2.dev20260603
libtpu: 0.0.44.dev20260713+nightly
codegen_flags: <defaults>
</compile_context>

<pallas_src>
import functools

import jax
import jax.numpy as jnp
from jax import lax
from jax.experimental import pallas as pl
from jax.experimental.pallas import tpu as pltpu
from jax.experimental.pallas import tpu_sc as plsc

D = 64
SCALE = 8.0
B = 4096
L = 200
BB = 128

_info = plsc.get_sparse_core_info()
NC, NS, LN = _info.num_cores, _info.num_subcores, _info.num_lanes
NW = NC * NS

_mesh = plsc.VectorSubcoreMesh(core_axis_name="c", subcore_axis_name="s")


@functools.partial(
    pl.kernel,
    mesh=_mesh,
    compiler_params=pltpu.CompilerParams(
        use_tc_tiling_on_sc=False, needs_layout_passes=False),
    out_type=jax.ShapeDtypeStruct((L, 8, B // BB, 8, BB), jnp.float32),
    scratch_types=[
        pltpu.VMEM((L, BB), jnp.int32),
        pltpu.VMEM((BB, 2 * D), jnp.float32),
        pltpu.VMEM((BB, 2 * D), jnp.float32),
        pltpu.VMEM((8, 1, 8, BB), jnp.float32),
        pltpu.VMEM((8, 1, 8, BB), jnp.float32),
        pltpu.SemaphoreType.DMA,
        pltpu.SemaphoreType.DMA,
        pltpu.SemaphoreType.DMA,
        pltpu.SemaphoreType.DMA,
    ],
)
def _gather_scale_t(xt_hbm, table_hbm, out_hbm,
                    idx_v, rows_a, rows_b, tr_a, tr_b, ga, gb, sta, stb):
    wid = lax.axis_index("s") * NC + lax.axis_index("c")
    rows = (rows_a, rows_b)
    trs = (tr_a, tr_b)
    gsem = (ga, gb)
    ssem = (sta, stb)

    pltpu.sync_copy(xt_hbm.at[:, pl.ds(wid * BB, BB)], idx_v)

    def gath(li, p):
        return pltpu.async_copy(table_hbm.at[idx_v.at[li]], rows[p], gsem[p])

    def out_slice(li):
        return out_hbm.at[li, pl.ds(0, 8), pl.ds(wid, 1)]

    lanes = lax.iota(jnp.int32, LN)
    bidxs = [lanes + c * LN for c in range(BB // LN)]
    lanes16 = jnp.full((LN,), LN, jnp.int32)
    zeros16 = jnp.zeros((LN,), jnp.int32)

    def transpose_scale(p):
        rv, tv = rows[p], trs[p]

        @plsc.parallel_loop(0, LN, step=1, unroll=2)
        def body(d):
            ebase = lax.rem(lanes + d, lanes16)
            for e0 in range(D // LN):
                eidx = ebase + e0 * LN
                kidx = lax.shift_right_logical(eidx, 3)
                sidx = jnp.bitwise_and(eidx, 7)
                for c in range(BB // LN):
                    g = plsc.load_gather(rv, [bidxs[c], eidx])
                    plsc.store_scatter(tv, [kidx, zeros16, sidx, bidxs[c]],
                                       g * SCALE)

    gath(0, 0)
    gath(1, 1)

    def pair(k2, cr):
        for j in (0, 1):
            li = 2 * k2 + j
            p = j
            pltpu.make_async_copy(table_hbm.at[idx_v.at[li]], rows[p],
                                  gsem[p]).wait()
            @pl.when(li >= 2)
            def _():
                pltpu.make_async_copy(trs[p], out_slice(0), ssem[p]).wait()
            transpose_scale(p)
            pltpu.async_copy(trs[p], out_slice(li), ssem[p])
            @pl.when(li + 2 < L)
            def _():
                gath(li + 2, p)
        return cr

    lax.fori_loop(0, L // 2, pair, 0)
    pltpu.make_async_copy(trs[0], out_slice(0), ssem[0]).wait()
    pltpu.make_async_copy(trs[1], out_slice(0), ssem[1]).wait()


def kernel(x, input_embedding_table):
    tblp = jnp.pad(input_embedding_table, ((0, 0), (0, D)))
    out = _gather_scale_t(x.T, tblp)
    return out.transpose(2, 4, 0, 1, 3).reshape(B, L, D)

# --- scband reference (transcript-rebuilt; emitter-appended) ---
"""Pipeline reference for scband-embedder-1752346657011 (READ-ONLY COPY).

The authoritative reference and input builder live on the scoring server;
editing this copy changes nothing except your own understanding.
"""

import jax, jax.numpy as jnp
import numpy as np

VOCAB = 1000000
EMBED = 64
B, L = 4096, 200


def setup_inputs(seed: int = 0) -> dict:
    key = jax.random.key(seed)
    k1, k2 = jax.random.split(key)
    x = jax.random.randint(k1, (B, L), 0, VOCAB, dtype=jnp.int32)
    input_embedding_table = jax.random.normal(k2, (VOCAB, EMBED), dtype=jnp.float32)
    return {"x": x, "input_embedding_table": input_embedding_table}


def reference(x, input_embedding_table):
    # Embedder.encode: gather rows from the embedding table, then scale by sqrt(embed_dim)
    out = jnp.take(input_embedding_table, x, axis=0)
    out = out * jnp.sqrt(jnp.asarray(EMBED, dtype=jnp.float32)).astype(out.dtype)
    return out

if __name__ == "__main__":
    import jax
    _d = setup_inputs()
    print(jax.jit(kernel)(*tuple(_d.values())))

</pallas_src>

<mosaic_0001>
#map = affine_map<(d0, d1) -> (0, 0)>
#map1 = affine_map<(d0, d1) -> (0, 0, 0, 0, 0)>
module attributes {stable_mosaic.version = 14 : i64} {
  func.func @_gather_scale_t(%arg0: i32, %arg1: i32, %arg2: memref<200x4096xi32, #tpu.memory_space<hbm>>, %arg3: memref<1000000x128xf32, #tpu.memory_space<hbm>>, %arg4: memref<200x8x32x8x128xf32, #tpu.memory_space<hbm>>, %arg5: memref<200x128xi32, #tpu.memory_space<vmem>>, %arg6: memref<128x128xf32, #tpu.memory_space<vmem>>, %arg7: memref<128x128xf32, #tpu.memory_space<vmem>>, %arg8: memref<8x1x8x128xf32, #tpu.memory_space<vmem>>, %arg9: memref<8x1x8x128xf32, #tpu.memory_space<vmem>>, %arg10: memref<!tpu.dma_semaphore, #tpu.memory_space<semaphore_mem>>, %arg11: memref<!tpu.dma_semaphore, #tpu.memory_space<semaphore_mem>>, %arg12: memref<!tpu.dma_semaphore, #tpu.memory_space<semaphore_mem>>, %arg13: memref<!tpu.dma_semaphore, #tpu.memory_space<semaphore_mem>>) attributes {dimension_semantics = [#tpu.dimension_semantics<core_parallel>, #tpu.dimension_semantics<subcore_parallel>], iteration_bounds = array<i64: 2, 16>, scalar_prefetch = 0 : i64, scratch_operands = 9 : i64, tpu.core_type = #tpu.core_type<sc_vector_subcore>, window_params = [{transform_indices = #map}, {transform_indices = #map}, {transform_indices = #map1}]} {
    %mul3A = arith.constant 2 : i32
    %mul3A_0 = arith.muli %arg1, %mul3A : i32
    %add3A = arith.addi %mul3A_0, %arg0 : i32
    %mul3A_1 = arith.constant 128 : i32
    %mul3A_2 = arith.muli %add3A, %mul3A_1 : i32
    "tpu.region"() ({
      %run_scoped3A = tpu.sem_alloc : memref<!tpu.dma_semaphore, #tpu.memory_space<semaphore_mem>>
      %dma_start3A_69 = arith.constant 0 : i32
      %dma_start3A_70 = tpu.memref_slice %arg2[%dma_start3A_69, %mul3A_2] : memref<200x4096xi32, #tpu.memory_space<hbm>> -> memref<200x128xi32, #tpu.memory_space<hbm>>
      %dma_start3A_71 = arith.constant 0 : i32
      %dma_start3A_72 = tpu.memref_slice %arg2[%dma_start3A_71, %mul3A_2] : memref<200x4096xi32, #tpu.memory_space<hbm>> -> memref<200x128xi32, #tpu.memory_space<hbm>>
      tpu.enqueue_dma source(%dma_start3A_72 : memref<200x128xi32, #tpu.memory_space<hbm>>) target(%arg5 : memref<200x128xi32, #tpu.memory_space<vmem>>) target_semaphore(%run_scoped3A : memref<!tpu.dma_semaphore, #tpu.memory_space<semaphore_mem>>)
      %dma_wait3A_73 = arith.constant 0 : i32
      %dma_wait3A_74 = tpu.memref_slice %arg2[%dma_wait3A_73, %mul3A_2] : memref<200x4096xi32, #tpu.memory_space<hbm>> -> memref<200x128xi32, #tpu.memory_space<hbm>>
      %dma_wait3A_75 = arith.constant 0 : i32
      %dma_wait3A_76 = tpu.memref_slice %arg2[%dma_wait3A_75, %mul3A_2] : memref<200x4096xi32, #tpu.memory_space<hbm>> -> memref<200x128xi32, #tpu.memory_space<hbm>>
      tpu.wait_dma2 semaphore(%run_scoped3A : memref<!tpu.dma_semaphore, #tpu.memory_space<semaphore_mem>>) src(%dma_wait3A_76 : memref<200x128xi32, #tpu.memory_space<hbm>>) dst(%arg5 : memref<200x128xi32, #tpu.memory_space<vmem>>)
      tpu.yield
    }) : () -> ()
    %iota3A = tpu.iota {dimensions = array<i32: 0>} : vector<16xi32>
    %add3A_3 = arith.constant 0 : i32
    %add3A_4 = vector.broadcast %add3A_3 : i32 to vector<16xi32>
    %add3A_5 = arith.addi %iota3A, %add3A_4 : vector<16xi32>
    %add3A_6 = arith.constant 16 : i32
    %add3A_7 = vector.broadcast %add3A_6 : i32 to vector<16xi32>
    %add3A_8 = arith.addi %iota3A, %add3A_7 : vector<16xi32>
    %add3A_9 = arith.constant 32 : i32
    %add3A_10 = vector.broadcast %add3A_9 : i32 to vector<16xi32>
    %add3A_11 = arith.addi %iota3A, %add3A_10 : vector<16xi32>
    %add3A_12 = arith.constant 48 : i32
    %add3A_13 = vector.broadcast %add3A_12 : i32 to vector<16xi32>
    %add3A_14 = arith.addi %iota3A, %add3A_13 : vector<16xi32>
    %add3A_15 = arith.constant 64 : i32
    %add3A_16 = vector.broadcast %add3A_15 : i32 to vector<16xi32>
    %add3A_17 = arith.addi %iota3A, %add3A_16 : vector<16xi32>
    %add3A_18 = arith.constant 80 : i32
    %add3A_19 = vector.broadcast %add3A_18 : i32 to vector<16xi32>
    %add3A_20 = arith.addi %iota3A, %add3A_19 : vector<16xi32>
    %add3A_21 = arith.constant 96 : i32
    %add3A_22 = vector.broadcast %add3A_21 : i32 to vector<16xi32>
    %add3A_23 = arith.addi %iota3A, %add3A_22 : vector<16xi32>
    %add3A_24 = arith.constant 112 : i32
    %add3A_25 = vector.broadcast %add3A_24 : i32 to vector<16xi32>
    %add3A_26 = arith.addi %iota3A, %add3A_25 : vector<16xi32>
    %broadcast_in_dim3A = arith.constant 16 : i32
    %broadcast_in_dim3A_27 = vector.broadcast %broadcast_in_dim3A : i32 to vector<16xi32>
    %broadcast_in_dim3A_28 = arith.constant 0 : i32
    %broadcast_in_dim3A_29 = vector.broadcast %broadcast_in_dim3A_28 : i32 to vector<16xi32>
    %dma_start3A = arith.constant 0 : i32
    %dma_start3A_30 = arith.constant 0 : i32
    %dma_start3A_31 = tpu.memref_slice %arg5[%dma_start3A, %dma_start3A_30] : memref<200x128xi32, #tpu.memory_space<vmem>> -> memref<1x128xi32, #tpu.memory_space<vmem>>
    %dma_start3A_32 = tpu.memref_squeeze %dma_start3A_31 : memref<1x128xi32, #tpu.memory_space<vmem>> -> memref<128xi32, #tpu.memory_space<vmem>>
    %dma_start3A_33 = arith.constant 0 : i32
    %dma_start3A_34 = arith.constant 0 : i32
    %dma_start3A_35 = tpu.memref_slice %arg3[%dma_start3A_33, %dma_start3A_34] : memref<1000000x128xf32, #tpu.memory_space<hbm>> -> memref<1000000x128xf32, #tpu.memory_space<hbm>>
    tpu.enqueue_indirect_dma source(%dma_start3A_35 : memref<1000000x128xf32, #tpu.memory_space<hbm>>) target(%arg6 : memref<128x128xf32, #tpu.memory_space<vmem>>) offsets(%dma_start3A_32 : memref<128xi32, #tpu.memory_space<vmem>>) semaphore(%arg10 : memref<!tpu.dma_semaphore, #tpu.memory_space<semaphore_mem>>)
    %dma_start3A_36 = arith.constant 1 : i32
    %dma_start3A_37 = arith.constant 0 : i32
    %dma_start3A_38 = tpu.memref_slice %arg5[%dma_start3A_36, %dma_start3A_37] : memref<200x128xi32, #tpu.memory_space<vmem>> -> memref<1x128xi32, #tpu.memory_space<vmem>>
    %dma_start3A_39 = tpu.memref_squeeze %dma_start3A_38 : memref<1x128xi32, #tpu.memory_space<vmem>> -> memref<128xi32, #tpu.memory_space<vmem>>
    %dma_start3A_40 = arith.constant 0 : i32
    %dma_start3A_41 = arith.constant 0 : i32
    %dma_start3A_42 = tpu.memref_slice %arg3[%dma_start3A_40, %dma_start3A_41] : memref<1000000x128xf32, #tpu.memory_space<hbm>> -> memref<1000000x128xf32, #tpu.memory_space<hbm>>
    tpu.enqueue_indirect_dma source(%dma_start3A_42 : memref<1000000x128xf32, #tpu.memory_space<hbm>>) target(%arg7 : memref<128x128xf32, #tpu.memory_space<vmem>>) offsets(%dma_start3A_39 : memref<128xi32, #tpu.memory_space<vmem>>) semaphore(%arg11 : memref<!tpu.dma_semaphore, #tpu.memory_space<semaphore_mem>>)
    %scan3A = arith.constant 0 : i32
    %scan3A_43 = arith.constant 0 : i32
    %scan3A_44 = arith.constant 100 : i32
    %scan3A_45 = arith.addi %scan3A_43, %scan3A_44 : i32
    %scan3A_46 = arith.constant 1 : i32
    scf.for %scan3A_69 = %scan3A_43 to %scan3A_45 step %scan3A_46  : i32 {
      %mul3A_70 = arith.constant 2 : i32
      %mul3A_71 = arith.muli %mul3A_70, %scan3A_69 : i32
      %add3A_72 = arith.constant 0 : i32
      %add3A_73 = arith.addi %mul3A_71, %add3A_72 : i32
      %dma_wait3A_74 = arith.constant 0 : i32
      %dma_wait3A_75 = tpu.memref_slice %arg5[%add3A_73, %dma_wait3A_74] : memref<200x128xi32, #tpu.memory_space<vmem>> -> memref<1x128xi32, #tpu.memory_space<vmem>>
      %dma_wait3A_76 = tpu.memref_squeeze %dma_wait3A_75 : memref<1x128xi32, #tpu.memory_space<vmem>> -> memref<128xi32, #tpu.memory_space<vmem>>
      %dma_wait3A_77 = arith.constant 0 : i32
      %dma_wait3A_78 = arith.constant 0 : i32
      %dma_wait3A_79 = tpu.memref_slice %arg3[%dma_wait3A_77, %dma_wait3A_78] : memref<1000000x128xf32, #tpu.memory_space<hbm>> -> memref<1000000x128xf32, #tpu.memory_space<hbm>>
      tpu.wait_indirect_dma semaphore(%arg10 : memref<!tpu.dma_semaphore, #tpu.memory_space<semaphore_mem>>) src(%dma_wait3A_79 : memref<1000000x128xf32, #tpu.memory_space<hbm>>) dst(%arg6 : memref<128x128xf32, #tpu.memory_space<vmem>>)
      %ge3A = arith.constant 2 : i32
      %ge3A_80 = arith.cmpi sge, %add3A_73, %ge3A : i32
      %convert_element_type3A = arith.extui %ge3A_80 : i1 to i32
      %cond3A = arith.constant 0 : i32
      %cond3A_81 = arith.cmpi ne, %convert_element_type3A, %cond3A : i32
      scf.if %cond3A_81 {
        %dma_wait3A_135 = arith.constant 0 : i32
        %dma_wait3A_136 = arith.constant 0 : i32
        %dma_wait3A_137 = arith.constant 0 : i32
        %dma_wait3A_138 = arith.constant 0 : i32
        %dma_wait3A_139 = tpu.memref_slice %arg4[%dma_wait3A_135, %dma_wait3A_136, %add3A, %dma_wait3A_137, %dma_wait3A_138] : memref<200x8x32x8x128xf32, #tpu.memory_space<hbm>> -> memref<1x8x1x8x128xf32, #tpu.memory_space<hbm>>
        %dma_wait3A_140 = tpu.memref_squeeze %dma_wait3A_139 : memref<1x8x1x8x128xf32, #tpu.memory_space<hbm>> -> memref<8x1x8x128xf32, #tpu.memory_space<hbm>>
        %dma_wait3A_141 = arith.constant 0 : i32
        %dma_wait3A_142 = arith.constant 0 : i32
        %dma_wait3A_143 = arith.constant 0 : i32
        %dma_wait3A_144 = tpu.memref_slice %arg4[%dma_wait3A_135, %dma_wait3A_141, %add3A, %dma_wait3A_142, %dma_wait3A_143] : memref<200x8x32x8x128xf32, #tpu.memory_space<hbm>> -> memref<1x8x1x8x128xf32, #tpu.memory_space<hbm>>
        %dma_wait3A_145 = tpu.memref_squeeze %dma_wait3A_144 : memref<1x8x1x8x128xf32, #tpu.memory_space<hbm>> -> memref<8x1x8x128xf32, #tpu.memory_space<hbm>>
        tpu.wait_dma2 semaphore(%arg12 : memref<!tpu.dma_semaphore, #tpu.memory_space<semaphore_mem>>) src(%arg8 : memref<8x1x8x128xf32, #tpu.memory_space<vmem>>) dst(%dma_wait3A_145 : memref<8x1x8x128xf32, #tpu.memory_space<hbm>>)
      } else {
      }
      %parallel_loop3A = arith.constant 0 : i32
      %parallel_loop3A_82 = arith.constant 16 : i32
      %parallel_loop3A_83 = arith.constant 1 : i32
      scf.for %parallel_loop3A_135 = %parallel_loop3A to %parallel_loop3A_82 step %parallel_loop3A_83  : i32 {
        %parallel_loop3A_136 = vector.broadcast %parallel_loop3A_135 : i32 to vector<16xi32>
        %parallel_loop3A_137 = arith.addi %iota3A, %parallel_loop3A_136 : vector<16xi32>
        %parallel_loop3A_138 = arith.remsi %parallel_loop3A_137, %broadcast_in_dim3A_27 : vector<16xi32>
        %parallel_loop3A_139 = arith.constant 0 : i32
        %parallel_loop3A_140 = vector.broadcast %parallel_loop3A_139 : i32 to vector<16xi32>
        %parallel_loop3A_141 = arith.addi %parallel_loop3A_138, %parallel_loop3A_140 : vector<16xi32>
        %parallel_loop3A_142 = arith.constant 3 : i32
        %parallel_loop3A_143 = vector.broadcast %parallel_loop3A_142 : i32 to vector<16xi32>
        %parallel_loop3A_144 = arith.shrui %parallel_loop3A_141, %parallel_loop3A_143 : vector<16xi32>
        %parallel_loop3A_145 = arith.constant 7 : i32
        %parallel_loop3A_146 = vector.broadcast %parallel_loop3A_145 : i32 to vector<16xi32>
        %parallel_loop3A_147 = arith.andi %parallel_loop3A_141, %parallel_loop3A_146 : vector<16xi32>
        %parallel_loop3A_148 = tpu.vector_load_idx %arg6[%add3A_5, %parallel_loop3A_141] : memref<128x128xf32, #tpu.memory_space<vmem>>[vector<16xi32>, vector<16xi32>], vector<16xf32>,
        %parallel_loop3A_149 = arith.constant 8.000000e+00 : f32
        %parallel_loop3A_150 = vector.broadcast %parallel_loop3A_149 : f32 to vector<16xf32>
        %parallel_loop3A_151 = arith.mulf %parallel_loop3A_148, %parallel_loop3A_150 : vector<16xf32>
        tpu.vector_store_idx %arg8[%parallel_loop3A_144, %broadcast_in_dim3A_29, %parallel_loop3A_147, %add3A_5], %parallel_loop3A_151 : memref<8x1x8x128xf32, #tpu.memory_space<vmem>>[vector<16xi32>, vector<16xi32>, vector<16xi32>, vector<16xi32>], vector<16xf32>,
        %parallel_loop3A_152 = tpu.vector_load_idx %arg6[%add3A_8, %parallel_loop3A_141] : memref<128x128xf32, #tpu.memory_space<vmem>>[vector<16xi32>, vector<16xi32>], vector<16xf32>,
        %parallel_loop3A_153 = arith.constant 8.000000e+00 : f32
        %parallel_loop3A_154 = vector.broadcast %parallel_loop3A_153 : f32 to vector<16xf32>
        %parallel_loop3A_155 = arith.mulf %parallel_loop3A_152, %parallel_loop3A_154 : vector<16xf32>
        tpu.vector_store_idx %arg8[%parallel_loop3A_144, %broadcast_in_dim3A_29, %parallel_loop3A_147, %add3A_8], %parallel_loop3A_155 : memref<8x1x8x128xf32, #tpu.memory_space<vmem>>[vector<16xi32>, vector<16xi32>, vector<16xi32>, vector<16xi32>], vector<16xf32>,
        %parallel_loop3A_156 = tpu.vector_load_idx %arg6[%add3A_11, %parallel_loop3A_141] : memref<128x128xf32, #tpu.memory_space<vmem>>[vector<16xi32>, vector<16xi32>], vector<16xf32>,
        %parallel_loop3A_157 = arith.constant 8.000000e+00 : f32
        %parallel_loop3A_158 = vector.broadcast %parallel_loop3A_157 : f32 to vector<16xf32>
        %parallel_loop3A_159 = arith.mulf %parallel_loop3A_156, %parallel_loop3A_158 : vector<16xf32>
        tpu.vector_store_idx %arg8[%parallel_loop3A_144, %broadcast_in_dim3A_29, %parallel_loop3A_147, %add3A_11], %parallel_loop3A_159 : memref<8x1x8x128xf32, #tpu.memory_space<vmem>>[vector<16xi32>, vector<16xi32>, vector<16xi32>, vector<16xi32>], vector<16xf32>,
        %parallel_loop3A_160 = tpu.vector_load_idx %arg6[%add3A_14, %parallel_loop3A_141] : memref<128x128xf32, #tpu.memory_space<vmem>>[vector<16xi32>, vector<16xi32>], vector<16xf32>,
        %parallel_loop3A_161 = arith.constant 8.000000e+00 : f32
        %parallel_loop3A_162 = vector.broadcast %parallel_loop3A_161 : f32 to vector<16xf32>
        %parallel_loop3A_163 = arith.mulf %parallel_loop3A_160, %parallel_loop3A_162 : vector<16xf32>
        tpu.vector_store_idx %arg8[%parallel_loop3A_144, %broadcast_in_dim3A_29, %parallel_loop3A_147, %add3A_14], %parallel_loop3A_163 : memref<8x1x8x128xf32, #tpu.memory_space<vmem>>[vector<16xi32>, vector<16xi32>, vector<16xi32>, vector<16xi32>], vector<16xf32>,
        %parallel_loop3A_164 = tpu.vector_load_idx %arg6[%add3A_17, %parallel_loop3A_141] : memref<128x128xf32, #tpu.memory_space<vmem>>[vector<16xi32>, vector<16xi32>], vector<16xf32>,
        %parallel_loop3A_165 = arith.constant 8.000000e+00 : f32
        %parallel_loop3A_166 = vector.broadcast %parallel_loop3A_165 : f32 to vector<16xf32>
        %parallel_loop3A_167 = arith.mulf %parallel_loop3A_164, %parallel_loop3A_166 : vector<16xf32>
        tpu.vector_store_idx %arg8[%parallel_loop3A_144, %broadcast_in_dim3A_29, %parallel_loop3A_147, %add3A_17], %parallel_loop3A_167 : memref<8x1x8x128xf32, #tpu.memory_space<vmem>>[vector<16xi32>, vector<16xi32>, vector<16xi32>, vector<16xi32>], vector<16xf32>,
        %parallel_loop3A_168 = tpu.vector_load_idx %arg6[%add3A_20, %parallel_loop3A_141] : memref<128x128xf32, #tpu.memory_space<vmem>>[vector<16xi32>, vector<16xi32>], vector<16xf32>,
        %parallel_loop3A_169 = arith.constant 8.000000e+00 : f32
        %parallel_loop3A_170 = vector.broadcast %parallel_loop3A_169 : f32 to vector<16xf32>
        %parallel_loop3A_171 = arith.mulf %parallel_loop3A_168, %parallel_loop3A_170 : vector<16xf32>
        tpu.vector_store_idx %arg8[%parallel_loop3A_144, %broadcast_in_dim3A_29, %parallel_loop3A_147, %add3A_20], %parallel_loop3A_171 : memref<8x1x8x128xf32, #tpu.memory_space<vmem>>[vector<16xi32>, vector<16xi32>, vector<16xi32>, vector<16xi32>], vector<16xf32>,
        %parallel_loop3A_172 = tpu.vector_load_idx %arg6[%add3A_23, %parallel_loop3A_141] : memref<128x128xf32, #tpu.memory_space<vmem>>[vector<16xi32>, vector<16xi32>], vector<16xf32>,
        %parallel_loop3A_173 = arith.constant 8.000000e+00 : f32
        %parallel_loop3A_174 = vector.broadcast %parallel_loop3A_173 : f32 to vector<16xf32>
        %parallel_loop3A_175 = arith.mulf %parallel_loop3A_172, %parallel_loop3A_174 : vector<16xf32>
        tpu.vector_store_idx %arg8[%parallel_loop3A_144, %broadcast_in_dim3A_29, %parallel_loop3A_147, %add3A_23], %parallel_loop3A_175 : memref<8x1x8x128xf32, #tpu.memory_space<vmem>>[vector<16xi32>, vector<16xi32>, vector<16xi32>, vector<16xi32>], vector<16xf32>,
        %parallel_loop3A_176 = tpu.vector_load_idx %arg6[%add3A_26, %parallel_loop3A_141] : memref<128x128xf32, #tpu.memory_space<vmem>>[vector<16xi32>, vector<16xi32>], vector<16xf32>,
        %parallel_loop3A_177 = arith.constant 8.000000e+00 : f32
        %parallel_loop3A_178 = vector.broadcast %parallel_loop3A_177 : f32 to vector<16xf32>
        %parallel_loop3A_179 = arith.mulf %parallel_loop3A_176, %parallel_loop3A_178 : vector<16xf32>
        tpu.vector_store_idx %arg8[%parallel_loop3A_144, %broadcast_in_dim3A_29, %parallel_loop3A_147, %add3A_26], %parallel_loop3A_179 : memref<8x1x8x128xf32, #tpu.memory_space<vmem>>[vector<16xi32>, vector<16xi32>, vector<16xi32>, vector<16xi32>], vector<16xf32>,
        %parallel_loop3A_180 = arith.constant 16 : i32
        %parallel_loop3A_181 = vector.broadcast %parallel_loop3A_180 : i32 to vector<16xi32>
        %parallel_loop3A_182 = arith.addi %parallel_loop3A_138, %parallel_loop3A_181 : vector<16xi32>
        %parallel_loop3A_183 = arith.constant 3 : i32
        %parallel_loop3A_184 = vector.broadcast %parallel_loop3A_183 : i32 to vector<16xi32>
        %parallel_loop3A_185 = arith.shrui %parallel_loop3A_182, %parallel_loop3A_184 : vector<16xi32>
        %parallel_loop3A_186 = arith.constant 7 : i32
        %parallel_loop3A_187 = vector.broadcast %parallel_loop3A_186 : i32 to vector<16xi32>
        %parallel_loop3A_188 = arith.andi %parallel_loop3A_182, %parallel_loop3A_187 : vector<16xi32>
        %parallel_loop3A_189 = tpu.vector_load_idx %arg6[%add3A_5, %parallel_loop3A_182] : memref<128x128xf32, #tpu.memory_space<vmem>>[vector<16xi32>, vector<16xi32>], vector<16xf32>,
        %parallel_loop3A_190 = arith.constant 8.000000e+00 : f32
        %parallel_loop3A_191 = vector.broadcast %parallel_loop3A_190 : f32 to vector<16xf32>
        %parallel_loop3A_192 = arith.mulf %parallel_loop3A_189, %parallel_loop3A_191 : vector<16xf32>
        tpu.vector_store_idx %arg8[%parallel_loop3A_185, %broadcast_in_dim3A_29, %parallel_loop3A_188, %add3A_5], %parallel_loop3A_192 : memref<8x1x8x128xf32, #tpu.memory_space<vmem>>[vector<16xi32>, vector<16xi32>, vector<16xi32>, vector<16xi32>], vector<16xf32>,
        %parallel_loop3A_193 = tpu.vector_load_idx %arg6[%add3A_8, %parallel_loop3A_182] : memref<128x128xf32, #tpu.memory_space<vmem>>[vector<16xi32>, vector<16xi32>], vector<16xf32>,
        %parallel_loop3A_194 = arith.constant 8.000000e+00 : f32
        %parallel_loop3A_195 = vector.broadcast %parallel_loop3A_194 : f32 to vector<16xf32>
        %parallel_loop3A_196 = arith.mulf %parallel_loop3A_193, %parallel_loop3A_195 : vector<16xf32>
        tpu.vector_store_idx %arg8[%parallel_loop3A_185, %broadcast_in_dim3A_29, %parallel_loop3A_188, %add3A_8], %parallel_loop3A_196 : memref<8x1x8x128xf32, #tpu.memory_space<vmem>>[vector<16xi32>, vector<16xi32>, vector<16xi32>, vector<16xi32>], vector<16xf32>,
        %parallel_loop3A_197 = tpu.vector_load_idx %arg6[%add3A_11, %parallel_loop3A_182] : memref<128x128xf32, #tpu.memory_space<vmem>>[vector<16xi32>, vector<16xi32>], vector<16xf32>,
        %parallel_loop3A_198 = arith.constant 8.000000e+00 : f32
        %parallel_loop3A_199 = vector.broadcast %parallel_loop3A_198 : f32 to vector<16xf32>
        %parallel_loop3A_200 = arith.mulf %parallel_loop3A_197, %parallel_loop3A_199 : vector<16xf32>
        tpu.vector_store_idx %arg8[%parallel_loop3A_185, %broadcast_in_dim3A_29, %parallel_loop3A_188, %add3A_11], %parallel_loop3A_200 : memref<8x1x8x128xf32, #tpu.memory_space<vmem>>[vector<16xi32>, vector<16xi32>, vector<16xi32>, vector<16xi32>], vector<16xf32>,
        %parallel_loop3A_201 = tpu.vector_load_idx %arg6[%add3A_14, %parallel_loop3A_182] : memref<128x128xf32, #tpu.memory_space<vmem>>[vector<16xi32>, vector<16xi32>], vector<16xf32>,
        %parallel_loop3A_202 = arith.constant 8.000000e+00 : f32
        %parallel_loop3A_203 = vector.broadcast %parallel_loop3A_202 : f32 to vector<16xf32>
        %parallel_loop3A_204 = arith.mulf %parallel_loop3A_201, %parallel_loop3A_203 : vector<16xf32>
        tpu.vector_store_idx %arg8[%parallel_loop3A_185, %broadcast_in_dim3A_29, %parallel_loop3A_188, %add3A_14], %parallel_loop3A_204 : memref<8x1x8x128xf32, #tpu.memory_space<vmem>>[vector<16xi32>, vector<16xi32>, vector<16xi32>, vector<16xi32>], vector<16xf32>,
        %parallel_loop3A_205 = tpu.vector_load_idx %arg6[%add3A_17, %parallel_loop3A_182] : memref<128x128xf32, #tpu.memory_space<vmem>>[vector<16xi32>, vector<16xi32>], vector<16xf32>,
        %parallel_loop3A_206 = arith.constant 8.000000e+00 : f32
        %parallel_loop3A_207 = vector.broadcast %parallel_loop3A_206 : f32 to vector<16xf32>
        %parallel_loop3A_208 = arith.mulf %parallel_loop3A_205, %parallel_loop3A_207 : vector<16xf32>
        tpu.vector_store_idx %arg8[%parallel_loop3A_185, %broadcast_in_dim3A_29, %parallel_loop3A_188, %add3A_17], %parallel_loop3A_208 : memref<8x1x8x128xf32, #tpu.memory_space<vmem>>[vector<16xi32>, vector<16xi32>, vector<16xi32>, vector<16xi32>], vector<16xf32>,
        %parallel_loop3A_209 = tpu.vector_load_idx %arg6[%add3A_20, %parallel_loop3A_182] : memref<128x128xf32, #tpu.memory_space<vmem>>[vector<16xi32>, vector<16xi32>], vector<16xf32>,
        %parallel_loop3A_210 = arith.constant 8.000000e+00 : f32
        %parallel_loop3A_211 = vector.broadcast %parallel_loop3A_210 : f32 to vector<16xf32>
        %parallel_loop3A_212 = arith.mulf %parallel_loop3A_209, %parallel_loop3A_211 : vector<16xf32>
        tpu.vector_store_idx %arg8[%parallel_loop3A_185, %broadcast_in_dim3A_29, %parallel_loop3A_188, %add3A_20], %parallel_loop3A_212 : memref<8x1x8x128xf32, #tpu.memory_space<vmem>>[vector<16xi32>, vector<16xi32>, vector<16xi32>, vector<16xi32>], vector<16xf32>,
        %parallel_loop3A_213 = tpu.vector_load_idx %arg6[%add3A_23, %parallel_loop3A_182] : memref<128x128xf32, #tpu.memory_space<vmem>>[vector<16xi32>, vector<16xi32>], vector<16xf32>,
        %parallel_loop3A_214 = arith.constant 8.000000e+00 : f32
        %parallel_loop3A_215 = vector.broadcast %parallel_loop3A_214 : f32 to vector<16xf32>
        %parallel_loop3A_216 = arith.mulf %parallel_loop3A_213, %parallel_loop3A_215 : vector<16xf32>
        tpu.vector_store_idx %arg8[%parallel_loop3A_185, %broadcast_in_dim3A_29, %parallel_loop3A_188, %add3A_23], %parallel_loop3A_216 : memref<8x1x8x128xf32, #tpu.memory_space<vmem>>[vector<16xi32>, vector<16xi32>, vector<16xi32>, vector<16xi32>], vector<16xf32>,
        %parallel_loop3A_217 = tpu.vector_load_idx %arg6[%add3A_26, %parallel_loop3A_182] : memref<128x128xf32, #tpu.memory_space<vmem>>[vector<16xi32>, vector<16xi32>], vector<16xf32>,
        %parallel_loop3A_218 = arith.constant 8.000000e+00 : f32
        %parallel_loop3A_219 = vector.broadcast %parallel_loop3A_218 : f32 to vector<16xf32>
        %parallel_loop3A_220 = arith.mulf %parallel_loop3A_217, %parallel_loop3A_219 : vector<16xf32>
        tpu.vector_store_idx %arg8[%parallel_loop3A_185, %broadcast_in_dim3A_29, %parallel_loop3A_188, %add3A_26], %parallel_loop3A_220 : memref<8x1x8x128xf32, #tpu.memory_space<vmem>>[vector<16xi32>, vector<16xi32>, vector<16xi32>, vector<16xi32>], vector<16xf32>,
        %parallel_loop3A_221 = arith.constant 32 : i32
        %parallel_loop3A_222 = vector.broadcast %parallel_loop3A_221 : i32 to vector<16xi32>
        %parallel_loop3A_223 = arith.addi %parallel_loop3A_138, %parallel_loop3A_222 : vector<16xi32>
        %parallel_loop3A_224 = arith.constant 3 : i32
        %parallel_loop3A_225 = vector.broadcast %parallel_loop3A_224 : i32 to vector<16xi32>
        %parallel_loop3A_226 = arith.shrui %parallel_loop3A_223, %parallel_loop3A_225 : vector<16xi32>
        %parallel_loop3A_227 = arith.constant 7 : i32
        %parallel_loop3A_228 = vector.broadcast %parallel_loop3A_227 : i32 to vector<16xi32>
        %parallel_loop3A_229 = arith.andi %parallel_loop3A_223, %parallel_loop3A_228 : vector<16xi32>
        %parallel_loop3A_230 = tpu.vector_load_idx %arg6[%add3A_5, %parallel_loop3A_223] : memref<128x128xf32, #tpu.memory_space<vmem>>[vector<16xi32>, vector<16xi32>], vector<16xf32>,
        %parallel_loop3A_231 = arith.constant 8.000000e+00 : f32
        %parallel_loop3A_232 = vector.broadcast %parallel_loop3A_231 : f32 to vector<16xf32>
        %parallel_loop3A_233 = arith.mulf %parallel_loop3A_230, %parallel_loop3A_232 : vector<16xf32>
        tpu.vector_store_idx %arg8[%parallel_loop3A_226, %broadcast_in_dim3A_29, %parallel_loop3A_229, %add3A_5], %parallel_loop3A_233 : memref<8x1x8x128xf32, #tpu.memory_space<vmem>>[vector<16xi32>, vector<16xi32>, vector<16xi32>, vector<16xi32>], vector<16xf32>,
        %parallel_loop3A_234 = tpu.vector_load_idx %arg6[%add3A_8, %parallel_loop3A_223] : memref<128x128xf32, #tpu.memory_space<vmem>>[vector<16xi32>, vector<16xi32>], vector<16xf32>,
        %parallel_loop3A_235 = arith.constant 8.000000e+00 : f32
        %parallel_loop3A_236 = vector.broadcast %parallel_loop3A_235 : f32 to vector<16xf32>
        %parallel_loop3A_237 = arith.mulf %parallel_loop3A_234, %parallel_loop3A_236 : vector<16xf32>
        tpu.vector_store_idx %arg8[%parallel_loop3A_226, %broadcast_in_dim3A_29, %parallel_loop3A_229, %add3A_8], %parallel_loop3A_237 : memref<8x1x8x128xf32, #tpu.memory_space<vmem>>[vector<16xi32>, vector<16xi32>, vector<16xi32>, vector<16xi32>], vector<16xf32>,
        %parallel_loop3A_238 = tpu.vector_load_idx %arg6[%add3A_11, %parallel_loop3A_223] : memref<128x128xf32, #tpu.memory_space<vmem>>[vector<16xi32>, vector<16xi32>], vector<16xf32>,
        %parallel_loop3A_239 = arith.constant 8.000000e+00 : f32
        %parallel_loop3A_240 = vector.broadcast %parallel_loop3A_239 : f32 to vector<16xf32>
        %parallel_loop3A_241 = arith.mulf %parallel_loop3A_238, %parallel_loop3A_240 : vector<16xf32>
        tpu.vector_store_idx %arg8[%parallel_loop3A_226, %broadcast_in_dim3A_29, %parallel_loop3A_229, %add3A_11], %parallel_loop3A_241 : memref<8x1x8x128xf32, #tpu.memory_space<vmem>>[vector<16xi32>, vector<16xi32>, vector<16xi32>, vector<16xi32>], vector<16xf32>,
        %parallel_loop3A_242 = tpu.vector_load_idx %arg6[%add3A_14, %parallel_loop3A_223] : memref<128x128xf32, #tpu.memory_space<vmem>>[vector<16xi32>, vector<16xi32>], vector<16xf32>,
        %parallel_loop3A_243 = arith.constant 8.000000e+00 : f32
        %parallel_loop3A_244 = vector.broadcast %parallel_loop3A_243 : f32 to vector<16xf32>
        %parallel_loop3A_245 = arith.mulf %parallel_loop3A_242, %parallel_loop3A_244 : vector<16xf32>
        tpu.vector_store_idx %arg8[%parallel_loop3A_226, %broadcast_in_dim3A_29, %parallel_loop3A_229, %add3A_14], %parallel_loop3A_245 : memref<8x1x8x128xf32, #tpu.memory_space<vmem>>[vector<16xi32>, vector<16xi32>, vector<16xi32>, vector<16xi32>], vector<16xf32>,
        %parallel_loop3A_246 = tpu.vector_load_idx %arg6[%add3A_17, %parallel_loop3A_223] : memref<128x128xf32, #tpu.memory_space<vmem>>[vector<16xi32>, vector<16xi32>], vector<16xf32>,
        %parallel_loop3A_247 = arith.constant 8.000000e+00 : f32
        %parallel_loop3A_248 = vector.broadcast %parallel_loop3A_247 : f32 to vector<16xf32>
        %parallel_loop3A_249 = arith.mulf %parallel_loop3A_246, %parallel_loop3A_248 : vector<16xf32>
        tpu.vector_store_idx %arg8[%parallel_loop3A_226, %broadcast_in_dim3A_29, %parallel_loop3A_229, %add3A_17], %parallel_loop3A_249 : memref<8x1x8x128xf32, #tpu.memory_space<vmem>>[vector<16xi32>, vector<16xi32>, vector<16xi32>, vector<16xi32>], vector<16xf32>,
        %parallel_loop3A_250 = tpu.vector_load_idx %arg6[%add3A_20, %parallel_loop3A_223] : memref<128x128xf32, #tpu.memory_space<vmem>>[vector<16xi32>, vector<16xi32>], vector<16xf32>,
        %parallel_loop3A_251 = arith.constant 8.000000e+00 : f32
        %parallel_loop3A_252 = vector.broadcast %parallel_loop3A_251 : f32 to vector<16xf32>
        %parallel_loop3A_253 = arith.mulf %parallel_loop3A_250, %parallel_loop3A_252 : vector<16xf32>
        tpu.vector_store_idx %arg8[%parallel_loop3A_226, %broadcast_in_dim3A_29, %parallel_loop3A_229, %add3A_20], %parallel_loop3A_253 : memref<8x1x8x128xf32, #tpu.memory_space<vmem>>[vector<16xi32>, vector<16xi32>, vector<16xi32>, vector<16xi32>], vector<16xf32>,
        %parallel_loop3A_254 = tpu.vector_load_idx %arg6[%add3A_23, %parallel_loop3A_223] : memref<128x128xf32, #tpu.memory_space<vmem>>[vector<16xi32>, vector<16xi32>], vector<16xf32>,
        %parallel_loop3A_255 = arith.constant 8.000000e+00 : f32
        %parallel_loop3A_256 = vector.broadcast %parallel_loop3A_255 : f32 to vector<16xf32>
        %parallel_loop3A_257 = arith.mulf %parallel_loop3A_254, %parallel_loop3A_256 : vector<16xf32>
        tpu.vector_store_idx %arg8[%parallel_loop3A_226, %broadcast_in_dim3A_29, %parallel_loop3A_229, %add3A_23], %parallel_loop3A_257 : memref<8x1x8x128xf32, #tpu.memory_space<vmem>>[vector<16xi32>, vector<16xi32>, vector<16xi32>, vector<16xi32>], vector<16xf32>,
        %parallel_loop3A_258 = tpu.vector_load_idx %arg6[%add3A_26, %parallel_loop3A_223] : memref<128x128xf32, #tpu.memory_space<vmem>>[vector<16xi32>, vector<16xi32>], vector<16xf32>,
        %parallel_loop3A_259 = arith.constant 8.000000e+00 : f32
        %parallel_loop3A_260 = vector.broadcast %parallel_loop3A_259 : f32 to vector<16xf32>
        %parallel_loop3A_261 = arith.mulf %parallel_loop3A_258, %parallel_loop3A_260 : vector<16xf32>
        tpu.vector_store_idx %arg8[%parallel_loop3A_226, %broadcast_in_dim3A_29, %parallel_loop3A_229, %add3A_26], %parallel_loop3A_261 : memref<8x1x8x128xf32, #tpu.memory_space<vmem>>[vector<16xi32>, vector<16xi32>, vector<16xi32>, vector<16xi32>], vector<16xf32>,
        %parallel_loop3A_262 = arith.constant 48 : i32
        %parallel_loop3A_263 = vector.broadcast %parallel_loop3A_262 : i32 to vector<16xi32>
        %parallel_loop3A_264 = arith.addi %parallel_loop3A_138, %parallel_loop3A_263 : vector<16xi32>
        %parallel_loop3A_265 = arith.constant 3 : i32
        %parallel_loop3A_266 = vector.broadcast %parallel_loop3A_265 : i32 to vector<16xi32>
        %parallel_loop3A_267 = arith.shrui %parallel_loop3A_264, %parallel_loop3A_266 : vector<16xi32>
        %parallel_loop3A_268 = arith.constant 7 : i32
        %parallel_loop3A_269 = vector.broadcast %parallel_loop3A_268 : i32 to vector<16xi32>
        %parallel_loop3A_270 = arith.andi %parallel_loop3A_264, %parallel_loop3A_269 : vector<16xi32>
        %parallel_loop3A_271 = tpu.vector_load_idx %arg6[%add3A_5, %parallel_loop3A_264] : memref<128x128xf32, #tpu.memory_space<vmem>>[vector<16xi32>, vector<16xi32>], vector<16xf32>,
        %parallel_loop3A_272 = arith.constant 8.000000e+00 : f32
        %parallel_loop3A_273 = vector.broadcast %parallel_loop3A_272 : f32 to vector<16xf32>
        %parallel_loop3A_274 = arith.mulf %parallel_loop3A_271, %parallel_loop3A_273 : vector<16xf32>
        tpu.vector_store_idx %arg8[%parallel_loop3A_267, %broadcast_in_dim3A_29, %parallel_loop3A_270, %add3A_5], %parallel_loop3A_274 : memref<8x1x8x128xf32, #tpu.memory_space<vmem>>[vector<16xi32>, vector<16xi32>, vector<16xi32>, vector<16xi32>], vector<16xf32>,
        %parallel_loop3A_275 = tpu.vector_load_idx %arg6[%add3A_8, %parallel_loop3A_264] : memref<128x128xf32, #tpu.memory_space<vmem>>[vector<16xi32>, vector<16xi32>], vector<16xf32>,
        %parallel_loop3A_276 = arith.constant 8.000000e+00 : f32
        %parallel_loop3A_277 = vector.broadcast %parallel_loop3A_276 : f32 to vector<16xf32>
        %parallel_loop3A_278 = arith.mulf %parallel_loop3A_275, %parallel_loop3A_277 : vector<16xf32>
        tpu.vector_store_idx %arg8[%parallel_loop3A_267, %broadcast_in_dim3A_29, %parallel_loop3A_270, %add3A_8], %parallel_loop3A_278 : memref<8x1x8x128xf32, #tpu.memory_space<vmem>>[vector<16xi32>, vector<16xi32>, vector<16xi32>, vector<16xi32>], vector<16xf32>,
        %parallel_loop3A_279 = tpu.vector_load_idx %arg6[%add3A_11, %parallel_loop3A_264] : memref<128x128xf32, #tpu.memory_space<vmem>>[vector<16xi32>, vector<16xi32>], vector<16xf32>,
        %parallel_loop3A_280 = arith.constant 8.000000e+00 : f32
        %parallel_loop3A_281 = vector.broadcast %parallel_loop3A_280 : f32 to vector<16xf32>
        %parallel_loop3A_282 = arith.mulf %parallel_loop3A_279, %parallel_loop3A_281 : vector<16xf32>
        tpu.vector_store_idx %arg8[%parallel_loop3A_267, %broadcast_in_dim3A_29, %parallel_loop3A_270, %add3A_11], %parallel_loop3A_282 : memref<8x1x8x128xf32, #tpu.memory_space<vmem>>[vector<16xi32>, vector<16xi32>, vector<16xi32>, vector<16xi32>], vector<16xf32>,
        %parallel_loop3A_283 = tpu.vector_load_idx %arg6[%add3A_14, %parallel_loop3A_264] : memref<128x128xf32, #tpu.memory_space<vmem>>[vector<16xi32>, vector<16xi32>], vector<16xf32>,
        %parallel_loop3A_284 = arith.constant 8.000000e+00 : f32
        %parallel_loop3A_285 = vector.broadcast %parallel_loop3A_284 : f32 to vector<16xf32>
        %parallel_loop3A_286 = arith.mulf %parallel_loop3A_283, %parallel_loop3A_285 : vector<16xf32>
        tpu.vector_store_idx %arg8[%parallel_loop3A_267, %broadcast_in_dim3A_29, %parallel_loop3A_270, %add3A_14], %parallel_loop3A_286 : memref<8x1x8x128xf32, #tpu.memory_space<vmem>>[vector<16xi32>, vector<16xi32>, vector<16xi32>, vector<16xi32>], vector<16xf32>,
        %parallel_loop3A_287 = tpu.vector_load_idx %arg6[%add3A_17, %parallel_loop3A_264] : memref<128x128xf32, #tpu.memory_space<vmem>>[vector<16xi32>, vector<16xi32>], vector<16xf32>,
        %parallel_loop3A_288 = arith.constant 8.000000e+00 : f32
        %parallel_loop3A_289 = vector.broadcast %parallel_loop3A_288 : f32 to vector<16xf32>
        %parallel_loop3A_290 = arith.mulf %parallel_loop3A_287, %parallel_loop3A_289 : vector<16xf32>
        tpu.vector_store_idx %arg8[%parallel_loop3A_267, %broadcast_in_dim3A_29, %parallel_loop3A_270, %add3A_17], %parallel_loop3A_290 : memref<8x1x8x128xf32, #tpu.memory_space<vmem>>[vector<16xi32>, vector<16xi32>, vector<16xi32>, vector<16xi32>], vector<16xf32>,
        %parallel_loop3A_291 = tpu.vector_load_idx %arg6[%add3A_20, %parallel_loop3A_264] : memref<128x128xf32, #tpu.memory_space<vmem>>[vector<16xi32>, vector<16xi32>], vector<16xf32>,
        %parallel_loop3A_292 = arith.constant 8.000000e+00 : f32
        %parallel_loop3A_293 = vector.broadcast %parallel_loop3A_292 : f32 to vector<16xf32>
        %parallel_loop3A_294 = arith.mulf %parallel_loop3A_291, %parallel_loop3A_293 : vector<16xf32>
        tpu.vector_store_idx %arg8[%parallel_loop3A_267, %broadcast_in_dim3A_29, %parallel_loop3A_270, %add3A_20], %parallel_loop3A_294 : memref<8x1x8x128xf32, #tpu.memory_space<vmem>>[vector<16xi32>, vector<16xi32>, vector<16xi32>, vector<16xi32>], vector<16xf32>,
        %parallel_loop3A_295 = tpu.vector_load_idx %arg6[%add3A_23, %parallel_loop3A_264] : memref<128x128xf32, #tpu.memory_space<vmem>>[vector<16xi32>, vector<16xi32>], vector<16xf32>,
        %parallel_loop3A_296 = arith.constant 8.000000e+00 : f32
        %parallel_loop3A_297 = vector.broadcast %parallel_loop3A_296 : f32 to vector<16xf32>
        %parallel_loop3A_298 = arith.mulf %parallel_loop3A_295, %parallel_loop3A_297 : vector<16xf32>
        tpu.vector_store_idx %arg8[%parallel_loop3A_267, %broadcast_in_dim3A_29, %parallel_loop3A_270, %add3A_23], %parallel_loop3A_298 : memref<8x1x8x128xf32, #tpu.memory_space<vmem>>[vector<16xi32>, vector<16xi32>, vector<16xi32>, vector<16xi32>], vector<16xf32>,
        %parallel_loop3A_299 = tpu.vector_load_idx %arg6[%add3A_26, %parallel_loop3A_264] : memref<128x128xf32, #tpu.memory_space<vmem>>[vector<16xi32>, vector<16xi32>], vector<16xf32>,
        %parallel_loop3A_300 = arith.constant 8.000000e+00 : f32
        %parallel_loop3A_301 = vector.broadcast %parallel_loop3A_300 : f32 to vector<16xf32>
        %parallel_loop3A_302 = arith.mulf %parallel_loop3A_299, %parallel_loop3A_301 : vector<16xf32>
        tpu.vector_store_idx %arg8[%parallel_loop3A_267, %broadcast_in_dim3A_29, %parallel_loop3A_270, %add3A_26], %parallel_loop3A_302 : memref<8x1x8x128xf32, #tpu.memory_space<vmem>>[vector<16xi32>, vector<16xi32>, vector<16xi32>, vector<16xi32>], vector<16xf32>,
      } {sc.loop_unroll_factor = 2 : i64, sc.parallel_access}
      %dma_start3A_84 = arith.constant 0 : i32
      %dma_start3A_85 = arith.constant 0 : i32
      %dma_start3A_86 = arith.constant 0 : i32
      %dma_start3A_87 = tpu.memref_slice %arg4[%add3A_73, %dma_start3A_84, %add3A, %dma_start3A_85, %dma_start3A_86] : memref<200x8x32x8x128xf32, #tpu.memory_space<hbm>> -> memref<1x8x1x8x128xf32, #tpu.memory_space<hbm>>
      %dma_start3A_88 = tpu.memref_squeeze %dma_start3A_87 : memref<1x8x1x8x128xf32, #tpu.memory_space<hbm>> -> memref<8x1x8x128xf32, #tpu.memory_space<hbm>>
      %dma_start3A_89 = arith.constant 0 : i32
      %dma_start3A_90 = arith.constant 0 : i32
      %dma_start3A_91 = arith.constant 0 : i32
      %dma_start3A_92 = tpu.memref_slice %arg4[%add3A_73, %dma_start3A_89, %add3A, %dma_start3A_90, %dma_start3A_91] : memref<200x8x32x8x128xf32, #tpu.memory_space<hbm>> -> memref<1x8x1x8x128xf32, #tpu.memory_space<hbm>>
      %dma_start3A_93 = tpu.memref_squeeze %dma_start3A_92 : memref<1x8x1x8x128xf32, #tpu.memory_space<hbm>> -> memref<8x1x8x128xf32, #tpu.memory_space<hbm>>
      tpu.enqueue_dma source(%arg8 : memref<8x1x8x128xf32, #tpu.memory_space<vmem>>) target(%dma_start3A_93 : memref<8x1x8x128xf32, #tpu.memory_space<hbm>>) target_semaphore(%arg12 : memref<!tpu.dma_semaphore, #tpu.memory_space<semaphore_mem>>)
      %add3A_94 = arith.constant 2 : i32
      %add3A_95 = arith.addi %add3A_73, %add3A_94 : i32
      %lt3A = arith.constant 200 : i32
      %lt3A_96 = arith.cmpi slt, %add3A_95, %lt3A : i32
      %convert_element_type3A_97 = arith.extui %lt3A_96 : i1 to i32
      %cond3A_98 = arith.constant 0 : i32
      %cond3A_99 = arith.cmpi ne, %convert_element_type3A_97, %cond3A_98 : i32
      scf.if %cond3A_99 {
        %add3A_135 = arith.constant 2 : i32
        %add3A_136 = arith.addi %add3A_73, %add3A_135 : i32
        %dma_start3A_137 = arith.constant 0 : i32
        %dma_start3A_138 = tpu.memref_slice %arg5[%add3A_136, %dma_start3A_137] : memref<200x128xi32, #tpu.memory_space<vmem>> -> memref<1x128xi32, #tpu.memory_space<vmem>>
        %dma_start3A_139 = tpu.memref_squeeze %dma_start3A_138 : memref<1x128xi32, #tpu.memory_space<vmem>> -> memref<128xi32, #tpu.memory_space<vmem>>
        %dma_start3A_140 = arith.constant 0 : i32
        %dma_start3A_141 = arith.constant 0 : i32
        %dma_start3A_142 = tpu.memref_slice %arg3[%dma_start3A_140, %dma_start3A_141] : memref<1000000x128xf32, #tpu.memory_space<hbm>> -> memref<1000000x128xf32, #tpu.memory_space<hbm>>
        tpu.enqueue_indirect_dma source(%dma_start3A_142 : memref<1000000x128xf32, #tpu.memory_space<hbm>>) target(%arg6 : memref<128x128xf32, #tpu.memory_space<vmem>>) offsets(%dma_start3A_139 : memref<128xi32, #tpu.memory_space<vmem>>) semaphore(%arg10 : memref<!tpu.dma_semaphore, #tpu.memory_space<semaphore_mem>>)
      } else {
      }
      %mul3A_100 = arith.constant 2 : i32
      %mul3A_101 = arith.muli %mul3A_100, %scan3A_69 : i32
      %add3A_102 = arith.constant 1 : i32
      %add3A_103 = arith.addi %mul3A_101, %add3A_102 : i32
      %dma_wait3A_104 = arith.constant 0 : i32
      %dma_wait3A_105 = tpu.memref_slice %arg5[%add3A_103, %dma_wait3A_104] : memref<200x128xi32, #tpu.memory_space<vmem>> -> memref<1x128xi32, #tpu.memory_space<vmem>>
      %dma_wait3A_106 = tpu.memref_squeeze %dma_wait3A_105 : memref<1x128xi32, #tpu.memory_space<vmem>> -> memref<128xi32, #tpu.memory_space<vmem>>
      %dma_wait3A_107 = arith.constant 0 : i32
      %dma_wait3A_108 = arith.constant 0 : i32
      %dma_wait3A_109 = tpu.memref_slice %arg3[%dma_wait3A_107, %dma_wait3A_108] : memref<1000000x128xf32, #tpu.memory_space<hbm>> -> memref<1000000x128xf32, #tpu.memory_space<hbm>>
      tpu.wait_indirect_dma semaphore(%arg11 : memref<!tpu.dma_semaphore, #tpu.memory_space<semaphore_mem>>) src(%dma_wait3A_109 : memref<1000000x128xf32, #tpu.memory_space<hbm>>) dst(%arg7 : memref<128x128xf32, #tpu.memory_space<vmem>>)
      %ge3A_110 = arith.constant 2 : i32
      %ge3A_111 = arith.cmpi sge, %add3A_103, %ge3A_110 : i32
      %convert_element_type3A_112 = arith.extui %ge3A_111 : i1 to i32
      %cond3A_113 = arith.constant 0 : i32
      %cond3A_114 = arith.cmpi ne, %convert_element_type3A_112, %cond3A_113 : i32
      scf.if %cond3A_114 {
        %dma_wait3A_135 = arith.constant 0 : i32
        %dma_wait3A_136 = arith.constant 0 : i32
        %dma_wait3A_137 = arith.constant 0 : i32
        %dma_wait3A_138 = arith.constant 0 : i32
        %dma_wait3A_139 = tpu.memref_slice %arg4[%dma_wait3A_135, %dma_wait3A_136, %add3A, %dma_wait3A_137, %dma_wait3A_138] : memref<200x8x32x8x128xf32, #tpu.memory_space<hbm>> -> memref<1x8x1x8x128xf32, #tpu.memory_space<hbm>>
        %dma_wait3A_140 = tpu.memref_squeeze %dma_wait3A_139 : memref<1x8x1x8x128xf32, #tpu.memory_space<hbm>> -> memref<8x1x8x128xf32, #tpu.memory_space<hbm>>
        %dma_wait3A_141 = arith.constant 0 : i32
        %dma_wait3A_142 = arith.constant 0 : i32
        %dma_wait3A_143 = arith.constant 0 : i32
        %dma_wait3A_144 = tpu.memref_slice %arg4[%dma_wait3A_135, %dma_wait3A_141, %add3A, %dma_wait3A_142, %dma_wait3A_143] : memref<200x8x32x8x128xf32, #tpu.memory_space<hbm>> -> memref<1x8x1x8x128xf32, #tpu.memory_space<hbm>>
        %dma_wait3A_145 = tpu.memref_squeeze %dma_wait3A_144 : memref<1x8x1x8x128xf32, #tpu.memory_space<hbm>> -> memref<8x1x8x128xf32, #tpu.memory_space<hbm>>
        tpu.wait_dma2 semaphore(%arg13 : memref<!tpu.dma_semaphore, #tpu.memory_space<semaphore_mem>>) src(%arg9 : memref<8x1x8x128xf32, #tpu.memory_space<vmem>>) dst(%dma_wait3A_145 : memref<8x1x8x128xf32, #tpu.memory_space<hbm>>)
      } else {
      }
      %parallel_loop3A_115 = arith.constant 0 : i32
      %parallel_loop3A_116 = arith.constant 16 : i32
      %parallel_loop3A_117 = arith.constant 1 : i32
      scf.for %parallel_loop3A_135 = %parallel_loop3A_115 to %parallel_loop3A_116 step %parallel_loop3A_117  : i32 {
        %parallel_loop3A_136 = vector.broadcast %parallel_loop3A_135 : i32 to vector<16xi32>
        %parallel_loop3A_137 = arith.addi %iota3A, %parallel_loop3A_136 : vector<16xi32>
        %parallel_loop3A_138 = arith.remsi %parallel_loop3A_137, %broadcast_in_dim3A_27 : vector<16xi32>
        %parallel_loop3A_139 = arith.constant 0 : i32
        %parallel_loop3A_140 = vector.broadcast %parallel_loop3A_139 : i32 to vector<16xi32>
        %parallel_loop3A_141 = arith.addi %parallel_loop3A_138, %parallel_loop3A_140 : vector<16xi32>
        %parallel_loop3A_142 = arith.constant 3 : i32
        %parallel_loop3A_143 = vector.broadcast %parallel_loop3A_142 : i32 to vector<16xi32>
        %parallel_loop3A_144 = arith.shrui %parallel_loop3A_141, %parallel_loop3A_143 : vector<16xi32>
        %parallel_loop3A_145 = arith.constant 7 : i32
        %parallel_loop3A_146 = vector.broadcast %parallel_loop3A_145 : i32 to vector<16xi32>
        %parallel_loop3A_147 = arith.andi %parallel_loop3A_141, %parallel_loop3A_146 : vector<16xi32>
        %parallel_loop3A_148 = tpu.vector_load_idx %arg7[%add3A_5, %parallel_loop3A_141] : memref<128x128xf32, #tpu.memory_space<vmem>>[vector<16xi32>, vector<16xi32>], vector<16xf32>,
        %parallel_loop3A_149 = arith.constant 8.000000e+00 : f32
        %parallel_loop3A_150 = vector.broadcast %parallel_loop3A_149 : f32 to vector<16xf32>
        %parallel_loop3A_151 = arith.mulf %parallel_loop3A_148, %parallel_loop3A_150 : vector<16xf32>
        tpu.vector_store_idx %arg9[%parallel_loop3A_144, %broadcast_in_dim3A_29, %parallel_loop3A_147, %add3A_5], %parallel_loop3A_151 : memref<8x1x8x128xf32, #tpu.memory_space<vmem>>[vector<16xi32>, vector<16xi32>, vector<16xi32>, vector<16xi32>], vector<16xf32>,
        %parallel_loop3A_152 = tpu.vector_load_idx %arg7[%add3A_8, %parallel_loop3A_141] : memref<128x128xf32, #tpu.memory_space<vmem>>[vector<16xi32>, vector<16xi32>], vector<16xf32>,
        %parallel_loop3A_153 = arith.constant 8.000000e+00 : f32
        %parallel_loop3A_154 = vector.broadcast %parallel_loop3A_153 : f32 to vector<16xf32>
        %parallel_loop3A_155 = arith.mulf %parallel_loop3A_152, %parallel_loop3A_154 : vector<16xf32>
        tpu.vector_store_idx %arg9[%parallel_loop3A_144, %broadcast_in_dim3A_29, %parallel_loop3A_147, %add3A_8], %parallel_loop3A_155 : memref<8x1x8x128xf32, #tpu.memory_space<vmem>>[vector<16xi32>, vector<16xi32>, vector<16xi32>, vector<16xi32>], vector<16xf32>,
        %parallel_loop3A_156 = tpu.vector_load_idx %arg7[%add3A_11, %parallel_loop3A_141] : memref<128x128xf32, #tpu.memory_space<vmem>>[vector<16xi32>, vector<16xi32>], vector<16xf32>,
        %parallel_loop3A_157 = arith.constant 8.000000e+00 : f32
        %parallel_loop3A_158 = vector.broadcast %parallel_loop3A_157 : f32 to vector<16xf32>
        %parallel_loop3A_159 = arith.mulf %parallel_loop3A_156, %parallel_loop3A_158 : vector<16xf32>
        tpu.vector_store_idx %arg9[%parallel_loop3A_144, %broadcast_in_dim3A_29, %parallel_loop3A_147, %add3A_11], %parallel_loop3A_159 : memref<8x1x8x128xf32, #tpu.memory_space<vmem>>[vector<16xi32>, vector<16xi32>, vector<16xi32>, vector<16xi32>], vector<16xf32>,
        %parallel_loop3A_160 = tpu.vector_load_idx %arg7[%add3A_14, %parallel_loop3A_141] : memref<128x128xf32, #tpu.memory_space<vmem>>[vector<16xi32>, vector<16xi32>], vector<16xf32>,
        %parallel_loop3A_161 = arith.constant 8.000000e+00 : f32
        %parallel_loop3A_162 = vector.broadcast %parallel_loop3A_161 : f32 to vector<16xf32>
        %parallel_loop3A_163 = arith.mulf %parallel_loop3A_160, %parallel_loop3A_162 : vector<16xf32>
        tpu.vector_store_idx %arg9[%parallel_loop3A_144, %broadcast_in_dim3A_29, %parallel_loop3A_147, %add3A_14], %parallel_loop3A_163 : memref<8x1x8x128xf32, #tpu.memory_space<vmem>>[vector<16xi32>, vector<16xi32>, vector<16xi32>, vector<16xi32>], vector<16xf32>,
        %parallel_loop3A_164 = tpu.vector_load_idx %arg7[%add3A_17, %parallel_loop3A_141] : memref<128x128xf32, #tpu.memory_space<vmem>>[vector<16xi32>, vector<16xi32>], vector<16xf32>,
        %parallel_loop3A_165 = arith.constant 8.000000e+00 : f32
        %parallel_loop3A_166 = vector.broadcast %parallel_loop3A_165 : f32 to vector<16xf32>
        %parallel_loop3A_167 = arith.mulf %parallel_loop3A_164, %parallel_loop3A_166 : vector<16xf32>
        tpu.vector_store_idx %arg9[%parallel_loop3A_144, %broadcast_in_dim3A_29, %parallel_loop3A_147, %add3A_17], %parallel_loop3A_167 : memref<8x1x8x128xf32, #tpu.memory_space<vmem>>[vector<16xi32>, vector<16xi32>, vector<16xi32>, vector<16xi32>], vector<16xf32>,
        %parallel_loop3A_168 = tpu.vector_load_idx %arg7[%add3A_20, %parallel_loop3A_141] : memref<128x128xf32, #tpu.memory_space<vmem>>[vector<16xi32>, vector<16xi32>], vector<16xf32>,
        %parallel_loop3A_169 = arith.constant 8.000000e+00 : f32
        %parallel_loop3A_170 = vector.broadcast %parallel_loop3A_169 : f32 to vector<16xf32>
        %parallel_loop3A_171 = arith.mulf %parallel_loop3A_168, %parallel_loop3A_170 : vector<16xf32>
        tpu.vector_store_idx %arg9[%parallel_loop3A_144, %broadcast_in_dim3A_29, %parallel_loop3A_147, %add3A_20], %parallel_loop3A_171 : memref<8x1x8x128xf32, #tpu.memory_space<vmem>>[vector<16xi32>, vector<16xi32>, vector<16xi32>, vector<16xi32>], vector<16xf32>,
        %parallel_loop3A_172 = tpu.vector_load_idx %arg7[%add3A_23, %parallel_loop3A_141] : memref<128x128xf32, #tpu.memory_space<vmem>>[vector<16xi32>, vector<16xi32>], vector<16xf32>,
        %parallel_loop3A_173 = arith.constant 8.000000e+00 : f32
        %parallel_loop3A_174 = vector.broadcast %parallel_loop3A_173 : f32 to vector<16xf32>
        %parallel_loop3A_175 = arith.mulf %parallel_loop3A_172, %parallel_loop3A_174 : vector<16xf32>
        tpu.vector_store_idx %arg9[%parallel_loop3A_144, %broadcast_in_dim3A_29, %parallel_loop3A_147, %add3A_23], %parallel_loop3A_175 : memref<8x1x8x128xf32, #tpu.memory_space<vmem>>[vector<16xi32>, vector<16xi32>, vector<16xi32>, vector<16xi32>], vector<16xf32>,
        %parallel_loop3A_176 = tpu.vector_load_idx %arg7[%add3A_26, %parallel_loop3A_141] : memref<128x128xf32, #tpu.memory_space<vmem>>[vector<16xi32>, vector<16xi32>], vector<16xf32>,
        %parallel_loop3A_177 = arith.constant 8.000000e+00 : f32
        %parallel_loop3A_178 = vector.broadcast %parallel_loop3A_177 : f32 to vector<16xf32>
        %parallel_loop3A_179 = arith.mulf %parallel_loop3A_176, %parallel_loop3A_178 : vector<16xf32>
        tpu.vector_store_idx %arg9[%parallel_loop3A_144, %broadcast_in_dim3A_29, %parallel_loop3A_147, %add3A_26], %parallel_loop3A_179 : memref<8x1x8x128xf32, #tpu.memory_space<vmem>>[vector<16xi32>, vector<16xi32>, vector<16xi32>, vector<16xi32>], vector<16xf32>,
        %parallel_loop3A_180 = arith.constant 16 : i32
        %parallel_loop3A_181 = vector.broadcast %parallel_loop3A_180 : i32 to vector<16xi32>
        %parallel_loop3A_182 = arith.addi %parallel_loop3A_138, %parallel_loop3A_181 : vector<16xi32>
        %parallel_loop3A_183 = arith.constant 3 : i32
        %parallel_loop3A_184 = vector.broadcast %parallel_loop3A_183 : i32 to vector<16xi32>
        %parallel_loop3A_185 = arith.shrui %parallel_loop3A_182, %parallel_loop3A_184 : vector<16xi32>
        %parallel_loop3A_186 = arith.constant 7 : i32
        %parallel_loop3A_187 = vector.broadcast %parallel_loop3A_186 : i32 to vector<16xi32>
        %parallel_loop3A_188 = arith.andi %parallel_loop3A_182, %parallel_loop3A_187 : vector<16xi32>
        %parallel_loop3A_189 = tpu.vector_load_idx %arg7[%add3A_5, %parallel_loop3A_182] : memref<128x128xf32, #tpu.memory_space<vmem>>[vector<16xi32>, vector<16xi32>], vector<16xf32>,
        %parallel_loop3A_190 = arith.constant 8.000000e+00 : f32
        %parallel_loop3A_191 = vector.broadcast %parallel_loop3A_190 : f32 to vector<16xf32>
        %parallel_loop3A_192 = arith.mulf %parallel_loop3A_189, %parallel_loop3A_191 : vector<16xf32>
        tpu.vector_store_idx %arg9[%parallel_loop3A_185, %broadcast_in_dim3A_29, %parallel_loop3A_188, %add3A_5], %parallel_loop3A_192 : memref<8x1x8x128xf32, #tpu.memory_space<vmem>>[vector<16xi32>, vector<16xi32>, vector<16xi32>, vector<16xi32>], vector<16xf32>,
        %parallel_loop3A_193 = tpu.vector_load_idx %arg7[%add3A_8, %parallel_loop3A_182] : memref<128x128xf32, #tpu.memory_space<vmem>>[vector<16xi32>, vector<16xi32>], vector<16xf32>,
        %parallel_loop3A_194 = arith.constant 8.000000e+00 : f32
        %parallel_loop3A_195 = vector.broadcast %parallel_loop3A_194 : f32 to vector<16xf32>
        %parallel_loop3A_196 = arith.mulf %parallel_loop3A_193, %parallel_loop3A_195 : vector<16xf32>
        tpu.vector_store_idx %arg9[%parallel_loop3A_185, %broadcast_in_dim3A_29, %parallel_loop3A_188, %add3A_8], %parallel_loop3A_196 : memref<8x1x8x128xf32, #tpu.memory_space<vmem>>[vector<16xi32>, vector<16xi32>, vector<16xi32>, vector<16xi32>], vector<16xf32>,
        %parallel_loop3A_197 = tpu.vector_load_idx %arg7[%add3A_11, %parallel_loop3A_182] : memref<128x128xf32, #tpu.memory_space<vmem>>[vector<16xi32>, vector<16xi32>], vector<16xf32>,
        %parallel_loop3A_198 = arith.constant 8.000000e+00 : f32
        %parallel_loop3A_199 = vector.broadcast %parallel_loop3A_198 : f32 to vector<16xf32>
        %parallel_loop3A_200 = arith.mulf %parallel_loop3A_197, %parallel_loop3A_199 : vector<16xf32>
        tpu.vector_store_idx %arg9[%parallel_loop3A_185, %broadcast_in_dim3A_29, %parallel_loop3A_188, %add3A_11], %parallel_loop3A_200 : memref<8x1x8x128xf32, #tpu.memory_space<vmem>>[vector<16xi32>, vector<16xi32>, vector<16xi32>, vector<16xi32>], vector<16xf32>,
        %parallel_loop3A_201 = tpu.vector_load_idx %arg7[%add3A_14, %parallel_loop3A_182] : memref<128x128xf32, #tpu.memory_space<vmem>>[vector<16xi32>, vector<16xi32>], vector<16xf32>,
        %parallel_loop3A_202 = arith.constant 8.000000e+00 : f32
        %parallel_loop3A_203 = vector.broadcast %parallel_loop3A_202 : f32 to vector<16xf32>
        %parallel_loop3A_204 = arith.mulf %parallel_loop3A_201, %parallel_loop3A_203 : vector<16xf32>
        tpu.vector_store_idx %arg9[%parallel_loop3A_185, %broadcast_in_dim3A_29, %parallel_loop3A_188, %add3A_14], %parallel_loop3A_204 : memref<8x1x8x128xf32, #tpu.memory_space<vmem>>[vector<16xi32>, vector<16xi32>, vector<16xi32>, vector<16xi32>], vector<16xf32>,
        %parallel_loop3A_205 = tpu.vector_load_idx %arg7[%add3A_17, %parallel_loop3A_182] : memref<128x128xf32, #tpu.memory_space<vmem>>[vector<16xi32>, vector<16xi32>], vector<16xf32>,
        %parallel_loop3A_206 = arith.constant 8.000000e+00 : f32
        %parallel_loop3A_207 = vector.broadcast %parallel_loop3A_206 : f32 to vector<16xf32>
        %parallel_loop3A_208 = arith.mulf %parallel_loop3A_205, %parallel_loop3A_207 : vector<16xf32>
        tpu.vector_store_idx %arg9[%parallel_loop3A_185, %broadcast_in_dim3A_29, %parallel_loop3A_188, %add3A_17], %parallel_loop3A_208 : memref<8x1x8x128xf32, #tpu.memory_space<vmem>>[vector<16xi32>, vector<16xi32>, vector<16xi32>, vector<16xi32>], vector<16xf32>,
        %parallel_loop3A_209 = tpu.vector_load_idx %arg7[%add3A_20, %parallel_loop3A_182] : memref<128x128xf32, #tpu.memory_space<vmem>>[vector<16xi32>, vector<16xi32>], vector<16xf32>,
        %parallel_loop3A_210 = arith.constant 8.000000e+00 : f32
        %parallel_loop3A_211 = vector.broadcast %parallel_loop3A_210 : f32 to vector<16xf32>
        %parallel_loop3A_212 = arith.mulf %parallel_loop3A_209, %parallel_loop3A_211 : vector<16xf32>
        tpu.vector_store_idx %arg9[%parallel_loop3A_185, %broadcast_in_dim3A_29, %parallel_loop3A_188, %add3A_20], %parallel_loop3A_212 : memref<8x1x8x128xf32, #tpu.memory_space<vmem>>[vector<16xi32>, vector<16xi32>, vector<16xi32>, vector<16xi32>], vector<16xf32>,
        %parallel_loop3A_213 = tpu.vector_load_idx %arg7[%add3A_23, %parallel_loop3A_182] : memref<128x128xf32, #tpu.memory_space<vmem>>[vector<16xi32>, vector<16xi32>], vector<16xf32>,
        %parallel_loop3A_214 = arith.constant 8.000000e+00 : f32
        %parallel_loop3A_215 = vector.broadcast %parallel_loop3A_214 : f32 to vector<16xf32>
        %parallel_loop3A_216 = arith.mulf %parallel_loop3A_213, %parallel_loop3A_215 : vector<16xf32>
        tpu.vector_store_idx %arg9[%parallel_loop3A_185, %broadcast_in_dim3A_29, %parallel_loop3A_188, %add3A_23], %parallel_loop3A_216 : memref<8x1x8x128xf32, #tpu.memory_space<vmem>>[vector<16xi32>, vector<16xi32>, vector<16xi32>, vector<16xi32>], vector<16xf32>,
        %parallel_loop3A_217 = tpu.vector_load_idx %arg7[%add3A_26, %parallel_loop3A_182] : memref<128x128xf32, #tpu.memory_space<vmem>>[vector<16xi32>, vector<16xi32>], vector<16xf32>,
        %parallel_loop3A_218 = arith.constant 8.000000e+00 : f32
        %parallel_loop3A_219 = vector.broadcast %parallel_loop3A_218 : f32 to vector<16xf32>
        %parallel_loop3A_220 = arith.mulf %parallel_loop3A_217, %parallel_loop3A_219 : vector<16xf32>
        tpu.vector_store_idx %arg9[%parallel_loop3A_185, %broadcast_in_dim3A_29, %parallel_loop3A_188, %add3A_26], %parallel_loop3A_220 : memref<8x1x8x128xf32, #tpu.memory_space<vmem>>[vector<16xi32>, vector<16xi32>, vector<16xi32>, vector<16xi32>], vector<16xf32>,
        %parallel_loop3A_221 = arith.constant 32 : i32
        %parallel_loop3A_222 = vector.broadcast %parallel_loop3A_221 : i32 to vector<16xi32>
        %parallel_loop3A_223 = arith.addi %parallel_loop3A_138, %parallel_loop3A_222 : vector<16xi32>
        %parallel_loop3A_224 = arith.constant 3 : i32
        %parallel_loop3A_225 = vector.broadcast %parallel_loop3A_224 : i32 to vector<16xi32>
        %parallel_loop3A_226 = arith.shrui %parallel_loop3A_223, %parallel_loop3A_225 : vector<16xi32>
        %parallel_loop3A_227 = arith.constant 7 : i32
        %parallel_loop3A_228 = vector.broadcast %parallel_loop3A_227 : i32 to vector<16xi32>
        %parallel_loop3A_229 = arith.andi %parallel_loop3A_223, %parallel_loop3A_228 : vector<16xi32>
        %parallel_loop3A_230 = tpu.vector_load_idx %arg7[%add3A_5, %parallel_loop3A_223] : memref<128x128xf32, #tpu.memory_space<vmem>>[vector<16xi32>, vector<16xi32>], vector<16xf32>,
        %parallel_loop3A_231 = arith.constant 8.000000e+00 : f32
        %parallel_loop3A_232 = vector.broadcast %parallel_loop3A_231 : f32 to vector<16xf32>
        %parallel_loop3A_233 = arith.mulf %parallel_loop3A_230, %parallel_loop3A_232 : vector<16xf32>
        tpu.vector_store_idx %arg9[%parallel_loop3A_226, %broadcast_in_dim3A_29, %parallel_loop3A_229, %add3A_5], %parallel_loop3A_233 : memref<8x1x8x128xf32, #tpu.memory_space<vmem>>[vector<16xi32>, vector<16xi32>, vector<16xi32>, vector<16xi32>], vector<16xf32>,
        %parallel_loop3A_234 = tpu.vector_load_idx %arg7[%add3A_8, %parallel_loop3A_223] : memref<128x128xf32, #tpu.memory_space<vmem>>[vector<16xi32>, vector<16xi32>], vector<16xf32>,
        %parallel_loop3A_235 = arith.constant 8.000000e+00 : f32
        %parallel_loop3A_236 = vector.broadcast %parallel_loop3A_235 : f32 to vector<16xf32>
        %parallel_loop3A_237 = arith.mulf %parallel_loop3A_234, %parallel_loop3A_236 : vector<16xf32>
        tpu.vector_store_idx %arg9[%parallel_loop3A_226, %broadcast_in_dim3A_29, %parallel_loop3A_229, %add3A_8], %parallel_loop3A_237 : memref<8x1x8x128xf32, #tpu.memory_space<vmem>>[vector<16xi32>, vector<16xi32>, vector<16xi32>, vector<16xi32>], vector<16xf32>,
        %parallel_loop3A_238 = tpu.vector_load_idx %arg7[%add3A_11, %parallel_loop3A_223] : memref<128x128xf32, #tpu.memory_space<vmem>>[vector<16xi32>, vector<16xi32>], vector<16xf32>,
        %parallel_loop3A_239 = arith.constant 8.000000e+00 : f32
        %parallel_loop3A_240 = vector.broadcast %parallel_loop3A_239 : f32 to vector<16xf32>
        %parallel_loop3A_241 = arith.mulf %parallel_loop3A_238, %parallel_loop3A_240 : vector<16xf32>
        tpu.vector_store_idx %arg9[%parallel_loop3A_226, %broadcast_in_dim3A_29, %parallel_loop3A_229, %add3A_11], %parallel_loop3A_241 : memref<8x1x8x128xf32, #tpu.memory_space<vmem>>[vector<16xi32>, vector<16xi32>, vector<16xi32>, vector<16xi32>], vector<16xf32>,
        %parallel_loop3A_242 = tpu.vector_load_idx %arg7[%add3A_14, %parallel_loop3A_223] : memref<128x128xf32, #tpu.memory_space<vmem>>[vector<16xi32>, vector<16xi32>], vector<16xf32>,
        %parallel_loop3A_243 = arith.constant 8.000000e+00 : f32
        %parallel_loop3A_244 = vector.broadcast %parallel_loop3A_243 : f32 to vector<16xf32>
        %parallel_loop3A_245 = arith.mulf %parallel_loop3A_242, %parallel_loop3A_244 : vector<16xf32>
        tpu.vector_store_idx %arg9[%parallel_loop3A_226, %broadcast_in_dim3A_29, %parallel_loop3A_229, %add3A_14], %parallel_loop3A_245 : memref<8x1x8x128xf32, #tpu.memory_space<vmem>>[vector<16xi32>, vector<16xi32>, vector<16xi32>, vector<16xi32>], vector<16xf32>,
        %parallel_loop3A_246 = tpu.vector_load_idx %arg7[%add3A_17, %parallel_loop3A_223] : memref<128x128xf32, #tpu.memory_space<vmem>>[vector<16xi32>, vector<16xi32>], vector<16xf32>,
        %parallel_loop3A_247 = arith.constant 8.000000e+00 : f32
        %parallel_loop3A_248 = vector.broadcast %parallel_loop3A_247 : f32 to vector<16xf32>
        %parallel_loop3A_249 = arith.mulf %parallel_loop3A_246, %parallel_loop3A_248 : vector<16xf32>
        tpu.vector_store_idx %arg9[%parallel_loop3A_226, %broadcast_in_dim3A_29, %parallel_loop3A_229, %add3A_17], %parallel_loop3A_249 : memref<8x1x8x128xf32, #tpu.memory_space<vmem>>[vector<16xi32>, vector<16xi32>, vector<16xi32>, vector<16xi32>], vector<16xf32>,
        %parallel_loop3A_250 = tpu.vector_load_idx %arg7[%add3A_20, %parallel_loop3A_223] : memref<128x128xf32, #tpu.memory_space<vmem>>[vector<16xi32>, vector<16xi32>], vector<16xf32>,
        %parallel_loop3A_251 = arith.constant 8.000000e+00 : f32
        %parallel_loop3A_252 = vector.broadcast %parallel_loop3A_251 : f32 to vector<16xf32>
        %parallel_loop3A_253 = arith.mulf %parallel_loop3A_250, %parallel_loop3A_252 : vector<16xf32>
        tpu.vector_store_idx %arg9[%parallel_loop3A_226, %broadcast_in_dim3A_29, %parallel_loop3A_229, %add3A_20], %parallel_loop3A_253 : memref<8x1x8x128xf32, #tpu.memory_space<vmem>>[vector<16xi32>, vector<16xi32>, vector<16xi32>, vector<16xi32>], vector<16xf32>,
        %parallel_loop3A_254 = tpu.vector_load_idx %arg7[%add3A_23, %parallel_loop3A_223] : memref<128x128xf32, #tpu.memory_space<vmem>>[vector<16xi32>, vector<16xi32>], vector<16xf32>,
        %parallel_loop3A_255 = arith.constant 8.000000e+00 : f32
        %parallel_loop3A_256 = vector.broadcast %parallel_loop3A_255 : f32 to vector<16xf32>
        %parallel_loop3A_257 = arith.mulf %parallel_loop3A_254, %parallel_loop3A_256 : vector<16xf32>
        tpu.vector_store_idx %arg9[%parallel_loop3A_226, %broadcast_in_dim3A_29, %parallel_loop3A_229, %add3A_23], %parallel_loop3A_257 : memref<8x1x8x128xf32, #tpu.memory_space<vmem>>[vector<16xi32>, vector<16xi32>, vector<16xi32>, vector<16xi32>], vector<16xf32>,
        %parallel_loop3A_258 = tpu.vector_load_idx %arg7[%add3A_26, %parallel_loop3A_223] : memref<128x128xf32, #tpu.memory_space<vmem>>[vector<16xi32>, vector<16xi32>], vector<16xf32>,
        %parallel_loop3A_259 = arith.constant 8.000000e+00 : f32
        %parallel_loop3A_260 = vector.broadcast %parallel_loop3A_259 : f32 to vector<16xf32>
        %parallel_loop3A_261 = arith.mulf %parallel_loop3A_258, %parallel_loop3A_260 : vector<16xf32>
        tpu.vector_store_idx %arg9[%parallel_loop3A_226, %broadcast_in_dim3A_29, %parallel_loop3A_229, %add3A_26], %parallel_loop3A_261 : memref<8x1x8x128xf32, #tpu.memory_space<vmem>>[vector<16xi32>, vector<16xi32>, vector<16xi32>, vector<16xi32>], vector<16xf32>,
        %parallel_loop3A_262 = arith.constant 48 : i32
        %parallel_loop3A_263 = vector.broadcast %parallel_loop3A_262 : i32 to vector<16xi32>
        %parallel_loop3A_264 = arith.addi %parallel_loop3A_138, %parallel_loop3A_263 : vector<16xi32>
        %parallel_loop3A_265 = arith.constant 3 : i32
        %parallel_loop3A_266 = vector.broadcast %parallel_loop3A_265 : i32 to vector<16xi32>
        %parallel_loop3A_267 = arith.shrui %parallel_loop3A_264, %parallel_loop3A_266 : vector<16xi32>
        %parallel_loop3A_268 = arith.constant 7 : i32
        %parallel_loop3A_269 = vector.broadcast %parallel_loop3A_268 : i32 to vector<16xi32>
        %parallel_loop3A_270 = arith.andi %parallel_loop3A_264, %parallel_loop3A_269 : vector<16xi32>
        %parallel_loop3A_271 = tpu.vector_load_idx %arg7[%add3A_5, %parallel_loop3A_264] : memref<128x128xf32, #tpu.memory_space<vmem>>[vector<16xi32>, vector<16xi32>], vector<16xf32>,
        %parallel_loop3A_272 = arith.constant 8.000000e+00 : f32
        %parallel_loop3A_273 = vector.broadcast %parallel_loop3A_272 : f32 to vector<16xf32>
        %parallel_loop3A_274 = arith.mulf %parallel_loop3A_271, %parallel_loop3A_273 : vector<16xf32>
        tpu.vector_store_idx %arg9[%parallel_loop3A_267, %broadcast_in_dim3A_29, %parallel_loop3A_270, %add3A_5], %parallel_loop3A_274 : memref<8x1x8x128xf32, #tpu.memory_space<vmem>>[vector<16xi32>, vector<16xi32>, vector<16xi32>, vector<16xi32>], vector<16xf32>,
        %parallel_loop3A_275 = tpu.vector_load_idx %arg7[%add3A_8, %parallel_loop3A_264] : memref<128x128xf32, #tpu.memory_space<vmem>>[vector<16xi32>, vector<16xi32>], vector<16xf32>,
        %parallel_loop3A_276 = arith.constant 8.000000e+00 : f32
        %parallel_loop3A_277 = vector.broadcast %parallel_loop3A_276 : f32 to vector<16xf32>
        %parallel_loop3A_278 = arith.mulf %parallel_loop3A_275, %parallel_loop3A_277 : vector<16xf32>
        tpu.vector_store_idx %arg9[%parallel_loop3A_267, %broadcast_in_dim3A_29, %parallel_loop3A_270, %add3A_8], %parallel_loop3A_278 : memref<8x1x8x128xf32, #tpu.memory_space<vmem>>[vector<16xi32>, vector<16xi32>, vector<16xi32>, vector<16xi32>], vector<16xf32>,
        %parallel_loop3A_279 = tpu.vector_load_idx %arg7[%add3A_11, %parallel_loop3A_264] : memref<128x128xf32, #tpu.memory_space<vmem>>[vector<16xi32>, vector<16xi32>], vector<16xf32>,
        %parallel_loop3A_280 = arith.constant 8.000000e+00 : f32
        %parallel_loop3A_281 = vector.broadcast %parallel_loop3A_280 : f32 to vector<16xf32>
        %parallel_loop3A_282 = arith.mulf %parallel_loop3A_279, %parallel_loop3A_281 : vector<16xf32>
        tpu.vector_store_idx %arg9[%parallel_loop3A_267, %broadcast_in_dim3A_29, %parallel_loop3A_270, %add3A_11], %parallel_loop3A_282 : memref<8x1x8x128xf32, #tpu.memory_space<vmem>>[vector<16xi32>, vector<16xi32>, vector<16xi32>, vector<16xi32>], vector<16xf32>,
        %parallel_loop3A_283 = tpu.vector_load_idx %arg7[%add3A_14, %parallel_loop3A_264] : memref<128x128xf32, #tpu.memory_space<vmem>>[vector<16xi32>, vector<16xi32>], vector<16xf32>,
        %parallel_loop3A_284 = arith.constant 8.000000e+00 : f32
        %parallel_loop3A_285 = vector.broadcast %parallel_loop3A_284 : f32 to vector<16xf32>
        %parallel_loop3A_286 = arith.mulf %parallel_loop3A_283, %parallel_loop3A_285 : vector<16xf32>
        tpu.vector_store_idx %arg9[%parallel_loop3A_267, %broadcast_in_dim3A_29, %parallel_loop3A_270, %add3A_14], %parallel_loop3A_286 : memref<8x1x8x128xf32, #tpu.memory_space<vmem>>[vector<16xi32>, vector<16xi32>, vector<16xi32>, vector<16xi32>], vector<16xf32>,
        %parallel_loop3A_287 = tpu.vector_load_idx %arg7[%add3A_17, %parallel_loop3A_264] : memref<128x128xf32, #tpu.memory_space<vmem>>[vector<16xi32>, vector<16xi32>], vector<16xf32>,
        %parallel_loop3A_288 = arith.constant 8.000000e+00 : f32
        %parallel_loop3A_289 = vector.broadcast %parallel_loop3A_288 : f32 to vector<16xf32>
        %parallel_loop3A_290 = arith.mulf %parallel_loop3A_287, %parallel_loop3A_289 : vector<16xf32>
        tpu.vector_store_idx %arg9[%parallel_loop3A_267, %broadcast_in_dim3A_29, %parallel_loop3A_270, %add3A_17], %parallel_loop3A_290 : memref<8x1x8x128xf32, #tpu.memory_space<vmem>>[vector<16xi32>, vector<16xi32>, vector<16xi32>, vector<16xi32>], vector<16xf32>,
        %parallel_loop3A_291 = tpu.vector_load_idx %arg7[%add3A_20, %parallel_loop3A_264] : memref<128x128xf32, #tpu.memory_space<vmem>>[vector<16xi32>, vector<16xi32>], vector<16xf32>,
        %parallel_loop3A_292 = arith.constant 8.000000e+00 : f32
        %parallel_loop3A_293 = vector.broadcast %parallel_loop3A_292 : f32 to vector<16xf32>
        %parallel_loop3A_294 = arith.mulf %parallel_loop3A_291, %parallel_loop3A_293 : vector<16xf32>
        tpu.vector_store_idx %arg9[%parallel_loop3A_267, %broadcast_in_dim3A_29, %parallel_loop3A_270, %add3A_20], %parallel_loop3A_294 : memref<8x1x8x128xf32, #tpu.memory_space<vmem>>[vector<16xi32>, vector<16xi32>, vector<16xi32>, vector<16xi32>], vector<16xf32>,
        %parallel_loop3A_295 = tpu.vector_load_idx %arg7[%add3A_23, %parallel_loop3A_264] : memref<128x128xf32, #tpu.memory_space<vmem>>[vector<16xi32>, vector<16xi32>], vector<16xf32>,
        %parallel_loop3A_296 = arith.constant 8.000000e+00 : f32
        %parallel_loop3A_297 = vector.broadcast %parallel_loop3A_296 : f32 to vector<16xf32>
        %parallel_loop3A_298 = arith.mulf %parallel_loop3A_295, %parallel_loop3A_297 : vector<16xf32>
        tpu.vector_store_idx %arg9[%parallel_loop3A_267, %broadcast_in_dim3A_29, %parallel_loop3A_270, %add3A_23], %parallel_loop3A_298 : memref<8x1x8x128xf32, #tpu.memory_space<vmem>>[vector<16xi32>, vector<16xi32>, vector<16xi32>, vector<16xi32>], vector<16xf32>,
        %parallel_loop3A_299 = tpu.vector_load_idx %arg7[%add3A_26, %parallel_loop3A_264] : memref<128x128xf32, #tpu.memory_space<vmem>>[vector<16xi32>, vector<16xi32>], vector<16xf32>,
        %parallel_loop3A_300 = arith.constant 8.000000e+00 : f32
        %parallel_loop3A_301 = vector.broadcast %parallel_loop3A_300 : f32 to vector<16xf32>
        %parallel_loop3A_302 = arith.mulf %parallel_loop3A_299, %parallel_loop3A_301 : vector<16xf32>
        tpu.vector_store_idx %arg9[%parallel_loop3A_267, %broadcast_in_dim3A_29, %parallel_loop3A_270, %add3A_26], %parallel_loop3A_302 : memref<8x1x8x128xf32, #tpu.memory_space<vmem>>[vector<16xi32>, vector<16xi32>, vector<16xi32>, vector<16xi32>], vector<16xf32>,
      } {sc.loop_unroll_factor = 2 : i64, sc.parallel_access}
      %dma_start3A_118 = arith.constant 0 : i32
      %dma_start3A_119 = arith.constant 0 : i32
      %dma_start3A_120 = arith.constant 0 : i32
      %dma_start3A_121 = tpu.memref_slice %arg4[%add3A_103, %dma_start3A_118, %add3A, %dma_start3A_119, %dma_start3A_120] : memref<200x8x32x8x128xf32, #tpu.memory_space<hbm>> -> memref<1x8x1x8x128xf32, #tpu.memory_space<hbm>>
      %dma_start3A_122 = tpu.memref_squeeze %dma_start3A_121 : memref<1x8x1x8x128xf32, #tpu.memory_space<hbm>> -> memref<8x1x8x128xf32, #tpu.memory_space<hbm>>
      %dma_start3A_123 = arith.constant 0 : i32
      %dma_start3A_124 = arith.constant 0 : i32
      %dma_start3A_125 = arith.constant 0 : i32
      %dma_start3A_126 = tpu.memref_slice %arg4[%add3A_103, %dma_start3A_123, %add3A, %dma_start3A_124, %dma_start3A_125] : memref<200x8x32x8x128xf32, #tpu.memory_space<hbm>> -> memref<1x8x1x8x128xf32, #tpu.memory_space<hbm>>
      %dma_start3A_127 = tpu.memref_squeeze %dma_start3A_126 : memref<1x8x1x8x128xf32, #tpu.memory_space<hbm>> -> memref<8x1x8x128xf32, #tpu.memory_space<hbm>>
      tpu.enqueue_dma source(%arg9 : memref<8x1x8x128xf32, #tpu.memory_space<vmem>>) target(%dma_start3A_127 : memref<8x1x8x128xf32, #tpu.memory_space<hbm>>) target_semaphore(%arg13 : memref<!tpu.dma_semaphore, #tpu.memory_space<semaphore_mem>>)
      %add3A_128 = arith.constant 2 : i32
      %add3A_129 = arith.addi %add3A_103, %add3A_128 : i32
      %lt3A_130 = arith.constant 200 : i32
      %lt3A_131 = arith.cmpi slt, %add3A_129, %lt3A_130 : i32
      %convert_element_type3A_132 = arith.extui %lt3A_131 : i1 to i32
      %cond3A_133 = arith.constant 0 : i32
      %cond3A_134 = arith.cmpi ne, %convert_element_type3A_132, %cond3A_133 : i32
      scf.if %cond3A_134 {
        %add3A_135 = arith.constant 2 : i32
        %add3A_136 = arith.addi %add3A_103, %add3A_135 : i32
        %dma_start3A_137 = arith.constant 0 : i32
        %dma_start3A_138 = tpu.memref_slice %arg5[%add3A_136, %dma_start3A_137] : memref<200x128xi32, #tpu.memory_space<vmem>> -> memref<1x128xi32, #tpu.memory_space<vmem>>
        %dma_start3A_139 = tpu.memref_squeeze %dma_start3A_138 : memref<1x128xi32, #tpu.memory_space<vmem>> -> memref<128xi32, #tpu.memory_space<vmem>>
        %dma_start3A_140 = arith.constant 0 : i32
        %dma_start3A_141 = arith.constant 0 : i32
        %dma_start3A_142 = tpu.memref_slice %arg3[%dma_start3A_140, %dma_start3A_141] : memref<1000000x128xf32, #tpu.memory_space<hbm>> -> memref<1000000x128xf32, #tpu.memory_space<hbm>>
        tpu.enqueue_indirect_dma source(%dma_start3A_142 : memref<1000000x128xf32, #tpu.memory_space<hbm>>) target(%arg7 : memref<128x128xf32, #tpu.memory_space<vmem>>) offsets(%dma_start3A_139 : memref<128xi32, #tpu.memory_space<vmem>>) semaphore(%arg11 : memref<!tpu.dma_semaphore, #tpu.memory_space<semaphore_mem>>)
      } else {
      }
    }
    %scan3A_47 = arith.constant 100 : i32
    %dma_wait3A = arith.constant 0 : i32
    %dma_wait3A_48 = arith.constant 0 : i32
    %dma_wait3A_49 = arith.constant 0 : i32
    %dma_wait3A_50 = arith.constant 0 : i32
    %dma_wait3A_51 = tpu.memref_slice %arg4[%dma_wait3A, %dma_wait3A_48, %add3A, %dma_wait3A_49, %dma_wait3A_50] : memref<200x8x32x8x128xf32, #tpu.memory_space<hbm>> -> memref<1x8x1x8x128xf32, #tpu.memory_space<hbm>>
    %dma_wait3A_52 = tpu.memref_squeeze %dma_wait3A_51 : memref<1x8x1x8x128xf32, #tpu.memory_space<hbm>> -> memref<8x1x8x128xf32, #tpu.memory_space<hbm>>
    %dma_wait3A_53 = arith.constant 0 : i32
    %dma_wait3A_54 = arith.constant 0 : i32
    %dma_wait3A_55 = arith.constant 0 : i32
    %dma_wait3A_56 = tpu.memref_slice %arg4[%dma_wait3A, %dma_wait3A_53, %add3A, %dma_wait3A_54, %dma_wait3A_55] : memref<200x8x32x8x128xf32, #tpu.memory_space<hbm>> -> memref<1x8x1x8x128xf32, #tpu.memory_space<hbm>>
    %dma_wait3A_57 = tpu.memref_squeeze %dma_wait3A_56 : memref<1x8x1x8x128xf32, #tpu.memory_space<hbm>> -> memref<8x1x8x128xf32, #tpu.memory_space<hbm>>
    tpu.wait_dma2 semaphore(%arg12 : memref<!tpu.dma_semaphore, #tpu.memory_space<semaphore_mem>>) src(%arg8 : memref<8x1x8x128xf32, #tpu.memory_space<vmem>>) dst(%dma_wait3A_57 : memref<8x1x8x128xf32, #tpu.memory_space<hbm>>)
    %dma_wait3A_58 = arith.constant 0 : i32
    %dma_wait3A_59 = arith.constant 0 : i32
    %dma_wait3A_60 = arith.constant 0 : i32
    %dma_wait3A_61 = arith.constant 0 : i32
    %dma_wait3A_62 = tpu.memref_slice %arg4[%dma_wait3A_58, %dma_wait3A_59, %add3A, %dma_wait3A_60, %dma_wait3A_61] : memref<200x8x32x8x128xf32, #tpu.memory_space<hbm>> -> memref<1x8x1x8x128xf32, #tpu.memory_space<hbm>>
    %dma_wait3A_63 = tpu.memref_squeeze %dma_wait3A_62 : memref<1x8x1x8x128xf32, #tpu.memory_space<hbm>> -> memref<8x1x8x128xf32, #tpu.memory_space<hbm>>
    %dma_wait3A_64 = arith.constant 0 : i32
    %dma_wait3A_65 = arith.constant 0 : i32
    %dma_wait3A_66 = arith.constant 0 : i32
    %dma_wait3A_67 = tpu.memref_slice %arg4[%dma_wait3A_58, %dma_wait3A_64, %add3A, %dma_wait3A_65, %dma_wait3A_66] : memref<200x8x32x8x128xf32, #tpu.memory_space<hbm>> -> memref<1x8x1x8x128xf32, #tpu.memory_space<hbm>>
    %dma_wait3A_68 = tpu.memref_squeeze %dma_wait3A_67 : memref<1x8x1x8x128xf32, #tpu.memory_space<hbm>> -> memref<8x1x8x128xf32, #tpu.memory_space<hbm>>
    tpu.wait_dma2 semaphore(%arg13 : memref<!tpu.dma_semaphore, #tpu.memory_space<semaphore_mem>>) src(%arg9 : memref<8x1x8x128xf32, #tpu.memory_space<vmem>>) dst(%dma_wait3A_68 : memref<8x1x8x128xf32, #tpu.memory_space<hbm>>)
    return
  }
}

</mosaic_0001>

<sc_bundles>
// kernel: kernel.3.cloned.1.call-start
scs
__scs_entry_jumppad:
0x0: {  	(pc) =	sbr.rel $0x88, $3  }
0x1: {  	(tag) =	ssettag $0x0;
	lr =	simm.s32 $0x1  }
0x2: {  	[smem:$0x3F9F] =	sst lr;
	_ =	strace $0xD0000000  }
0x3: {  	_ = 	snop  }
0x4: {  	_ = 	snop  }
0x5: {  	_ = 	snop  }
0x6: {  	_ = 	snop  }
0x7: {  	_ = 	snop  }
__scs_overlays_trampoline_lowered:
0x8: {  	[smem:$0x3FAE] =	sst s0  }
0x9: {  	[smem:$0x3FAF] =	sst s1  }
0xa: {  	[smem:$0x3FB0] =	sst s2  }
0xb: {  	[smem:$0x3FB1] =	sst s3  }
0xc: {  	[smem:$0x3FB2] =	sst s4  }
0xd: {  	[smem:$0x3FB3] =	sst s5  }
0xe: {  	[smem:$0x3FB4] =	sst s6  }
0xf: {  	[smem:$0x3FB5] =	sst s7  }
0x10: {  	[smem:$0x3FB6] =	sst s8  }
0x11: {  	[smem:$0x3FB7] =	sst s9;
	s0 =	simm.s32 @!p0 $0x0  }
0x12: {  	s1 =	sld [smem:$0x3F9D];
	s0 =	simm.s32 @p0 $0x1  }
0x13: {  	[smem:$0x3FB8] =	sst s0;
	s0 =	simm.s32 @!p1 $0x0  }
0x14: {  	s2 =	sld [smem:$0x3F9C];
	s0 =	simm.s32 @p1 $0x1  }
0x15: {  	[smem:$0x3FB9] =	sst s0;
	s0 =	simm.s32 @!p2 $0x0  }
0x16: {  	s3 =	sld [smem:$0x3FDB];
	s0 =	simm.s32 @p2 $0x1  }
0x17: {  	s4 =	simm.s32 $0x1BF5;
	[smem:$0x3FBB] =	sst s0  }
0x18: {  	s0 =	sld [smem:$0x3F9E];
	_ =	swait.ge [sflag:s4], $0x0  }
0x19: {  	s7 =	sld [smem:$0x3F9F]  }
0x1a: {  	s8 =	sadd.s32 $0xFFFFE003, lr  }
0x1b: {  	s9 =	sadd.s32 $0xFFFFFEF7, lr;
	s5 =	simm.s32 $0xFFFFFFFF;
	p2 =	slt.u32 s8, $0xFFFFF086  }
0x1c: {  	p1 =	slt.u32 s9, $0xF7A;
	s5 =	simm.s32 @!p2 $0x0  }
0x1d: {  	s5 =	simm.s32 @p1 $0x1;
	p0 =	seq.s32 s7, s2  }
0x1e: {  	s7 =	smul.u32 @!p0 $0xF7A, s2;
	p2 =	seq.s32 @!p0 s5, $0x0  }
0x1f: {  	s9 =	smul.u32 $0xF7A, s1;
	s8 =	simm.s32 @!p0 $0x1BF5;
	p2 =	por !p2, p0  }
0x20: {  	[sflag:s8] =	ssyncset.s32 @!p0 $0xFFFFF086;
	s6 =	sadd.s32 @!p0 s3, s7;
	s7 =	simm.s32 @!p0 $0x108  }
0x21: {  	s3 =	sadd.s32 s3, s9;
	s6 =	sadd.s32 @!p0 $0x88, s6;
	s7 =	simm.s32 @p2 $0x1082  }
0x22: {  	[simem:s7], [sflag:s8] =	dma.local @!p0 [hbm:s6], $0xF7A  }
0x23: {  	s9 =	sor.u32 $0xD0000000, s2;
	s6 =	simm.s32 $0x108;
	_ =	swait.ge @!p0 [sflag:s8], $0x0  }
0x24: {  	s3 =	sadd.s32 $0x88, s3;
	s6 =	simm.s32 @!p1 $0x1082;
	[sflag:s4] =	ssyncset.s32 $0xFFFFF086  }
0x25: {  	[simem:s6], [sflag:s4] =	dma.local [hbm:s3], $0xF7A  }
0x26: {  	[smem:$0x3F9F] =	sst s1;
	(tag) =	ssettag s2;
	_ =	strace s9  }
0x27: {  	s1 =	sld [smem:$0x3FAF]  }
0x28: {  	s2 =	sld [smem:$0x3FB0]  }
0x29: {  	s4 =	sld [smem:$0x3FB2]  }
0x2a: {  	p0 =	seq.s32 s5, $0x0;
	s5 =	sld [smem:$0x3FB3]  }
0x2b: {  	s6 =	sld [smem:$0x3FB4]  }
0x2c: {  	s7 =	sld [smem:$0x3FB5]  }
0x2d: {  	s3 =	simm.s32 $0x108;
	s8 =	sld [smem:$0x3FB6]  }
0x2e: {  	s3 =	simm.s32 @!p0 $0x1082;
	s9 =	sld [smem:$0x3FB7]  }
0x2f: {  	lr =	sadd.s32 s0, s3;
	s0 =	sld [smem:$0x3FAE]  }
0x30: {  	s3 =	sld [smem:$0x3FB1]  }
0x31: {  	[smem:$0x3FBA] =	sst s10  }
0x32: {  	s10 =	sld [smem:$0x3FB8];
	_ =	sdelay $0x3  }
0x33: {  	p0 =	seq.s32 s10, $0x1;
	s10 =	sld [smem:$0x3FBA];
	_ =	sdelay $0x3  }
0x34: {  	[smem:$0x3FBA] =	sst s10  }
0x35: {  	s10 =	sld [smem:$0x3FB9];
	_ =	sdelay $0x3  }
0x36: {  	p1 =	seq.s32 s10, $0x1;
	s10 =	sld [smem:$0x3FBA];
	_ =	sdelay $0x3  }
0x37: {  	[smem:$0x3FBA] =	sst s10  }
0x38: {  	s10 =	sld [smem:$0x3FBB]  }
0x39: {  	_ = 	snop;
	(pc) =	sbr.ind lr, $3  }
0x3a: {  	_ = 	snop  }
0x3b: {  	_ = 	snop  }
0x3c: {  	p2 =	seq.s32 s10, $0x1;
	s10 =	sld [smem:$0x3FBA]  }
0x3d: {  	_ =	shalt  }
0x3e: {  	_ =	shalt  }
0x3f: {  	_ =	shalt  }
0x40: {  	_ =	shalt  }
0x41: {  	_ =	shalt  }
0x42: {  	_ =	shalt  }
0x43: {  	_ =	shalt  }
0x44: {  	_ =	shalt  }
0x45: {  	_ =	shalt  }
0x46: {  	_ =	shalt  }
0x47: {  	_ =	shalt  }
0x48: {  	_ =	shalt  }
0x49: {  	_ =	shalt  }
0x4a: {  	_ =	shalt  }
0x4b: {  	_ =	shalt  }
0x4c: {  	_ =	shalt  }
0x4d: {  	_ =	shalt  }
0x4e: {  	_ =	shalt  }
0x4f: {  	_ =	shalt  }
0x50: {  	_ =	shalt  }
0x51: {  	_ =	shalt  }
0x52: {  	_ =	shalt  }
0x53: {  	_ =	shalt  }
0x54: {  	_ =	shalt  }
0x55: {  	_ =	shalt  }
0x56: {  	_ =	shalt  }
0x57: {  	_ =	shalt  }
0x58: {  	_ =	shalt  }
0x59: {  	_ =	shalt  }
0x5a: {  	_ =	shalt  }
0x5b: {  	_ =	shalt  }
0x5c: {  	_ =	shalt  }
0x5d: {  	_ =	shalt  }
0x5e: {  	_ =	shalt  }
0x5f: {  	_ =	shalt  }
0x60: {  	_ =	shalt  }
0x61: {  	_ =	shalt  }
0x62: {  	_ =	shalt  }
0x63: {  	_ =	shalt  }
0x64: {  	_ =	shalt  }
0x65: {  	_ =	shalt  }
0x66: {  	_ =	shalt  }
0x67: {  	_ =	shalt  }
0x68: {  	_ =	shalt  }
0x69: {  	_ =	shalt  }
0x6a: {  	_ =	shalt  }
0x6b: {  	_ =	shalt  }
0x6c: {  	_ =	shalt  }
0x6d: {  	_ =	shalt  }
0x6e: {  	_ =	shalt  }
0x6f: {  	_ =	shalt  }
0x70: {  	_ =	shalt  }
0x71: {  	_ =	shalt  }
0x72: {  	_ =	shalt  }
0x73: {  	_ =	shalt  }
0x74: {  	_ =	shalt  }
0x75: {  	_ =	shalt  }
0x76: {  	_ =	shalt  }
0x77: {  	_ =	shalt  }
0x78: {  	_ =	shalt  }
0x79: {  	_ =	shalt  }
0x7a: {  	_ =	shalt  }
0x7b: {  	_ =	shalt  }
0x7c: {  	_ =	shalt  }
0x7d: {  	_ =	shalt  }
0x7e: {  	_ =	shalt  }
0x7f: {  	_ =	shalt  }
0x80: {  	_ =	shalt  }
0x81: {  	_ =	shalt  }
0x82: {  	_ =	shalt  }
0x83: {  	_ =	shalt  }
0x84: {  	_ =	shalt  }
0x85: {  	_ =	shalt  }
0x86: {  	_ =	shalt  }
0x87: {  	_ =	shalt  }
.Lfunc_end0:
.L_simem_size_0:
called_computation_lowered:
.L_overlay_start_0:
0x88: {  	s2 =	sld [smem:$0x3FD9]  }
0x89: {  	s3 =	sld [smem:$0x3FFE];
	_ =	sdelay $0x1  }
0x8a: {  	s1 =	srdreg.scid  }
0x8b: {  	s0 =	sand.u32 $0x1, s1  }
0x8c: {  	s17 =	sshll.u32 s0, $0xA;
	s2 =	sadd.s32 s3, s2  }
0x8d: {  	s2 =	sadd.s32 s2, s17  }
0x8e: {  	[smem:$0x3FC6] =	sst s2  }
0x8f: {  	_ = 	snop  }
0x90: {  	s2 =	sld [smem:$0x3FD0];
	(tm) =	ssettm $0x1  }
0x91: {  	s18 =	sld [smem:$0x3FFB];
	_ =	sdelay $0x3  }
0x92: {  	_ =	strace s18  }
0x93: {  	s3 =	sld [smem:$0x3FFC];
	_ =	sdelay $0x3  }
0x94: {  	_ =	strace s3  }
0x95: {  	s3 =	sld [smem:$0x3FFD];
	_ =	sdelay $0x3  }
0x96: {  	_ =	strace s3  }
0x97: {  	_ =	strace $0x8FFFFFFF  }
0x98: {  	s19 =	sld [smem:$0x3FDB];
	_ =	sdelay $0x1  }
0x99: {  	s4 =	simm.s32 $_scs_section_size  }
0x9a: {  	s5 =	simm.s32 $_size__tile_overlayer_lowered;
	s6 =	simm.s32 $_tile_overlayer_lowered  }
0x9b: {  	s22 =	simm.s32 $0x1BFF;
	s21 =	sshll.u32 s6, $0x1;
	s3 =	sadd.s32 s4, s19  }
0x9c: {  	s7 =	simm.s32 $0x0;
	s20 =	sshll.u32 s5, $0x1;
	s5 =	sadd.s32 s21, s3  }
0x9d: {  	[timem:s7], [sflag:s22] =	dma.local [hbm:s5], s20  }
0x9e: {  	_ =	swait.ge [sflag:s22], s20  }
0x9f: {  	s4 =	ssub.s32 $0x0, s20;
	[sflag:s22] =	ssyncset.done $0x0  }
0xa0: {  	[sflag:s22] =	ssyncadd.s32 s4;
	_ =	sdelay $0x1  }
0xa1: {  	s23 =	simm.s32 $0x1B8B  }
0xa2: {  	_ =	swait.ge [sflag:s23], $0x1  }
0xa3: {  	[sflag:s23] =	ssyncset.done $0x0  }
0xa4: {  	s25 =	simm.s32 $0x1B8E;
	s24 =	sld [smem:$0x3FFE];
	[sflag:s23] =	ssyncadd.s32 $0xFFFFFFFF  }
0xa5: {  	s26 =	simm.s32 $execute0_lowered;
	[smem:$0x3FD2] =	sst s25  }
0xa6: {  	s5 =	sshll.u32 s26, $0x1;
	_ =	strace $0x80000046;
	[dreg:$0x1] =	wrdreg $0xFFFFFFFF  }
0xa7: {  	s28 =	simm.s32 $_size_execute0_lowered;
	s3 =	sadd.s32 s3, s5;
	[dreg:$0x0] =	wrdreg $0x0  }
0xa8: {  	s5 =	sshll.u32 s28, $0x1;
	[dreg:$0x2] =	wrdreg s3  }
0xa9: {  	[dreg:$0x3] =	wrdreg s5  }
0xaa: {  	[dreg:$0x4] =	wrdreg $0xC0  }
0xab: {  	_ =	task [dreg:s7], $0x5FFFF  }
0xac: {  	[dreg:$0x1] =	wrdreg $0xFFFFFFFF  }
0xad: {  	[dreg:$0x0] =	wrdreg $0x60  }
0xae: {  	[dreg:$0x2] =	wrdreg s24  }
0xaf: {  	[dreg:$0x3] =	wrdreg s2  }
0xb0: {  	[dreg:$0x4] =	wrdreg $0x9  }
0xb1: {  	_ =	task.clear_ibuf [dreg:s7], $0x5FFFF;
	_ =	strace $0x90000046  }
0xb2: {  	s29 =	simm.s32 $0x9;
	_ =	strace $0x80000048  }
0xb3: {  	_ =	swait.ge [sflag:s29], $0x1  }
0xb4: {  	[sflag:s29] =	ssyncadd.s32 $0xFFFFFFFF  }
0xb5: {  	_ =	strace $0x90000048  }
0xb6: {  	_ =	sfence  }
0xb7: {  	s30 =	sld [smem:$0x0];
	_ =	sdelay $0x2  }
0xb8: {  	s31 =	sshll.u32 s1, $0xD;
	s1 =	sshrl.u32 s1, $0x2  }
0xb9: {  	s3 =	sand.u32 $0x4000, s31;
	s1 =	sadd.s32 s1, s30  }
0xba: {  	s0 =	sor.u32 s3, s0;
	s1 =	sshll.u32 s1, $0x11  }
0xbb: {  	s0 =	sor.u32 s1, s0  }
0xbc: {  	s0 =	sadd.s32 $0x8F2B, s0  }
0xbd: {  	[sflag:s0] =	ssyncadd.remote.s32 $0x1  }
0xbe: {  	_ =	sfence.sel $0xFFFF  }
0xbf: {  	[dreg:$0x0] =	wrdreg $0xFFFFFFFF;
	(pc) =	sbr.abs _section_cstart, $3  }
0xc0: {  	[dreg:$0x1] =	wrdreg $0xFFFFFFFF  }
0xc1: {  	_ =	task.clear_ibuf [dreg:s7], $0x2FFFF;
	_ =	strace $0x9FFFFFFF  }
0xc2: {  	(tm) =	ssettm $0x7FFFFFFF  }
0xc3: {  	_ =	shalt  }
tec
execute0_lowered:
.L_overlay_start_1:
0x0: {  	(tag) =	ssettag $0x1  }
0x1: {  	s4 =	rddreg [dreg:$0x0]  }
0x2: {  	s2 =	rddreg [dreg:$0x1];
	s3 =	simm.s32 $0x0;
	v45 =	vlaneseq.u32  }
0x3: {  	[smem:$0x7FF] =	sst s3;
	v4 =	vor.u32 $0x10, v45  }
0x4: {  	s0 =	rddreg [dreg:$0x2];
	v63 =	vor.u32 $0x20, v45;
	_ =	strace $0x80000047;
	[tilespmem:$0x1FF30] =	vst v4  }
0x5: {  	v48 =	vor.u32 $0x30, v45;
	[tilespmem:$0x1FF50] =	vst v63  }
0x6: {  	v10 =	vor.u32 $0x40, v45;
	[tilespmem:$0x1FF70] =	vst v48  }
0x7: {  	v12 =	vor.u32 $0x50, v45;
	[tilespmem:$0x1FF90] =	vst v10  }
0x8: {  	v14 =	vor.u32 $0x60, v45;
	[tilespmem:$0x1FFB0] =	vst v12  }
0x9: {  	s5 =	srdreg.scid;
	s1 =	stileid.u32;
	s9 =	simm.s32 $0x80;
	v1 =	vmul.u32 $0x80, v45;
	v46 =	vor.u32 $0x70, v45;
	[tilespmem:$0x1FFD0] =	vst v14  }
0xa: {  	s10 =	simm.s32 $0x1000;
	s11 =	simm.s32 $0x5;
	s12 =	simm.s32 $0x6400;
	[tilespmem:$0x1FFF0] =	vst v46  }
0xb: {  	s13 =	simm.s32 $0xA400;
	s14 =	simm.s32 $0x1;
	s15 =	simm.s32 $0xE400;
	v2 =	vor.u32 $0x800, v1;
	[tilespmem:$0x1FF10] =	vst v1  }
0xc: {  	s16 =	simm.s32 $0x400;
	s17 =	simm.s32 $0x8000;
	s18 =	simm.s32 $0x2;
	v5 =	vor.u32 $0x1000, v1;
	[tilespmem:$0x1FF20] =	vst v2  }
0xd: {  	s19 =	simm.s32 $0x4;
	s20 =	simm.s32 $0x10400;
	s21 =	simm.s32 $0x3;
	v7 =	vor.u32 $0x1800, v1;
	[tilespmem:$0x1FF40] =	vst v5  }
.Ltmp0:
0xe: {  	s5 =	sand.u32 $0x1, s5;
	s6 =	sshll.u32 s1, $0x1;
	v9 =	vor.u32 $0x2000, v1;
	[tilespmem:$0x1FF60] =	vst v7;
	(pc) =	sbr.rel .LBB2_1-.Ltmp0, $4  }
0xf: {  	s22 =	simm.s32 $0x0;
	s6 =	sor.u32 s5, s6;
	s5 =	ssub.s32 $0x2, s5;
	v11 =	vor.u32 $0x2800, v1;
	[tilespmem:$0x1FF80] =	vst v9  }
0x10: {  	s7 =	sshll.u32 s6, $0x4;
	s8 =	sshrl.u32 s5, $0x1;
	s6 =	sshll.u32 s6, $0x7;
	v13 =	vor.u32 $0x3000, v1;
	[tilespmem:$0x1FFA0] =	vst v11  }
0x11: {  	v15 =	vor.u32 $0x3800, v1;
	s7 =	sadd.s32 s7, s4;
	s4 =	sadd.s32 $0xF5BA00, s4;
	s8 =	ssub.s32 s5, s8;
	[tilespmem:$0x1FFC0] =	vst v13  }
0x12: {  	[tilespmem:$0x1FFE0] =	vst v15;
	s5 =	sadd.s32 $0xF42A00, s7;
	s7 =	sadd.s32 $0x8000, s2;
	s8 =	smax.u32 s8, $0x1  }
.LBB2_12:
0x13: {  	s22 =	sadd.s32 $0x1, s22  }
0x14: {  	_ =	swait.ge [sflag:s21], $0x2000;
	p0 =	sne.s32 s22, s8  }
.Ltmp1:
0x15: {  	[sflag:s21] =	ssyncset.done $0x0;
	(pc) =	sbr.rel @!p0 .LBB2_13-.Ltmp1, $4  }
0x16: {  	[sflag:s21] =	ssyncadd.s32 $0xFFFFE000  }
0x17: {  	_ =	swait.ge [sflag:s19], $0x2000  }
0x18: {  	[sflag:s19] =	ssyncset.done $0x0  }
0x19: {  	[sflag:s19] =	ssyncadd.s32 $0xFFFFE000  }
.LBB2_1:
0x1a: {  	[tilespmem:s3], [sflag:$0x5] =	stream.strided.gather [hbm4b:s5+s9], $0x6400, s10, s9, $0x38;
	[tilespmem:$0x12400] =	vst v63  }
0x1b: {  	_ =	swait.ge [sflag:s11], $0x6400  }
0x1c: {  	[sflag:s11] =	ssyncset.done $0x0  }
0x1d: {  	[sflag:s11] =	ssyncadd.s32 $0xFFFF9C00  }
0x1e: {  	[tilespmem:s12], [sflag:$0x1] =	stream.indirect.gather [hbm4b:s4+s9], $0x80, s3, s9, $0xb8;
	[tilespmem:$0x12400] =	vst v63  }
0x1f: {  	s23 =	simm.s32 $0x0  }
0x20: {  	[tilespmem:s13], [sflag:$0x2] =	stream.indirect.gather [hbm4b:s4+s9], $0x80, s9, s9, $0xb8;
	[tilespmem:$0x12400] =	vst v63  }
.LBB2_2:
0x21: {  	s24 =	simm.s32 $0x0  }
0x22: {  	v23 =	vadd.s32 s24, v45  }
0x23: {  	_ =	swait.ge [sflag:s14], $0x4000;
	v19 =	vand.u32 $0xF, v23  }
0x24: {  	p0 =	seq.s32 s23, $0x0;
	[sflag:s14] =	ssyncset.done $0x0;
	v0 =	vor.u32 v1, v19  }
0x25: {  	s25 =	simm.s32 $0x1;
	s24 =	simm.s32 @!p0 $0x3;
	[sflag:s14] =	ssyncadd.s32 $0xFFFFC000  }
0x26: {  	v22 =	vadd.s32 s25, v45;
	_ =	swait.ge @!p0 [sflag:s24], $0x2000  }
0x27: {  	v18 =	vand.u32 $0xF, v22;
	[sflag:s24] =	ssyncset.done @!p0 $0x0  }
0x28: {  	v16 =	vor.u32 v1, v18;
	[sflag:s24] =	ssyncadd.s32 @!p0 $0xFFFFE000  }
0x29: {  	v17 =	vshll.u32 v23, $0x7;
	v0 =	vld.idx.msk [tilespmem:v0+s12+$0x0], $0xffff  }
0x2a: {  	v20 =	vand.u32 $0x780, v17  }
0x2b: {  	v21 =	vor.u32 v45, v20  }
0x2c: {  	v24 =	vor.u32 v2, v19  }
0x2d: {  	v16 =	vld.idx.msk [tilespmem:v16+s12+$0x0], $0xffff  }
0x2e: {  	v25 =	vshll.u32 v18, $0x7;
	v0 =	vmul.f32 $8.000000000e+00, v0  }
0x2f: {  	v26 =	vor.u32 v45, v25  }
0x30: {  	[tilespmem:v21+s15+$0x0] =	vst.idx.msk $0xffff, v0;
	v0 =	vor.u32 v2, v18  }
0x31: {  	v21 =	vld.idx.msk [tilespmem:v24+s12+$0x0], $0xffff  }
0x32: {  	v16 =	vmul.f32 $8.000000000e+00, v16  }
0x33: {  	v24 =	vor.u32 v4, v20  }
0x34: {  	v27 =	vor.u32 v5, v19;
	[tilespmem:v26+s15+$0x0] =	vst.idx.msk $0xffff, v16  }
0x35: {  	v0 =	vld.idx.msk [tilespmem:v0+s12+$0x0], $0xffff  }
0x36: {  	v16 =	vmul.f32 $8.000000000e+00, v21  }
0x37: {  	v21 =	vor.u32 v4, v25  }
0x38: {  	[tilespmem:v24+s15+$0x0] =	vst.idx.msk $0xffff, v16;
	v16 =	vor.u32 v5, v18  }
0x39: {  	v24 =	vld.idx.msk [tilespmem:v27+s12+$0x0], $0xffff  }
0x3a: {  	v0 =	vmul.f32 $8.000000000e+00, v0  }
0x3b: {  	v26 =	vor.u32 v63, v20  }
0x3c: {  	v27 =	vor.u32 v7, v19;
	[tilespmem:v21+s15+$0x0] =	vst.idx.msk $0xffff, v0  }
0x3d: {  	v0 =	vld.idx.msk [tilespmem:v16+s12+$0x0], $0xffff  }
0x3e: {  	v16 =	vmul.f32 $8.000000000e+00, v24  }
0x3f: {  	v21 =	vor.u32 v63, v25  }
0x40: {  	[tilespmem:v26+s15+$0x0] =	vst.idx.msk $0xffff, v16;
	v16 =	vor.u32 v7, v18  }
0x41: {  	v24 =	vld.idx.msk [tilespmem:v27+s12+$0x0], $0xffff  }
0x42: {  	v0 =	vmul.f32 $8.000000000e+00, v0  }
0x43: {  	v26 =	vor.u32 v48, v20  }
0x44: {  	v27 =	vor.u32 v9, v19;
	[tilespmem:v21+s15+$0x0] =	vst.idx.msk $0xffff, v0  }
0x45: {  	v0 =	vld.idx.msk [tilespmem:v16+s12+$0x0], $0xffff  }
0x46: {  	v16 =	vmul.f32 $8.000000000e+00, v24  }
0x47: {  	v21 =	vor.u32 v48, v25  }
0x48: {  	[tilespmem:v26+s15+$0x0] =	vst.idx.msk $0xffff, v16;
	v16 =	vor.u32 v9, v18  }
0x49: {  	v24 =	vld.idx.msk [tilespmem:v27+s12+$0x0], $0xffff  }
0x4a: {  	v0 =	vmul.f32 $8.000000000e+00, v0  }
0x4b: {  	v26 =	vor.u32 v10, v20  }
0x4c: {  	v27 =	vor.u32 v11, v19;
	[tilespmem:v21+s15+$0x0] =	vst.idx.msk $0xffff, v0  }
0x4d: {  	v0 =	vld.idx.msk [tilespmem:v16+s12+$0x0], $0xffff  }
0x4e: {  	v16 =	vmul.f32 $8.000000000e+00, v24  }
0x4f: {  	v21 =	vor.u32 v10, v25  }
0x50: {  	[tilespmem:v26+s15+$0x0] =	vst.idx.msk $0xffff, v16;
	v16 =	vor.u32 v11, v18  }
0x51: {  	v24 =	vld.idx.msk [tilespmem:v27+s12+$0x0], $0xffff  }
0x52: {  	v0 =	vmul.f32 $8.000000000e+00, v0  }
0x53: {  	v26 =	vor.u32 v12, v20  }
0x54: {  	v27 =	vor.u32 v13, v19;
	[tilespmem:v21+s15+$0x0] =	vst.idx.msk $0xffff, v0  }
0x55: {  	v0 =	vld.idx.msk [tilespmem:v16+s12+$0x0], $0xffff  }
0x56: {  	v16 =	vmul.f32 $8.000000000e+00, v24  }
0x57: {  	v21 =	vor.u32 v12, v25  }
0x58: {  	[tilespmem:v26+s15+$0x0] =	vst.idx.msk $0xffff, v16;
	v16 =	vor.u32 v13, v18  }
0x59: {  	v24 =	vld.idx.msk [tilespmem:v27+s12+$0x0], $0xffff  }
0x5a: {  	v0 =	vmul.f32 $8.000000000e+00, v0  }
0x5b: {  	v26 =	vor.u32 v14, v20  }
0x5c: {  	v27 =	vor.u32 v15, v19;
	[tilespmem:v21+s15+$0x0] =	vst.idx.msk $0xffff, v0  }
0x5d: {  	v0 =	vld.idx.msk [tilespmem:v16+s12+$0x0], $0xffff  }
0x5e: {  	v16 =	vmul.f32 $8.000000000e+00, v24  }
0x5f: {  	v21 =	vor.u32 v14, v25  }
0x60: {  	[tilespmem:v26+s15+$0x0] =	vst.idx.msk $0xffff, v16;
	v16 =	vor.u32 v15, v18  }
0x61: {  	v24 =	vld.idx.msk [tilespmem:v27+s12+$0x0], $0xffff  }
0x62: {  	v26 =	vor.u32 $0x10, v23;
	v27 =	vmul.f32 $8.000000000e+00, v0  }
0x63: {  	v20 =	vor.u32 v46, v20;
	v0 =	vand.u32 $0x1F, v26  }
0x64: {  	v28 =	vor.u32 v1, v0;
	[tilespmem:v21+s15+$0x0] =	vst.idx.msk $0xffff, v27  }
0x65: {  	v16 =	vld.idx.msk [tilespmem:v16+s12+$0x0], $0xffff  }
0x66: {  	v21 =	vmul.f32 $8.000000000e+00, v24;
	v24 =	vor.u32 $0x10, v22  }
0x67: {  	v31 =	vor.u32 v46, v25;
	v30 =	vand.u32 $0x1F, v24  }
0x68: {  	[tilespmem:v20+s15+$0x0] =	vst.idx.msk $0xffff, v21;
	v20 =	vshll.u32 v26, $0x7;
	v21 =	vor.u32 v1, v30  }
0x69: {  	v29 =	vand.u32 $0x380, v17;
	v17 =	vld.idx.msk [tilespmem:v28+s12+$0x0], $0xffff;
	v20 =	vand.u32 $0xC00, v20  }
0x6a: {  	v27 =	vor.u32 v29, v20;
	v16 =	vmul.f32 $8.000000000e+00, v16  }
0x6b: {  	s25 =	simm.s32 $0x2;
	v20 =	vor.u32 v45, v27  }
0x6c: {  	v59 =	vadd.s32 s25, v45;
	v26 =	vor.u32 v2, v0;
	[tilespmem:v31+s15+$0x0] =	vst.idx.msk $0xffff, v16;
	v16 =	vshll.u32 v24, $0x7  }
0x6d: {  	v31 =	vand.u32 $0xF, v59;
	v24 =	vand.u32 $0x380, v25;
	v21 =	vld.idx.msk [tilespmem:v21+s12+$0x0], $0xffff;
	v16 =	vand.u32 $0x7FFFFC00, v16  }
0x6e: {  	v25 =	vor.u32 v1, v31;
	v17 =	vmul.f32 $8.000000000e+00, v17;
	v28 =	vor.u32 v24, v16  }
0x6f: {  	v16 =	vor.u32 v45, v28  }
0x70: {  	[tilespmem:v20+s15+$0x0] =	vst.idx.msk $0xffff, v17;
	v17 =	vor.u32 v2, v30  }
0x71: {  	v20 =	vld.idx.msk [tilespmem:v26+s12+$0x0], $0xffff  }
0x72: {  	s26 =	simm.s32 $0x3;
	v32 =	vmul.f32 $8.000000000e+00, v21  }
0x73: {  	v60 =	vadd.s32 s26, v45;
	v34 =	vor.u32 v4, v27;
	v21 =	vshll.u32 v59, $0x7;
	v33 =	vld.idx.msk [tilespmem:v25+s12+$0x0], $0xffff  }
0x74: {  	v35 =	vor.u32 v5, v0;
	v26 =	vand.u32 $0xF, v60;
	v25 =	vand.u32 $0x780, v21;
	[tilespmem:v16+s15+$0x0] =	vst.idx.msk $0xffff, v32  }
0x75: {  	v16 =	vor.u32 v1, v26;
	v55 =	vor.u32 v45, v25;
	v17 =	vld.idx.msk [tilespmem:v17+s12+$0x0], $0xffff  }
0x76: {  	v36 =	vor.u32 v2, v31;
	v20 =	vmul.f32 $8.000000000e+00, v20  }
0x77: {  	v37 =	vor.u32 v4, v28  }
0x78: {  	v56 =	vor.u32 v5, v30;
	[tilespmem:v34+s15+$0x0] =	vst.idx.msk $0xffff, v20;
	v20 =	vmul.f32 $8.000000000e+00, v33  }
0x79: {  	v34 =	vld.idx.msk [tilespmem:v35+s12+$0x0], $0xffff  }
0x7a: {  	v16 =	vld.idx.msk [tilespmem:v16+s12+$0x0], $0xffff;
	[tilespmem:v55+s15+$0x0] =	vst.idx.msk $0xffff, v20;
	v17 =	vmul.f32 $8.000000000e+00, v17  }
0x7b: {  	v57 =	vor.u32 v63, v27;
	v20 =	vshll.u32 v26, $0x7;
	v58 =	vld.idx.msk [tilespmem:v36+s12+$0x0], $0xffff  }
0x7c: {  	v61 =	vor.u32 v7, v0;
	v38 =	vor.u32 v45, v20;
	[tilespmem:v37+s15+$0x0] =	vst.idx.msk $0xffff, v17  }
0x7d: {  	v62 =	vor.u32 v2, v26;
	v17 =	vor.u32 v4, v25;
	v33 =	vld.idx.msk [tilespmem:v56+s12+$0x0], $0xffff  }
0x7e: {  	v39 =	vor.u32 v5, v31;
	v34 =	vmul.f32 $8.000000000e+00, v34  }
0x7f: {  	v40 =	vor.u32 v63, v28;
	v16 =	vmul.f32 $8.000000000e+00, v16  }
0x80: {  	v44 =	vor.u32 v7, v30;
	[tilespmem:v57+s15+$0x0] =	vst.idx.msk $0xffff, v34;
	v43 =	vmul.f32 $8.000000000e+00, v58  }
0x81: {  	[tilespmem:v38+s15+$0x0] =	vst.idx.msk $0xffff, v16;
	v47 =	vld.idx.msk [tilespmem:v61+s12+$0x0], $0xffff  }
0x82: {  	v16 =	vld.idx.msk [tilespmem:v62+s12+$0x0], $0xffff;
	[tilespmem:v17+s15+$0x0] =	vst.idx.msk $0xffff, v43;
	v17 =	vmul.f32 $8.000000000e+00, v33  }
0x83: {  	v49 =	vor.u32 v48, v27;
	v50 =	vld.idx.msk [tilespmem:v39+s12+$0x0], $0xffff  }
0x84: {  	v51 =	vor.u32 v9, v0;
	v52 =	vor.u32 v4, v20;
	[tilespmem:v40+s15+$0x0] =	vst.idx.msk $0xffff, v17  }
0x85: {  	v53 =	vor.u32 v5, v26;
	v17 =	vor.u32 v63, v25;
	v34 =	vld.idx.msk [tilespmem:v44+s12+$0x0], $0xffff  }
0x86: {  	v35 =	vmul.f32 $8.000000000e+00, v47  }
0x87: {  	v54 =	vor.u32 v7, v31;
	v55 =	vor.u32 v48, v28;
	v16 =	vmul.f32 $8.000000000e+00, v16  }
0x88: {  	v57 =	vor.u32 v9, v30;
	[tilespmem:v49+s15+$0x0] =	vst.idx.msk $0xffff, v35;
	v56 =	vmul.f32 $8.000000000e+00, v50  }
0x89: {  	[tilespmem:v52+s15+$0x0] =	vst.idx.msk $0xffff, v16;
	v35 =	vld.idx.msk [tilespmem:v51+s12+$0x0], $0xffff  }
0x8a: {  	v16 =	vld.idx.msk [tilespmem:v53+s12+$0x0], $0xffff;
	[tilespmem:v17+s15+$0x0] =	vst.idx.msk $0xffff, v56;
	v17 =	vmul.f32 $8.000000000e+00, v34  }
0x8b: {  	v58 =	vor.u32 v10, v27  }
0x8c: {  	v62 =	vor.u32 v63, v20;
	v61 =	vld.idx.msk [tilespmem:v54+s12+$0x0], $0xffff;
	[tilespmem:v55+s15+$0x0] =	vst.idx.msk $0xffff, v17;
	v17 =	vor.u32 v11, v0  }
0x8d: {  	v47 =	vor.u32 v7, v26;
	v33 =	vld.idx.msk [tilespmem:v57+s12+$0x0], $0xffff  }
0x8e: {  	v44 =	vor.u32 v48, v25;
	v35 =	vmul.f32 $8.000000000e+00, v35  }
0x8f: {  	v49 =	vor.u32 v9, v31;
	v50 =	vor.u32 v10, v28;
	v16 =	vmul.f32 $8.000000000e+00, v16  }
0x90: {  	v52 =	vor.u32 v11, v30;
	[tilespmem:v58+s15+$0x0] =	vst.idx.msk $0xffff, v35  }
0x91: {  	v51 =	vmul.f32 $8.000000000e+00, v61;
	[tilespmem:v62+s15+$0x0] =	vst.idx.msk $0xffff, v16;
	v16 =	vld.idx.msk [tilespmem:v17+s12+$0x0], $0xffff  }
0x92: {  	v17 =	vld.idx.msk [tilespmem:v47+s12+$0x0], $0xffff;
	v53 =	vmul.f32 $8.000000000e+00, v33  }
0x93: {  	v55 =	vor.u32 v12, v27;
	[tilespmem:v44+s15+$0x0] =	vst.idx.msk $0xffff, v51  }
0x94: {  	v56 =	vor.u32 v48, v20;
	v57 =	vor.u32 v13, v0;
	v54 =	vld.idx.msk [tilespmem:v49+s12+$0x0], $0xffff;
	[tilespmem:v50+s15+$0x0] =	vst.idx.msk $0xffff, v53  }
0x95: {  	v61 =	vor.u32 v9, v26;
	v34 =	vld.idx.msk [tilespmem:v52+s12+$0x0], $0xffff  }
0x96: {  	v58 =	vor.u32 v10, v25;
	v16 =	vmul.f32 $8.000000000e+00, v16  }
0x97: {  	v62 =	vor.u32 v11, v31;
	v44 =	vor.u32 v12, v28;
	v17 =	vmul.f32 $8.000000000e+00, v17  }
0x98: {  	[tilespmem:v55+s15+$0x0] =	vst.idx.msk $0xffff, v16;
	v16 =	vor.u32 v13, v30  }
0x99: {  	v33 =	vmul.f32 $8.000000000e+00, v54;
	[tilespmem:v56+s15+$0x0] =	vst.idx.msk $0xffff, v17;
	v17 =	vld.idx.msk [tilespmem:v57+s12+$0x0], $0xffff  }
0x9a: {  	v32 =	vld.idx.msk [tilespmem:v61+s12+$0x0], $0xffff;
	v47 =	vmul.f32 $8.000000000e+00, v34  }
0x9b: {  	v50 =	vor.u32 v14, v27;
	[tilespmem:v58+s15+$0x0] =	vst.idx.msk $0xffff, v33  }
0x9c: {  	v0 =	vor.u32 v15, v0;
	v51 =	vor.u32 v10, v20;
	v49 =	vld.idx.msk [tilespmem:v62+s12+$0x0], $0xffff;
	[tilespmem:v44+s15+$0x0] =	vst.idx.msk $0xffff, v47  }
0x9d: {  	v53 =	vor.u32 v11, v26;
	v16 =	vld.idx.msk [tilespmem:v16+s12+$0x0], $0xffff  }
0x9e: {  	v52 =	vor.u32 v12, v25;
	v17 =	vmul.f32 $8.000000000e+00, v17  }
0x9f: {  	v54 =	vor.u32 v13, v31;
	v55 =	vor.u32 v14, v28;
	v32 =	vmul.f32 $8.000000000e+00, v32  }
0xa0: {  	[tilespmem:v50+s15+$0x0] =	vst.idx.msk $0xffff, v17;
	v17 =	vor.u32 v15, v30  }
0xa1: {  	v19 =	vor.u32 $0x20, v19;
	v34 =	vmul.f32 $8.000000000e+00, v49;
	[tilespmem:v51+s15+$0x0] =	vst.idx.msk $0xffff, v32;
	v0 =	vld.idx.msk [tilespmem:v0+s12+$0x0], $0xffff  }
0xa2: {  	v56 =	vand.u32 $0x28, v19;
	v30 =	vand.u32 $0x7, v23;
	v32 =	vld.idx.msk [tilespmem:v53+s12+$0x0], $0xffff;
	v16 =	vmul.f32 $8.000000000e+00, v16  }
0xa3: {  	v18 =	vor.u32 $0x20, v18;
	v27 =	vor.u32 v46, v27;
	v30 =	vor.u32 v30, v56;
	[tilespmem:v52+s15+$0x0] =	vst.idx.msk $0xffff, v34  }
0xa4: {  	v33 =	vor.u32 v1, v30;
	v58 =	vld.idx.msk [tilespmem:v54+s12+$0x0], $0xffff;
	[tilespmem:v55+s15+$0x0] =	vst.idx.msk $0xffff, v16;
	v16 =	vor.u32 v12, v20  }
0xa5: {  	v42 =	vand.u32 $0x7, v22;
	v43 =	vand.u32 $0x28, v18;
	v62 =	vor.u32 v13, v26;
	v17 =	vld.idx.msk [tilespmem:v17+s12+$0x0], $0xffff  }
0xa6: {  	v39 =	vor.u32 v42, v43;
	v61 =	vor.u32 v14, v25;
	v0 =	vmul.f32 $8.000000000e+00, v0  }
0xa7: {  	v28 =	vor.u32 v46, v28;
	v57 =	vor.u32 v15, v31;
	v32 =	vmul.f32 $8.000000000e+00, v32  }
0xa8: {  	v19 =	vshll.u32 v19, $0x7;
	[tilespmem:v27+s15+$0x0] =	vst.idx.msk $0xffff, v0;
	v0 =	vor.u32 v1, v39  }
0xa9: {  	v19 =	vand.u32 $0x1400, v19;
	v35 =	vmul.f32 $8.000000000e+00, v58;
	[tilespmem:v16+s15+$0x0] =	vst.idx.msk $0xffff, v32;
	v16 =	vld.idx.msk [tilespmem:v33+s12+$0x0], $0xffff  }
0xaa: {  	v18 =	vshll.u32 v18, $0x7;
	v42 =	vor.u32 v29, v19;
	v27 =	vld.idx.msk [tilespmem:v62+s12+$0x0], $0xffff;
	v17 =	vmul.f32 $8.000000000e+00, v17  }
0xab: {  	v18 =	vand.u32 $0x1400, v18;
	v47 =	vor.u32 v45, v42;
	[tilespmem:v61+s15+$0x0] =	vst.idx.msk $0xffff, v35  }
0xac: {  	v49 =	vor.u32 v2, v30;
	v44 =	vld.idx.msk [tilespmem:v57+s12+$0x0], $0xffff;
	[tilespmem:v28+s15+$0x0] =	vst.idx.msk $0xffff, v17;
	v17 =	vor.u32 v14, v20  }
0xad: {  	v38 =	vor.u32 v24, v18;
	v19 =	vor.u32 $0x10, v59;
	v28 =	vor.u32 v15, v26;
	v0 =	vld.idx.msk [tilespmem:v0+s12+$0x0], $0xffff  }
0xae: {  	v25 =	vor.u32 v46, v25;
	v34 =	vand.u32 $0x1F, v19;
	v16 =	vmul.f32 $8.000000000e+00, v16  }
0xaf: {  	v50 =	vor.u32 v1, v34;
	v18 =	vmul.f32 $8.000000000e+00, v27;
	v27 =	vor.u32 v45, v38  }
0xb0: {  	[tilespmem:v47+s15+$0x0] =	vst.idx.msk $0xffff, v16;
	v16 =	vor.u32 v2, v39  }
0xb1: {  	v51 =	vor.u32 $0x10, v60;
	v19 =	vshll.u32 v19, $0x7;
	v32 =	vmul.f32 $8.000000000e+00, v44;
	[tilespmem:v17+s15+$0x0] =	vst.idx.msk $0xffff, v18;
	v17 =	vld.idx.msk [tilespmem:v49+s12+$0x0], $0xffff  }
0xb2: {  	s28 =	simm.s32 $0x4;
	v52 =	vor.u32 v4, v42;
	v19 =	vand.u32 $0xC00, v19;
	v28 =	vld.idx.msk [tilespmem:v28+s12+$0x0], $0xffff;
	v0 =	vmul.f32 $8.000000000e+00, v0  }
0xb3: {  	v61 =	vand.u32 $0x380, v21;
	v35 =	vand.u32 $0x1F, v51;
	v21 =	vadd.s32 s28, v45;
	[tilespmem:v25+s15+$0x0] =	vst.idx.msk $0xffff, v32  }
0xb4: {  	v25 =	vor.u32 v5, v30;
	v36 =	vld.idx.msk [tilespmem:v50+s12+$0x0], $0xffff;
	[tilespmem:v27+s15+$0x0] =	vst.idx.msk $0xffff, v0;
	v0 =	vor.u32 v46, v20  }
0xb5: {  	v32 =	vor.u32 v61, v19;
	v19 =	vor.u32 v1, v35;
	v27 =	vand.u32 $0xF, v21;
	v16 =	vld.idx.msk [tilespmem:v16+s12+$0x0], $0xffff  }
0xb6: {  	v53 =	vor.u32 v45, v32;
	v54 =	vor.u32 v1, v27;
	v17 =	vmul.f32 $8.000000000e+00, v17  }
0xb7: {  	v43 =	vor.u32 v4, v38;
	v41 =	vor.u32 v2, v34;
	v28 =	vmul.f32 $8.000000000e+00, v28  }
0xb8: {  	v40 =	vshll.u32 v21, $0x7;
	[tilespmem:v52+s15+$0x0] =	vst.idx.msk $0xffff, v17;
	v17 =	vor.u32 v5, v39  }
0xb9: {  	v44 =	vor.u32 v7, v30;
	v36 =	vmul.f32 $8.000000000e+00, v36;
	[tilespmem:v0+s15+$0x0] =	vst.idx.msk $0xffff, v28;
	v0 =	vld.idx.msk [tilespmem:v25+s12+$0x0], $0xffff;
	v25 =	vshll.u32 v51, $0x7  }
0xba: {  	v20 =	vand.u32 $0x380, v20;
	v19 =	vld.idx.msk [tilespmem:v19+s12+$0x0], $0xffff;
	v16 =	vmul.f32 $8.000000000e+00, v16;
	v25 =	vand.u32 $0x7FFFFC00, v25  }
0xbb: {  	[tilespmem:v53+s15+$0x0] =	vst.idx.msk $0xffff, v36;
	v37 =	vld.idx.msk [tilespmem:v54+s12+$0x0], $0xffff;
	v36 =	vor.u32 v20, v25;
	v25 =	vor.u32 v63, v42  }
0xbc: {  	v33 =	vand.u32 $0x780, v40;
	v18 =	vmovc v1;
	v1 =	vlaneseq.u32;
	v41 =	vld.idx.msk [tilespmem:v41+s12+$0x0], $0xffff;
	[tilespmem:v43+s15+$0x0] =	vst.idx.msk $0xffff, v16;
	v16 =	vor.u32 v45, v36  }
0xbd: {  	v3 =	vmov v4;
	v55 =	vor.u32 v2, v35;
	v52 =	vor.u32 v1, v33;
	v17 =	vld.idx.msk [tilespmem:v17+s12+$0x0], $0xffff  }
0xbe: {  	v57 =	vor.u32 v3, v32;
	v53 =	vor.u32 v2, v27;
	v0 =	vmul.f32 $8.000000000e+00, v0  }
0xbf: {  	v6 =	vmovc v7;
	s29 =	simm.s32 $0x5;
	v56 =	vor.u32 v5, v34;
	v58 =	vor.u32 v63, v38;
	v47 =	vmul.f32 $8.000000000e+00, v19  }
0xc0: {  	v19 =	vadd.s32 s29, v1;
	v37 =	vmul.f32 $8.000000000e+00, v37;
	[tilespmem:v25+s15+$0x0] =	vst.idx.msk $0xffff, v0;
	v0 =	vor.u32 v6, v39  }
0xc1: {  	v28 =	vand.u32 $0xF, v19;
	v25 =	vmul.f32 $8.000000000e+00, v41;
	[tilespmem:v16+s15+$0x0] =	vst.idx.msk $0xffff, v47;
	v16 =	vld.idx.msk [tilespmem:v44+s12+$0x0], $0xffff  }
0xc2: {  	v7 =	vmov v48;
	v62 =	vor.u32 v18, v28;
	[tilespmem:v52+s15+$0x0] =	vst.idx.msk $0xffff, v37;
	v43 =	vld.idx.msk [tilespmem:v55+s12+$0x0], $0xffff;
	v17 =	vmul.f32 $8.000000000e+00, v17  }
0xc3: {  	v8 =	vmov v9;
	v4 =	vmov v5;
	[tilespmem:v57+s15+$0x0] =	vst.idx.msk $0xffff, v25;
	v25 =	vor.u32 v7, v42;
	v47 =	vld.idx.msk [tilespmem:v53+s12+$0x0], $0xffff  }
0xc4: {  	v54 =	vor.u32 v8, v30;
	v45 =	vld.idx.msk [tilespmem:v56+s12+$0x0], $0xffff;
	[tilespmem:v58+s15+$0x0] =	vst.idx.msk $0xffff, v17;
	v17 =	vor.u32 v3, v36  }
0xc5: {  	v55 =	vor.u32 v4, v35;
	v58 =	vor.u32 v3, v33;
	v0 =	vld.idx.msk [tilespmem:v0+s12+$0x0], $0xffff  }
0xc6: {  	v50 =	vor.u32 v63, v32;
	v51 =	vor.u32 v4, v27;
	v16 =	vmul.f32 $8.000000000e+00, v16  }
0xc7: {  	v49 =	vor.u32 v6, v34;
	v56 =	vor.u32 v7, v38;
	v41 =	vld.idx.msk [tilespmem:v62+s12+$0x0], $0xffff;
	v43 =	vmul.f32 $8.000000000e+00, v43  }
0xc8: {  	v37 =	vshll.u32 v28, $0x7;
	v53 =	vmul.f32 $8.000000000e+00, v47;
	[tilespmem:v25+s15+$0x0] =	vst.idx.msk $0xffff, v16;
	v16 =	vor.u32 v8, v39  }
0xc9: {  	v25 =	vor.u32 v1, v37;
	v45 =	vmul.f32 $8.000000000e+00, v45;
	[tilespmem:v17+s15+$0x0] =	vst.idx.msk $0xffff, v43;
	v17 =	vld.idx.msk [tilespmem:v54+s12+$0x0], $0xffff  }
0xca: {  	v9 =	vmov v10;
	v57 =	vor.u32 v2, v28;
	[tilespmem:v58+s15+$0x0] =	vst.idx.msk $0xffff, v53;
	v48 =	vld.idx.msk [tilespmem:v55+s12+$0x0], $0xffff;
	v0 =	vmul.f32 $8.000000000e+00, v0  }
0xcb: {  	v10 =	vmov v11;
	v11 =	vmov v12;
	v62 =	vor.u32 v9, v42;
	[tilespmem:v50+s15+$0x0] =	vst.idx.msk $0xffff, v45;
	v55 =	vld.idx.msk [tilespmem:v51+s12+$0x0], $0xffff  }
0xcc: {  	v12 =	vmov v13;
	v41 =	vmul.f32 $8.000000000e+00, v41;
	v49 =	vld.idx.msk [tilespmem:v49+s12+$0x0], $0xffff;
	[tilespmem:v56+s15+$0x0] =	vst.idx.msk $0xffff, v0;
	v0 =	vor.u32 v63, v36  }
0xcd: {  	v13 =	vmovc v14;
	v14 =	vmov v15;
	v52 =	vor.u32 v10, v30;
	v58 =	vor.u32 v63, v33;
	v16 =	vld.idx.msk [tilespmem:v16+s12+$0x0], $0xffff  }
0xce: {  	v43 =	vor.u32 v7, v32;
	[tilespmem:v25+s15+$0x0] =	vst.idx.msk $0xffff, v41;
	v25 =	vor.u32 v6, v35;
	v17 =	vmul.f32 $8.000000000e+00, v17  }
0xcf: {  	v15 =	vmovc v46;
	v46 =	vor.u32 v9, v38;
	v47 =	vor.u32 v8, v34;
	v41 =	vld.idx.msk [tilespmem:v57+s12+$0x0], $0xffff;
	v54 =	vmul.f32 $8.000000000e+00, v48  }
0xd0: {  	v53 =	vor.u32 v11, v42;
	v55 =	vmul.f32 $8.000000000e+00, v55;
	[tilespmem:v62+s15+$0x0] =	vst.idx.msk $0xffff, v17;
	v17 =	vor.u32 v10, v39  }
0xd1: {  	v56 =	vor.u32 v3, v37;
	v49 =	vmul.f32 $8.000000000e+00, v49;
	v62 =	vor.u32 v6, v27;
	[tilespmem:v0+s15+$0x0] =	vst.idx.msk $0xffff, v54  }
0xd2: {  	v57 =	vor.u32 v4, v28;
	v0 =	vld.idx.msk [tilespmem:v52+s12+$0x0], $0xffff;
	[tilespmem:v58+s15+$0x0] =	vst.idx.msk $0xffff, v55;
	v16 =	vmul.f32 $8.000000000e+00, v16  }
0xd3: {  	v50 =	vor.u32 v7, v33;
	v51 =	vor.u32 v10, v27;
	v25 =	vld.idx.msk [tilespmem:v25+s12+$0x0], $0xffff;
	[tilespmem:v43+s15+$0x0] =	vst.idx.msk $0xffff, v49  }
0xd4: {  	v54 =	vor.u32 v12, v30;
	v41 =	vmul.f32 $8.000000000e+00, v41;
	v47 =	vld.idx.msk [tilespmem:v47+s12+$0x0], $0xffff;
	[tilespmem:v46+s15+$0x0] =	vst.idx.msk $0xffff, v16  }
0xd5: {  	v58 =	vor.u32 v63, v37;
	v52 =	vor.u32 v8, v27;
	v16 =	vor.u32 v7, v36;
	v17 =	vld.idx.msk [tilespmem:v17+s12+$0x0], $0xffff  }
0xd6: {  	v55 =	vor.u32 v12, v34;
	[tilespmem:v56+s15+$0x0] =	vst.idx.msk $0xffff, v41;
	v56 =	vor.u32 v8, v35;
	v48 =	vld.idx.msk [tilespmem:v62+s12+$0x0], $0xffff  }
0xd7: {  	v49 =	vor.u32 v10, v34;
	v44 =	vld.idx.msk [tilespmem:v57+s12+$0x0], $0xffff;
	v57 =	vor.u32 v9, v32;
	v0 =	vmul.f32 $8.000000000e+00, v0  }
0xd8: {  	v34 =	vor.u32 v14, v34;
	v46 =	vor.u32 v11, v38;
	v25 =	vmul.f32 $8.000000000e+00, v25  }
0xd9: {  	v62 =	vor.u32 v6, v28;
	[tilespmem:v53+s15+$0x0] =	vst.idx.msk $0xffff, v0;
	v0 =	vor.u32 v12, v39  }
0xda: {  	s30 =	simm.s32 $0x6;
	v47 =	vmul.f32 $8.000000000e+00, v47;
	v53 =	vor.u32 v12, v27;
	[tilespmem:v16+s15+$0x0] =	vst.idx.msk $0xffff, v25;
	v16 =	vld.idx.msk [tilespmem:v54+s12+$0x0], $0xffff  }
0xdb: {  	v25 =	vadd.s32 s30, v1;
	v54 =	vor.u32 v11, v32;
	v41 =	vld.idx.msk [tilespmem:v56+s12+$0x0], $0xffff;
	v17 =	vmul.f32 $8.000000000e+00, v17  }
0xdc: {  	v56 =	vor.u32 v13, v42;
	v48 =	vmul.f32 $8.000000000e+00, v48;
	v42 =	vor.u32 v15, v42;
	[tilespmem:v57+s15+$0x0] =	vst.idx.msk $0xffff, v47  }
0xdd: {  	v44 =	vmul.f32 $8.000000000e+00, v44;
	v57 =	vor.u32 v14, v30;
	v30 =	vand.u32 $0xF, v25;
	[tilespmem:v46+s15+$0x0] =	vst.idx.msk $0xffff, v17  }
0xde: {  	v47 =	vor.u32 v7, v37;
	v17 =	vor.u32 v9, v36;
	v49 =	vld.idx.msk [tilespmem:v49+s12+$0x0], $0xffff;
	[tilespmem:v50+s15+$0x0] =	vst.idx.msk $0xffff, v48  }
0xdf: {  	v45 =	vor.u32 v4, v30;
	v46 =	vld.idx.msk [tilespmem:v0+s12+$0x0], $0xffff;
	[tilespmem:v58+s15+$0x0] =	vst.idx.msk $0xffff, v44;
	v16 =	vmul.f32 $8.000000000e+00, v16  }
0xe0: {  	v31 =	vor.u32 $0x20, v31;
	v0 =	vor.u32 v14, v27;
	v58 =	vor.u32 v10, v35;
	v48 =	vld.idx.msk [tilespmem:v62+s12+$0x0], $0xffff;
	[tilespmem:$0x1FE90] =	vst v27  }
0xe1: {  	v62 =	vor.u32 v13, v38;
	v27 =	vor.u32 v8, v30;
	v41 =	vmul.f32 $8.000000000e+00, v41;
	[tilespmem:v56+s15+$0x0] =	vst.idx.msk $0xffff, v16  }
0xe2: {  	v23 =	vor.u32 $0x30, v23;
	v50 =	vor.u32 v9, v37;
	v52 =	vld.idx.msk [tilespmem:v52+s12+$0x0], $0xffff;
	v16 =	vor.u32 v14, v39;
	[tilespmem:$0x1FEA0] =	vst v27  }
0xe3: {  	v44 =	vand.u32 $0x3F, v23;
	v38 =	vor.u32 v15, v38;
	v49 =	vmul.f32 $8.000000000e+00, v49;
	[tilespmem:v17+s15+$0x0] =	vst.idx.msk $0xffff, v41;
	v17 =	vld.idx.msk [tilespmem:v57+s12+$0x0], $0xffff  }
0xe4: {  	v56 =	vor.u32 v9, v33;
	v27 =	vor.u32 v18, v30;
	v46 =	vmul.f32 $8.000000000e+00, v46  }
0xe5: {  	v41 =	vor.u32 v6, v30;
	v57 =	vor.u32 v8, v28;
	v43 =	vld.idx.msk [tilespmem:v58+s12+$0x0], $0xffff;
	[tilespmem:v54+s15+$0x0] =	vst.idx.msk $0xffff, v49  }
0xe6: {  	v39 =	vmul.f32 $8.000000000e+00, v48;
	v58 =	vor.u32 v18, v44;
	v48 =	vor.u32 v2, v30;
	[tilespmem:v62+s15+$0x0] =	vst.idx.msk $0xffff, v46  }
0xe7: {  	v49 =	vand.u32 $0x7, v59;
	v62 =	vor.u32 v11, v36;
	v52 =	vmul.f32 $8.000000000e+00, v52;
	v16 =	vld.idx.msk [tilespmem:v16+s12+$0x0], $0xffff;
	[tilespmem:$0x1FEB0] =	vst v59  }
0xe8: {  	v54 =	vor.u32 v12, v35;
	[tilespmem:v47+s15+$0x0] =	vst.idx.msk $0xffff, v39;
	v47 =	vld.idx.msk [tilespmem:v55+s12+$0x0], $0xffff;
	v55 =	vor.u32 $0x30, v22;
	v17 =	vmul.f32 $8.000000000e+00, v17  }
0xe9: {  	v59 =	vshll.u32 v23, $0x7;
	[tilespmem:v56+s15+$0x0] =	vst.idx.msk $0xffff, v52;
	v56 =	vor.u32 v11, v33;
	v46 =	vshll.u32 v55, $0x7  }
0xea: {  	v52 =	vld.idx.msk [tilespmem:v57+s12+$0x0], $0xffff;
	v23 =	vand.u32 $0x3F, v55;
	v22 =	vmul.f32 $8.000000000e+00, v43;
	v55 =	vand.u32 $0x7FFFFC00, v46;
	[tilespmem:v42+s15+$0x0] =	vst.idx.msk $0xffff, v17  }
0xeb: {  	v51 =	vld.idx.msk [tilespmem:v51+s12+$0x0], $0xffff;
	v17 =	vor.u32 v18, v23;
	v42 =	vor.u32 v13, v32;
	v24 =	vor.u32 v24, v55  }
0xec: {  	v55 =	vor.u32 v11, v37;
	v11 =	vor.u32 v14, v44;
	[tilespmem:v62+s15+$0x0] =	vst.idx.msk $0xffff, v22;
	v22 =	vand.u32 $0x1C00, v59  }
0xed: {  	v43 =	vld.idx.msk [tilespmem:v58+s12+$0x0], $0xffff;
	v16 =	vmul.f32 $8.000000000e+00, v16;
	v62 =	vor.u32 v10, v28;
	v59 =	vor.u32 v2, v44  }
0xee: {  	v39 =	vor.u32 v1, v24;
	v22 =	vor.u32 v29, v22;
	v54 =	vld.idx.msk [tilespmem:v54+s12+$0x0], $0xffff;
	v47 =	vmul.f32 $8.000000000e+00, v47  }
0xef: {  	v29 =	vor.u32 v4, v44;
	v58 =	vor.u32 v1, v22;
	[tilespmem:v38+s15+$0x0] =	vst.idx.msk $0xffff, v16;
	v16 =	vmul.f32 $8.000000000e+00, v52  }
0xf0: {  	v57 =	vand.u32 $0x28, v31;
	v38 =	vor.u32 v13, v36;
	v51 =	vmul.f32 $8.000000000e+00, v51;
	v17 =	vld.idx.msk [tilespmem:v17+s12+$0x0], $0xffff;
	[tilespmem:v42+s15+$0x0] =	vst.idx.msk $0xffff, v47  }
0xf1: {  	v52 =	vor.u32 v13, v33;
	v42 =	vor.u32 v14, v35;
	[tilespmem:v50+s15+$0x0] =	vst.idx.msk $0xffff, v16;
	v16 =	vld.idx.msk [tilespmem:v34+s12+$0x0], $0xffff  }
0xf2: {  	v36 =	vor.u32 v15, v36;
	[tilespmem:v56+s15+$0x0] =	vst.idx.msk $0xffff, v51;
	v35 =	vor.u32 v49, v57;
	v34 =	vmul.f32 $8.000000000e+00, v43  }
0xf3: {  	v50 =	vor.u32 v12, v28;
	v47 =	vld.idx.msk [tilespmem:v62+s12+$0x0], $0xffff;
	v62 =	vmul.f32 $8.000000000e+00, v54;
	v54 =	vor.u32 v15, v32  }
0xf4: {  	v57 =	vor.u32 $0x20, v26;
	v26 =	vand.u32 $0x7, v60;
	[tilespmem:v58+s15+$0x0] =	vst.idx.msk $0xffff, v34;
	v34 =	vld.idx.msk [tilespmem:v53+s12+$0x0], $0xffff;
	v53 =	vor.u32 v2, v23  }
0xf5: {  	v43 =	vor.u32 $0x10, v21;
	v46 =	vand.u32 $0x28, v57;
	v49 =	vld.idx.msk [tilespmem:v59+s12+$0x0], $0xffff;
	[tilespmem:v38+s15+$0x0] =	vst.idx.msk $0xffff, v62;
	v17 =	vmul.f32 $8.000000000e+00, v17  }
0xf6: {  	v56 =	vor.u32 v18, v35;
	v32 =	vor.u32 v26, v46;
	v42 =	vld.idx.msk [tilespmem:v42+s12+$0x0], $0xffff;
	[tilespmem:$0x1FEC0] =	vst v60;
	v16 =	vmul.f32 $8.000000000e+00, v16  }
0xf7: {  	v46 =	vor.u32 v9, v22;
	v62 =	vor.u32 v3, v22;
	v38 =	vand.u32 $0x1F, v43;
	[tilespmem:v39+s15+$0x0] =	vst.idx.msk $0xffff, v17  }
0xf8: {  	v51 =	vor.u32 v18, v38;
	v60 =	vor.u32 v3, v24;
	v17 =	vmul.f32 $8.000000000e+00, v47;
	[tilespmem:v54+s15+$0x0] =	vst.idx.msk $0xffff, v16  }
0xf9: {  	v58 =	vor.u32 v6, v38;
	v39 =	vor.u32 v15, v37;
	v59 =	vld.idx.msk [tilespmem:v53+s12+$0x0], $0xffff;
	v34 =	vmul.f32 $8.000000000e+00, v34;
	[tilespmem:$0x1FED0] =	vst v11  }
0xfa: {  	v31 =	vshll.u32 v31, $0x7;
	v16 =	vor.u32 v18, v32;
	v53 =	vor.u32 v2, v35;
	[tilespmem:v55+s15+$0x0] =	vst.idx.msk $0xffff, v17  }
0xfb: {  	v31 =	vand.u32 $0x1400, v31;
	v54 =	vor.u32 v2, v38;
	v49 =	vmul.f32 $8.000000000e+00, v49;
	v17 =	vld.idx.msk [tilespmem:v56+s12+$0x0], $0xffff;
	[tilespmem:v52+s15+$0x0] =	vst.idx.msk $0xffff, v34  }
0xfc: {  	v42 =	vmul.f32 $8.000000000e+00, v42;
	v34 =	vor.u32 v61, v31;
	v31 =	vor.u32 v4, v23;
	v50 =	vld.idx.msk [tilespmem:v50+s12+$0x0], $0xffff;
	[tilespmem:$0x1FEE0] =	vst v61  }
0xfd: {  	v55 =	vor.u32 v15, v33;
	v56 =	vor.u32 v4, v32;
	[tilespmem:v62+s15+$0x0] =	vst.idx.msk $0xffff, v49  }
0xfe: {  	v52 =	vor.u32 v6, v35;
	v0 =	vld.idx.msk [tilespmem:v0+s12+$0x0], $0xffff;
	v49 =	vor.u32 v1, v34;
	[tilespmem:v36+s15+$0x0] =	vst.idx.msk $0xffff, v42  }
0xff: {  	v61 =	vshll.u32 v57, $0x7;
	v42 =	vor.u32 v13, v37;
	v13 =	vor.u32 v14, v28;
	v62 =	vld.idx.msk [tilespmem:v29+s12+$0x0], $0xffff;
	[tilespmem:$0x1FEF0] =	vst v28  }
0x100: {  	v14 =	vor.u32 v63, v22;
	v47 =	vmul.f32 $8.000000000e+00, v59;
	v29 =	vand.u32 $0x1400, v61;
	v16 =	vld.idx.msk [tilespmem:v16+s12+$0x0], $0xffff  }
0x101: {  	v5 =	vmovc v63;
	v36 =	vor.u32 v12, v44;
	[tilespmem:$0x1FF00] =	vst v20;
	v33 =	vor.u32 v20, v29;
	v17 =	vmul.f32 $8.000000000e+00, v17  }
0x102: {  	[tilespmem:v60+s15+$0x0] =	vst.idx.msk $0xffff, v47;
	v60 =	vor.u32 v6, v44;
	v59 =	vmul.f32 $8.000000000e+00, v50;
	v50 =	vor.u32 v1, v33  }
0x103: {  	v57 =	vor.u32 $0x10, v19;
	v31 =	vld.idx.msk [tilespmem:v31+s12+$0x0], $0xffff;
	v0 =	vmul.f32 $8.000000000e+00, v0;
	[tilespmem:v49+s15+$0x0] =	vst.idx.msk $0xffff, v17;
	v17 =	vor.u32 v2, v32  }
0x104: {  	v63 =	vor.u32 v63, v24;
	v29 =	vand.u32 $0x380, v40;
	[tilespmem:v42+s15+$0x0] =	vst.idx.msk $0xffff, v59;
	v61 =	vld.idx.msk [tilespmem:v53+s12+$0x0], $0xffff;
	v62 =	vmul.f32 $8.000000000e+00, v62  }
0x105: {  	v40 =	vor.u32 v10, v44;
	[tilespmem:v55+s15+$0x0] =	vst.idx.msk $0xffff, v0;
	v0 =	vshll.u32 v43, $0x7;
	v49 =	vld.idx.msk [tilespmem:v13+s12+$0x0], $0xffff;
	v16 =	vmul.f32 $8.000000000e+00, v16  }
0x106: {  	v13 =	vor.u32 v6, v23;
	v51 =	vld.idx.msk [tilespmem:v51+s12+$0x0], $0xffff;
	[tilespmem:v14+s15+$0x0] =	vst.idx.msk $0xffff, v62;
	v14 =	vor.u32 v3, v34  }
0x107: {  	v55 =	vor.u32 v4, v35;
	v43 =	vand.u32 $0x1F, v57;
	v0 =	vand.u32 $0xC00, v0;
	[tilespmem:v50+s15+$0x0] =	vst.idx.msk $0xffff, v16;
	v16 =	vld.idx.msk [tilespmem:v60+s12+$0x0], $0xffff  }
0x108: {  	v31 =	vmul.f32 $8.000000000e+00, v31;
	v42 =	vor.u32 v29, v0;
	v0 =	vor.u32 v18, v43;
	v17 =	vld.idx.msk [tilespmem:v17+s12+$0x0], $0xffff  }
0x109: {  	v59 =	vor.u32 v8, v44;
	v12 =	vor.u32 v1, v42;
	v47 =	vmul.f32 $8.000000000e+00, v61  }
0x10a: {  	v53 =	vor.u32 v8, v38;
	[tilespmem:v63+s15+$0x0] =	vst.idx.msk $0xffff, v31;
	v63 =	vor.u32 v7, v22;
	v31 =	vmul.f32 $8.000000000e+00, v49  }
0x10b: {  	v62 =	vshll.u32 v57, $0x7;
	v60 =	vor.u32 v3, v33;
	v49 =	vld.idx.msk [tilespmem:v13+s12+$0x0], $0xffff;
	[tilespmem:v14+s15+$0x0] =	vst.idx.msk $0xffff, v47  }
0x10c: {  	v13 =	vmul.f32 $8.000000000e+00, v51;
	v47 =	vshll.u32 v25, $0x7;
	v16 =	vmul.f32 $8.000000000e+00, v16;
	[tilespmem:v39+s15+$0x0] =	vst.idx.msk $0xffff, v31;
	v14 =	vld.idx.msk [tilespmem:v55+s12+$0x0], $0xffff  }
0x10d: {  	v55 =	vor.u32 v7, v24;
	v31 =	vand.u32 $0x380, v37;
	v17 =	vmul.f32 $8.000000000e+00, v17;
	v57 =	vld.idx.msk [tilespmem:v0+s12+$0x0], $0xffff  }
0x10e: {  	[tilespmem:v12+s15+$0x0] =	vst.idx.msk $0xffff, v13;
	v0 =	vand.u32 $0x7FFFFC00, v62;
	v12 =	vor.u32 v8, v23;
	v13 =	vor.u32 v5, v34  }
0x10f: {  	v61 =	vld.idx.msk [tilespmem:v54+s12+$0x0], $0xffff;
	v44 =	vor.u32 v31, v0;
	[tilespmem:v63+s15+$0x0] =	vst.idx.msk $0xffff, v16;
	v63 =	vor.u32 v2, v43  }
0x110: {  	v20 =	vmovc v19;
	v0 =	vor.u32 v3, v42;
	v62 =	vor.u32 v1, v44;
	v16 =	vmul.f32 $8.000000000e+00, v49;
	v50 =	vld.idx.msk [tilespmem:v59+s12+$0x0], $0xffff  }
0x111: {  	[tilespmem:v60+s15+$0x0] =	vst.idx.msk $0xffff, v17;
	v60 =	vor.u32 v4, v38;
	v17 =	vld.idx.msk [tilespmem:v27+s12+$0x0], $0xffff;
	v49 =	vand.u32 $0x780, v47;
	v14 =	vmul.f32 $8.000000000e+00, v14  }
0x112: {  	s31 =	simm.s32 $0x7;
	v54 =	vld.idx.msk [tilespmem:v56+s12+$0x0], $0xffff;
	v59 =	vor.u32 v5, v49;
	v56 =	vor.u32 v6, v32;
	[tilespmem:v55+s15+$0x0] =	vst.idx.msk $0xffff, v16  }
0x113: {  	s25 =	simm.s32 $0x8;
	s24 =	sshll.u32 s23, $0xA;
	v37 =	vadd.s32 s31, v1;
	v55 =	vor.u32 v5, v33;
	v16 =	vmul.f32 $8.000000000e+00, v57;
	v51 =	vld.idx.msk [tilespmem:v12+s12+$0x0], $0xffff;
	[tilespmem:v13+s15+$0x0] =	vst.idx.msk $0xffff, v14  }
.LBB2_3:
0x114: {  	v28 =	vld [tilespmem:$0x1FF10]  }
0x115: {  	v39 =	vld [tilespmem:$0x1FF90]  }
0x116: {  	v9 =	vld [tilespmem:$0x1FFA0]  }
0x117: {  	v57 =	vand.u32 $0xF, v37  }
0x118: {  	v1 =	vlaneseq.u32;
	v12 =	vor.u32 v7, v34;
	v10 =	vld [tilespmem:$0x1FFB0];
	v61 =	vmul.f32 $8.000000000e+00, v61;
	[tilespmem:v62+s15+$0x0] =	vst.idx.msk $0xffff, v16  }
0x119: {  	v16 =	vld.idx.msk [tilespmem:v52+s12+$0x0], $0xffff;
	v18 =	vor.u32 v1, v49;
	v54 =	vmul.f32 $8.000000000e+00, v54;
	v52 =	vor.u32 v28, v57  }
0x11a: {  	v62 =	vld.idx.msk [tilespmem:v63+s12+$0x0], $0xffff;
	[tilespmem:v0+s15+$0x0] =	vst.idx.msk $0xffff, v61;
	v0 =	vmul.f32 $8.000000000e+00, v50;
	v63 =	vor.u32 v39, v24  }
0x11b: {  	v27 =	vor.u32 v8, v35;
	v60 =	vld.idx.msk [tilespmem:v60+s12+$0x0], $0xffff;
	v50 =	vor.u32 v9, v23;
	[tilespmem:v55+s15+$0x0] =	vst.idx.msk $0xffff, v54  }
0x11c: {  	v13 =	vor.u32 v3, v44;
	v17 =	vmul.f32 $8.000000000e+00, v17;
	v55 =	vld.idx.msk [tilespmem:v56+s12+$0x0], $0xffff;
	[tilespmem:v46+s15+$0x0] =	vst.idx.msk $0xffff, v0  }
0x11d: {  	v14 =	vor.u32 v4, v43;
	v19 =	vor.u32 v5, v42;
	v0 =	vmul.f32 $8.000000000e+00, v51;
	v40 =	vld.idx.msk [tilespmem:v40+s12+$0x0], $0xffff  }
0x11e: {  	v56 =	vor.u32 v10, v22;
	v16 =	vmul.f32 $8.000000000e+00, v16;
	[tilespmem:v18+s15+$0x0] =	vst.idx.msk $0xffff, v17;
	v52 =	vld.idx.msk [tilespmem:v52+s12+$0x0], $0xffff  }
0x11f: {  	v46 =	vshll.u32 v57, $0x7;
	v17 =	vor.u32 v7, v33;
	v48 =	vld.idx.msk [tilespmem:v48+s12+$0x0], $0xffff;
	[tilespmem:v63+s15+$0x0] =	vst.idx.msk $0xffff, v0;
	v0 =	vmul.f32 $8.000000000e+00, v62  }
0x120: {  	[tilespmem:v12+s15+$0x0] =	vst.idx.msk $0xffff, v16;
	v16 =	vor.u32 v8, v32;
	v18 =	vld.idx.msk [tilespmem:v50+s12+$0x0], $0xffff;
	v50 =	vor.u32 v1, v46  }
0x121: {  	v60 =	vmul.f32 $8.000000000e+00, v60;
	[tilespmem:v13+s15+$0x0] =	vst.idx.msk $0xffff, v0;
	v0 =	vld.idx.msk [tilespmem:v27+s12+$0x0], $0xffff;
	v27 =	vor.u32 v2, v57  }
0x122: {  	v11 =	vld [tilespmem:$0x1FFC0];
	v12 =	vor.u32 v10, v24;
	v54 =	vmul.f32 $8.000000000e+00, v55  }
0x123: {  	v26 =	vor.u32 v3, v49;
	[tilespmem:v19+s15+$0x0] =	vst.idx.msk $0xffff, v60;
	v51 =	vld.idx.msk [tilespmem:v14+s12+$0x0], $0xffff;
	v52 =	vmul.f32 $8.000000000e+00, v52  }
0x124: {  	v40 =	vmul.f32 $8.000000000e+00, v40;
	v58 =	vld.idx.msk [tilespmem:v58+s12+$0x0], $0xffff;
	[tilespmem:v17+s15+$0x0] =	vst.idx.msk $0xffff, v54  }
0x125: {  	v14 =	vor.u32 v39, v34;
	v16 =	vld.idx.msk [tilespmem:v16+s12+$0x0], $0xffff;
	v18 =	vmul.f32 $8.000000000e+00, v18;
	[tilespmem:v50+s15+$0x0] =	vst.idx.msk $0xffff, v52  }
0x126: {  	v62 =	vmul.f32 $8.000000000e+00, v48;
	[tilespmem:v56+s15+$0x0] =	vst.idx.msk $0xffff, v40;
	v27 =	vld.idx.msk [tilespmem:v27+s12+$0x0], $0xffff  }
0x127: {  	v13 =	vor.u32 v11, v23;
	[tilespmem:v12+s15+$0x0] =	vst.idx.msk $0xffff, v18;
	v12 =	vld [tilespmem:$0x1FFD0]  }
0x128: {  	v36 =	vld.idx.msk [tilespmem:v36+s12+$0x0], $0xffff;
	[tilespmem:v26+s15+$0x0] =	vst.idx.msk $0xffff, v62;
	v0 =	vmul.f32 $8.000000000e+00, v0  }
0x129: {  	v19 =	vor.u32 v9, v35;
	v17 =	vor.u32 v5, v44;
	v45 =	vld.idx.msk [tilespmem:v45+s12+$0x0], $0xffff  }
0x12a: {  	v63 =	vor.u32 v6, v43;
	v26 =	vor.u32 v39, v33;
	[tilespmem:v14+s15+$0x0] =	vst.idx.msk $0xffff, v0;
	v14 =	vld [tilespmem:$0x1FED0]  }
0x12b: {  	v50 =	vor.u32 v7, v42  }
0x12c: {  	v18 =	vmul.f32 $8.000000000e+00, v51;
	v40 =	vld.idx.msk [tilespmem:v13+s12+$0x0], $0xffff;
	v60 =	vor.u32 v12, v22  }
0x12d: {  	v16 =	vmul.f32 $8.000000000e+00, v16;
	v13 =	vld [tilespmem:$0x1FFE0]  }
0x12e: {  	v62 =	vmul.f32 $8.000000000e+00, v58;
	[tilespmem:v17+s15+$0x0] =	vst.idx.msk $0xffff, v18;
	v17 =	vld.idx.msk [tilespmem:v19+s12+$0x0], $0xffff  }
0x12f: {  	v36 =	vmul.f32 $8.000000000e+00, v36;
	v19 =	vld.idx.msk [tilespmem:v63+s12+$0x0], $0xffff;
	[tilespmem:v26+s15+$0x0] =	vst.idx.msk $0xffff, v16  }
0x130: {  	v61 =	vor.u32 v3, v46;
	v0 =	vor.u32 v9, v32;
	[tilespmem:v50+s15+$0x0] =	vst.idx.msk $0xffff, v62  }
0x131: {  	v18 =	vor.u32 v4, v57;
	v63 =	vor.u32 v12, v24;
	v53 =	vld.idx.msk [tilespmem:v53+s12+$0x0], $0xffff;
	[tilespmem:v60+s15+$0x0] =	vst.idx.msk $0xffff, v36  }
0x132: {  	v16 =	vor.u32 v7, v44;
	v23 =	vor.u32 v13, v23;
	v60 =	vmul.f32 $8.000000000e+00, v45;
	v45 =	vld.idx.msk [tilespmem:v14+s12+$0x0], $0xffff  }
0x133: {  	v27 =	vmul.f32 $8.000000000e+00, v27;
	v14 =	vld [tilespmem:$0x1FFF0]  }
0x134: {  	v15 =	vld [tilespmem:$0x1FEA0];
	v58 =	vor.u32 v10, v34;
	v26 =	vmul.f32 $8.000000000e+00, v40  }
0x135: {  	v54 =	vor.u32 v11, v35;
	v0 =	vld.idx.msk [tilespmem:v0+s12+$0x0], $0xffff;
	[tilespmem:v61+s15+$0x0] =	vst.idx.msk $0xffff, v27;
	v19 =	vmul.f32 $8.000000000e+00, v19  }
0x136: {  	v27 =	vor.u32 v8, v43;
	v61 =	vor.u32 v39, v42;
	v18 =	vld.idx.msk [tilespmem:v18+s12+$0x0], $0xffff;
	[tilespmem:v63+s15+$0x0] =	vst.idx.msk $0xffff, v26  }
0x137: {  	v17 =	vmul.f32 $8.000000000e+00, v17;
	v63 =	vor.u32 v10, v33;
	v23 =	vld.idx.msk [tilespmem:v23+s12+$0x0], $0xffff;
	[tilespmem:v16+s15+$0x0] =	vst.idx.msk $0xffff, v19  }
0x138: {  	v62 =	vld [tilespmem:$0x1FEB0];
	v26 =	vand.u32 $0x7, v21;
	v53 =	vmul.f32 $8.000000000e+00, v53;
	[tilespmem:v59+s15+$0x0] =	vst.idx.msk $0xffff, v60;
	v22 =	vor.u32 v14, v22  }
0x139: {  	v41 =	vld.idx.msk [tilespmem:v41+s12+$0x0], $0xffff;
	[tilespmem:v58+s15+$0x0] =	vst.idx.msk $0xffff, v17;
	v17 =	vor.u32 v11, v32;
	v58 =	vor.u32 v5, v46  }
0x13a: {  	v19 =	vor.u32 v9, v38;
	v0 =	vmul.f32 $8.000000000e+00, v0;
	v59 =	vmovc v21;
	v16 =	vld.idx.msk [tilespmem:v54+s12+$0x0], $0xffff;
	v24 =	vor.u32 v14, v24  }
0x13b: {  	v21 =	vor.u32 v7, v49;
	v60 =	vor.u32 v6, v57;
	[tilespmem:v61+s15+$0x0] =	vst.idx.msk $0xffff, v53;
	v45 =	vmul.f32 $8.000000000e+00, v45  }
0x13c: {  	v27 =	vld.idx.msk [tilespmem:v27+s12+$0x0], $0xffff;
	v18 =	vmul.f32 $8.000000000e+00, v18;
	v61 =	vor.u32 v12, v34;
	[tilespmem:v63+s15+$0x0] =	vst.idx.msk $0xffff, v0  }
0x13d: {  	[tilespmem:v22+s15+$0x0] =	vst.idx.msk $0xffff, v45;
	v22 =	vmul.f32 $8.000000000e+00, v23  }
0x13e: {  	v52 =	vor.u32 $0x30, v62;
	v62 =	vor.u32 v13, v35;
	v17 =	vld.idx.msk [tilespmem:v17+s12+$0x0], $0xffff;
	[tilespmem:v58+s15+$0x0] =	vst.idx.msk $0xffff, v18;
	v23 =	vmul.f32 $8.000000000e+00, v41  }
0x13f: {  	v63 =	vor.u32 v39, v44;
	v16 =	vmul.f32 $8.000000000e+00, v16;
	v19 =	vld.idx.msk [tilespmem:v19+s12+$0x0], $0xffff;
	[tilespmem:v24+s15+$0x0] =	vst.idx.msk $0xffff, v22  }
0x140: {  	v18 =	vor.u32 v9, v43;
	[tilespmem:v21+s15+$0x0] =	vst.idx.msk $0xffff, v23;
	v23 =	vor.u32 v12, v33;
	v22 =	vld.idx.msk [tilespmem:v60+s12+$0x0], $0xffff  }
0x141: {  	v24 =	vld.idx.msk [tilespmem:v15+s12+$0x0], $0xffff;
	[tilespmem:v61+s15+$0x0] =	vst.idx.msk $0xffff, v16;
	v16 =	vor.u32 v13, v32;
	v32 =	vor.u32 v10, v42  }
0x142: {  	v53 =	vor.u32 v7, v46;
	v54 =	vor.u32 v11, v38;
	v21 =	vmul.f32 $8.000000000e+00, v27  }
0x143: {  	v17 =	vmul.f32 $8.000000000e+00, v17;
	v35 =	vld.idx.msk [tilespmem:v62+s12+$0x0], $0xffff  }
0x144: {  	[tilespmem:v63+s15+$0x0] =	vst.idx.msk $0xffff, v21;
	v21 =	vld [tilespmem:$0x1FE90];
	v19 =	vmul.f32 $8.000000000e+00, v19  }
0x145: {  	v55 =	vor.u32 v11, v30;
	v18 =	vld.idx.msk [tilespmem:v18+s12+$0x0], $0xffff;
	[tilespmem:v23+s15+$0x0] =	vst.idx.msk $0xffff, v17;
	v17 =	vmul.f32 $8.000000000e+00, v22  }
0x146: {  	v50 =	vor.u32 $0x10, v25;
	v40 =	vadd.s32 s25, v1;
	v36 =	vor.u32 v13, v30;
	v16 =	vld.idx.msk [tilespmem:v16+s12+$0x0], $0xffff;
	[tilespmem:v32+s15+$0x0] =	vst.idx.msk $0xffff, v19  }
0x147: {  	v56 =	vshll.u32 v52, $0x7;
	v0 =	vand.u32 $0xF, v40;
	v61 =	vor.u32 v8, v57;
	[tilespmem:v53+s15+$0x0] =	vst.idx.msk $0xffff, v17;
	v17 =	vld.idx.msk [tilespmem:v54+s12+$0x0], $0xffff  }
0x148: {  	v52 =	vand.u32 $0x3F, v52;
	[tilespmem:$0x1FEB0] =	vst v59;
	v59 =	vor.u32 v8, v0;
	v60 =	vor.u32 v39, v49;
	v54 =	vld [tilespmem:$0x1FEC0]  }
0x149: {  	v48 =	vor.u32 v2, v0;
	v27 =	vor.u32 v9, v30;
	v62 =	vor.u32 v14, v34  }
0x14a: {  	v51 =	vor.u32 v28, v0;
	[tilespmem:$0x1FEA0] =	vst v59;
	v59 =	vor.u32 v9, v57;
	v22 =	vor.u32 v10, v44  }
0x14b: {  	v58 =	vor.u32 v10, v49;
	v23 =	vmul.f32 $8.000000000e+00, v24;
	v19 =	vor.u32 v11, v43  }
0x14c: {  	v33 =	vor.u32 v14, v33;
	v63 =	vor.u32 v28, v52;
	v24 =	vmul.f32 $8.000000000e+00, v35;
	v35 =	vld.idx.msk [tilespmem:v61+s12+$0x0], $0xffff  }
0x14d: {  	[tilespmem:v60+s15+$0x0] =	vst.idx.msk $0xffff, v23;
	v18 =	vmul.f32 $8.000000000e+00, v18;
	v32 =	vor.u32 $0x30, v54;
	v54 =	vor.u32 $0x20, v21;
	v21 =	vmovc v30;
	v30 =	vld [tilespmem:$0x1FEE0]  }
0x14e: {  	v41 =	vor.u32 v6, v0;
	v15 =	vmov v25;
	v27 =	vld.idx.msk [tilespmem:v27+s12+$0x0], $0xffff;
	[tilespmem:v62+s15+$0x0] =	vst.idx.msk $0xffff, v24;
	v23 =	vand.u32 $0x3F, v32  }
0x14f: {  	v34 =	vor.u32 v12, v42;
	[tilespmem:v22+s15+$0x0] =	vst.idx.msk $0xffff, v18;
	v16 =	vmul.f32 $8.000000000e+00, v16;
	v24 =	vor.u32 v28, v23  }
0x150: {  	v25 =	vmovc v40;
	v40 =	vor.u32 v39, v46;
	v22 =	vand.u32 $0x1C00, v56;
	v56 =	vor.u32 v13, v38;
	v19 =	vld.idx.msk [tilespmem:v19+s12+$0x0], $0xffff  }
0x151: {  	v45 =	vor.u32 v4, v0;
	v53 =	vor.u32 v4, v52;
	v62 =	vmov v20;
	v20 =	vld [tilespmem:$0x1FF00];
	[tilespmem:v33+s15+$0x0] =	vst.idx.msk $0xffff, v16  }
0x152: {  	v18 =	vld.idx.msk [tilespmem:v63+s12+$0x0], $0xffff;
	v33 =	vor.u32 v12, v44;
	v22 =	vor.u32 v30, v22;
	v30 =	vmovc v0;
	v0 =	vmul.f32 $8.000000000e+00, v17  }
0x153: {  	v60 =	vor.u32 v2, v52;
	v63 =	vmovc v29;
	[tilespmem:$0x1FE90] =	vst v21;
	v16 =	vmul.f32 $8.000000000e+00, v35;
	v27 =	vmul.f32 $8.000000000e+00, v27  }
0x154: {  	v21 =	vmov v37;
	v17 =	vor.u32 v1, v22;
	v61 =	vld.idx.msk [tilespmem:v24+s12+$0x0], $0xffff;
	v24 =	vshll.u32 v32, $0x7;
	[tilespmem:v34+s15+$0x0] =	vst.idx.msk $0xffff, v0  }
0x155: {  	v37 =	vor.u32 v12, v49;
	v19 =	vmul.f32 $8.000000000e+00, v19;
	[tilespmem:v40+s15+$0x0] =	vst.idx.msk $0xffff, v16;
	v24 =	vand.u32 $0x7FFFFC00, v24;
	v16 =	vld.idx.msk [tilespmem:v56+s12+$0x0], $0xffff  }
0x156: {  	v0 =	vor.u32 v13, v43;
	[tilespmem:v58+s15+$0x0] =	vst.idx.msk $0xffff, v27;
	v27 =	vld.idx.msk [tilespmem:v59+s12+$0x0], $0xffff;
	v24 =	vor.u32 v20, v24  }
0x157: {  	v18 =	vmul.f32 $8.000000000e+00, v18;
	[tilespmem:v33+s15+$0x0] =	vst.idx.msk $0xffff, v19;
	v20 =	vand.u32 $0x28, v54;
	v34 =	vld.idx.msk [tilespmem:v55+s12+$0x0], $0xffff;
	v29 =	vor.u32 v1, v24  }
0x158: {  	[tilespmem:$0x1FEC0] =	vst v62;
	v35 =	vor.u32 v26, v20;
	v26 =	vor.u32 v10, v46;
	v10 =	vld [tilespmem:$0x1FEF0];
	v59 =	vor.u32 v3, v24  }
0x159: {  	v38 =	vand.u32 $0x1F, v50;
	[tilespmem:v17+s15+$0x0] =	vst.idx.msk $0xffff, v18;
	v17 =	vor.u32 v2, v23;
	v18 =	vor.u32 v14, v42  }
0x15a: {  	v33 =	vor.u32 v28, v35;
	v19 =	vld.idx.msk [tilespmem:v60+s12+$0x0], $0xffff;
	v60 =	vmul.f32 $8.000000000e+00, v61;
	v20 =	vmovc v31;
	v31 =	vor.u32 v11, v57  }
0x15b: {  	[tilespmem:$0x1FEE0] =	vst v63;
	v56 =	vmovc v57;
	v0 =	vld.idx.msk [tilespmem:v0+s12+$0x0], $0xffff;
	v61 =	vor.u32 v3, v22;
	v57 =	vand.u32 $0x7, v62;
	v16 =	vmul.f32 $8.000000000e+00, v16  }
0x15c: {  	[tilespmem:$0x1FEF0] =	vst v56;
	v62 =	vor.u32 v14, v49;
	v27 =	vmul.f32 $8.000000000e+00, v27;
	v34 =	vmul.f32 $8.000000000e+00, v34  }
0x15d: {  	v40 =	vor.u32 $0x20, v10;
	[tilespmem:v29+s15+$0x0] =	vst.idx.msk $0xffff, v60;
	v29 =	vor.u32 v14, v44;
	v10 =	vor.u32 v13, v52  }
0x15e: {  	v60 =	vor.u32 v2, v35;
	v58 =	vand.u32 $0x28, v40;
	[tilespmem:v18+s15+$0x0] =	vst.idx.msk $0xffff, v16;
	v18 =	vor.u32 v28, v38  }
0x15f: {  	v17 =	vld.idx.msk [tilespmem:v17+s12+$0x0], $0xffff;
	[tilespmem:v26+s15+$0x0] =	vst.idx.msk $0xffff, v27;
	v27 =	vshll.u32 v54, $0x7;
	v32 =	vor.u32 v57, v58;
	v19 =	vmul.f32 $8.000000000e+00, v19  }
0x160: {  	v26 =	vld.idx.msk [tilespmem:v33+s12+$0x0], $0xffff;
	[tilespmem:v37+s15+$0x0] =	vst.idx.msk $0xffff, v34;
	v27 =	vand.u32 $0x1400, v27;
	v0 =	vmul.f32 $8.000000000e+00, v0;
	v37 =	vor.u32 v8, v52  }
0x161: {  	v31 =	vld.idx.msk [tilespmem:v31+s12+$0x0], $0xffff;
	v16 =	vor.u32 v28, v32;
	v34 =	vor.u32 v63, v27;
	v63 =	vor.u32 v13, v56  }
0x162: {  	v36 =	vld.idx.msk [tilespmem:v36+s12+$0x0], $0xffff;
	v13 =	vor.u32 v6, v52;
	v56 =	vor.u32 v7, v22;
	[tilespmem:v61+s15+$0x0] =	vst.idx.msk $0xffff, v19  }
0x163: {  	v19 =	vor.u32 v4, v23;
	v27 =	vor.u32 v1, v34;
	v61 =	vor.u32 v12, v46  }
0x164: {  	v12 =	vor.u32 v5, v22;
	[tilespmem:v29+s15+$0x0] =	vst.idx.msk $0xffff, v0;
	v29 =	vshll.u32 v40, $0x7;
	v40 =	vor.u32 v9, v52  }
0x165: {  	v0 =	vld.idx.msk [tilespmem:v53+s12+$0x0], $0xffff;
	v53 =	vor.u32 v8, v38;
	v17 =	vmul.f32 $8.000000000e+00, v17;
	v29 =	vand.u32 $0x1400, v29  }
0x166: {  	v26 =	vmul.f32 $8.000000000e+00, v26;
	v33 =	vor.u32 v20, v29;
	v29 =	vand.u32 $0x380, v47  }
0x167: {  	v16 =	vld.idx.msk [tilespmem:v16+s12+$0x0], $0xffff;
	[tilespmem:v59+s15+$0x0] =	vst.idx.msk $0xffff, v17;
	v17 =	vmul.f32 $8.000000000e+00, v31;
	v31 =	vor.u32 v1, v33;
	v57 =	vmul.f32 $8.000000000e+00, v36  }
0x168: {  	v36 =	vor.u32 v11, v52;
	v59 =	vor.u32 v5, v24;
	v19 =	vld.idx.msk [tilespmem:v19+s12+$0x0], $0xffff;
	[tilespmem:v27+s15+$0x0] =	vst.idx.msk $0xffff, v26  }
0x169: {  	v47 =	vor.u32 v3, v33;
	v52 =	vor.u32 v6, v35;
	[tilespmem:v61+s15+$0x0] =	vst.idx.msk $0xffff, v17;
	v17 =	vld.idx.msk [tilespmem:v60+s12+$0x0], $0xffff  }
0x16a: {  	v26 =	vor.u32 v2, v32;
	v27 =	vshll.u32 v50, $0x7;
	v0 =	vmul.f32 $8.000000000e+00, v0;
	[tilespmem:v62+s15+$0x0] =	vst.idx.msk $0xffff, v57;
	v58 =	vld.idx.msk [tilespmem:v63+s12+$0x0], $0xffff  }
0x16b: {  	v55 =	vor.u32 v5, v33;
	v27 =	vand.u32 $0xC00, v27;
	v62 =	vor.u32 v3, v34;
	v18 =	vld.idx.msk [tilespmem:v18+s12+$0x0], $0xffff  }
0x16c: {  	v42 =	vor.u32 v29, v27;
	[tilespmem:v12+s15+$0x0] =	vst.idx.msk $0xffff, v0;
	v0 =	vor.u32 v6, v23;
	v16 =	vmul.f32 $8.000000000e+00, v16  }
0x16d: {  	v60 =	vor.u32 v4, v35;
	v61 =	vor.u32 $0x10, v21;
	v63 =	vor.u32 v1, v42  }
0x16e: {  	v43 =	vand.u32 $0x1F, v61;
	v19 =	vmul.f32 $8.000000000e+00, v19;
	[tilespmem:v31+s15+$0x0] =	vst.idx.msk $0xffff, v16;
	v16 =	vld.idx.msk [tilespmem:v13+s12+$0x0], $0xffff;
	v31 =	vor.u32 v14, v46  }
0x16f: {  	v27 =	vor.u32 v28, v43;
	v17 =	vmul.f32 $8.000000000e+00, v17;
	v13 =	vor.u32 v7, v24;
	v26 =	vld.idx.msk [tilespmem:v26+s12+$0x0], $0xffff  }
0x170: {  	v14 =	vor.u32 v8, v23;
	[tilespmem:v59+s15+$0x0] =	vst.idx.msk $0xffff, v19;
	v19 =	vor.u32 v2, v38;
	v18 =	vmul.f32 $8.000000000e+00, v18  }
0x171: {  	v12 =	vshll.u32 v61, $0x7;
	v44 =	vmul.f32 $8.000000000e+00, v58;
	v58 =	vor.u32 v6, v38;
	v0 =	vld.idx.msk [tilespmem:v0+s12+$0x0], $0xffff;
	[tilespmem:v62+s15+$0x0] =	vst.idx.msk $0xffff, v17  }
0x172: {  	v17 =	vor.u32 v4, v32;
	v57 =	vld.idx.msk [tilespmem:v60+s12+$0x0], $0xffff;
	[tilespmem:v63+s15+$0x0] =	vst.idx.msk $0xffff, v18;
	v18 =	vand.u32 $0x7FFFFC00, v12  }
0x173: {  	v60 =	vor.u32 v4, v38;
	[tilespmem:v31+s15+$0x0] =	vst.idx.msk $0xffff, v44;
	v16 =	vmul.f32 $8.000000000e+00, v16;
	v31 =	vand.u32 $0x380, v46  }
0x174: {  	p1 =	slt.u32 s25, $0xE;
	[tilespmem:$0x1FF00] =	vst v20;
	v27 =	vld.idx.msk [tilespmem:v27+s12+$0x0], $0xffff;
	v26 =	vmul.f32 $8.000000000e+00, v26;
	v44 =	vor.u32 v31, v18;
	v18 =	vor.u32 v5, v34  }
.Ltmp2:
0x175: {  	v63 =	vor.u32 v2, v43;
	v46 =	vor.u32 v39, v22;
	v61 =	vld.idx.msk [tilespmem:v19+s12+$0x0], $0xffff;
	[tilespmem:v56+s15+$0x0] =	vst.idx.msk $0xffff, v16;
	(pc) =	sbr.rel @p1 .LBB2_3-.Ltmp2, $4  }
0x176: {  	v62 =	vor.u32 v1, v44;
	v16 =	vmul.f32 $8.000000000e+00, v0;
	[tilespmem:v47+s15+$0x0] =	vst.idx.msk $0xffff, v26;
	v50 =	vld.idx.msk [tilespmem:v37+s12+$0x0], $0xffff  }
0x177: {  	[tilespmem:$0x1FED0] =	vst v10;
	v20 =	vmovc v21;
	v0 =	vor.u32 v3, v42;
	v47 =	vshll.u32 v25, $0x7;
	v19 =	vmul.f32 $8.000000000e+00, v57;
	v54 =	vld.idx.msk [tilespmem:v17+s12+$0x0], $0xffff  }
0x178: {  	s26 =	sadd.s32 $0x1, s25;
	v21 =	vmov v15;
	v56 =	vor.u32 v6, v32;
	v17 =	vld.idx.msk [tilespmem:v51+s12+$0x0], $0xffff;
	v49 =	vand.u32 $0x780, v47;
	[tilespmem:v13+s15+$0x0] =	vst.idx.msk $0xffff, v16  }
0x179: {  	s25 =	sadd.s32 $0x2, s25;
	v37 =	vadd.s32 s26, v1;
	v59 =	vor.u32 v5, v49;
	v51 =	vld.idx.msk [tilespmem:v14+s12+$0x0], $0xffff;
	v16 =	vmul.f32 $8.000000000e+00, v27;
	[tilespmem:v18+s15+$0x0] =	vst.idx.msk $0xffff, v19  }
0x17a: {  	v28 =	vld [tilespmem:$0x1FF10];
	_ =	sdelay $0x3  }
0x17b: {  	v1 =	vand.u32 $0xF, v37  }
0x17c: {  	v18 =	vor.u32 v28, v1  }
0x17d: {  	v9 =	vlaneseq.u32  }
0x17e: {  	v19 =	vor.u32 v9, v49;
	_ =	sdelay $0x2  }
0x17f: {  	v17 =	vmul.f32 $8.000000000e+00, v17;
	v18 =	vld.idx.msk [tilespmem:v18+s12+$0x0], $0xffff  }
0x180: {  	v26 =	vshll.u32 v1, $0x7  }
0x181: {  	v27 =	vor.u32 v9, v26;
	[tilespmem:v19+s15+$0x0] =	vst.idx.msk $0xffff, v17  }
0x182: {  	v57 =	vor.u32 v2, v1;
	v11 =	vld.idx.msk [tilespmem:v48+s12+$0x0], $0xffff;
	_ =	sdelay $0x1  }
0x183: {  	v12 =	vor.u32 v3, v49;
	v10 =	vmul.f32 $8.000000000e+00, v18;
	_ =	sdelay $0x1  }
0x184: {  	[tilespmem:v27+s15+$0x0] =	vst.idx.msk $0xffff, v10  }
0x185: {  	v18 =	vmul.f32 $8.000000000e+00, v11;
	v13 =	vld.idx.msk [tilespmem:v57+s12+$0x0], $0xffff;
	_ =	sdelay $0x1  }
0x186: {  	v27 =	vor.u32 v3, v26;
	[tilespmem:v12+s15+$0x0] =	vst.idx.msk $0xffff, v18  }
0x187: {  	v14 =	vor.u32 v4, v1;
	v18 =	vld.idx.msk [tilespmem:v45+s12+$0x0], $0xffff;
	_ =	sdelay $0x1  }
0x188: {  	v39 =	vmul.f32 $8.000000000e+00, v13;
	_ =	sdelay $0x1  }
0x189: {  	[tilespmem:v27+s15+$0x0] =	vst.idx.msk $0xffff, v39  }
0x18a: {  	v18 =	vmul.f32 $8.000000000e+00, v18;
	v17 =	vld.idx.msk [tilespmem:v14+s12+$0x0], $0xffff;
	_ =	sdelay $0x1  }
0x18b: {  	v48 =	vor.u32 v5, v26;
	[tilespmem:v59+s15+$0x0] =	vst.idx.msk $0xffff, v18  }
0x18c: {  	v27 =	vor.u32 v6, v1;
	v18 =	vld.idx.msk [tilespmem:v41+s12+$0x0], $0xffff;
	_ =	sdelay $0x1  }
0x18d: {  	v57 =	vor.u32 v7, v49;
	v17 =	vmul.f32 $8.000000000e+00, v17;
	_ =	sdelay $0x1  }
0x18e: {  	[tilespmem:v48+s15+$0x0] =	vst.idx.msk $0xffff, v17  }
0x18f: {  	v18 =	vmul.f32 $8.000000000e+00, v18;
	v19 =	vld.idx.msk [tilespmem:v27+s12+$0x0], $0xffff;
	_ =	sdelay $0x1  }
0x190: {  	[tilespmem:v57+s15+$0x0] =	vst.idx.msk $0xffff, v18;
	v27 =	vor.u32 v7, v26  }
0x191: {  	v13 =	vld [tilespmem:$0x1FEA0];
	_ =	sdelay $0x1  }
0x192: {  	v12 =	vmul.f32 $8.000000000e+00, v19;
	_ =	sdelay $0x1  }
0x193: {  	v59 =	vor.u32 v8, v1;
	[tilespmem:v27+s15+$0x0] =	vst.idx.msk $0xffff, v12  }
0x194: {  	v9 =	vld [tilespmem:$0x1FF90];
	_ =	sdelay $0x2  }
0x195: {  	v18 =	vld.idx.msk [tilespmem:v13+s12+$0x0], $0xffff  }
0x196: {  	v15 =	vld.idx.msk [tilespmem:v59+s12+$0x0], $0xffff  }
0x197: {  	v10 =	vld [tilespmem:$0x1FFA0];
	v14 =	vor.u32 v9, v49  }
0x198: {  	v39 =	vor.u32 v9, v26;
	_ =	sdelay $0x1  }
0x199: {  	v18 =	vmul.f32 $8.000000000e+00, v18  }
0x19a: {  	v48 =	vmul.f32 $8.000000000e+00, v15  }
0x19b: {  	v27 =	vor.u32 v10, v30;
	[tilespmem:v14+s15+$0x0] =	vst.idx.msk $0xffff, v18  }
0x19c: {  	[tilespmem:v39+s15+$0x0] =	vst.idx.msk $0xffff, v48  }
0x19d: {  	v45 =	vor.u32 v10, v1;
	v11 =	vld [tilespmem:$0x1FFB0];
	_ =	sdelay $0x2  }
0x19e: {  	v18 =	vld.idx.msk [tilespmem:v27+s12+$0x0], $0xffff;
	_ =	sdelay $0x1  }
0x19f: {  	v59 =	vld.idx.msk [tilespmem:v45+s12+$0x0], $0xffff;
	v57 =	vor.u32 v11, v49  }
0x1a0: {  	v12 =	vld [tilespmem:$0x1FFC0]  }
0x1a1: {  	v45 =	vor.u32 v11, v26  }
0x1a2: {  	v18 =	vmul.f32 $8.000000000e+00, v18;
	_ =	sdelay $0x1  }
0x1a3: {  	[tilespmem:v57+s15+$0x0] =	vst.idx.msk $0xffff, v18;
	v57 =	vmul.f32 $8.000000000e+00, v59  }
0x1a4: {  	v27 =	vor.u32 v12, v30  }
0x1a5: {  	[tilespmem:v45+s15+$0x0] =	vst.idx.msk $0xffff, v57  }
0x1a6: {  	v48 =	vor.u32 v12, v1;
	v13 =	vld [tilespmem:$0x1FFD0];
	_ =	sdelay $0x2  }
0x1a7: {  	v18 =	vld.idx.msk [tilespmem:v27+s12+$0x0], $0xffff;
	_ =	sdelay $0x1  }
0x1a8: {  	v45 =	vld.idx.msk [tilespmem:v48+s12+$0x0], $0xffff;
	v59 =	vor.u32 v13, v49  }
0x1a9: {  	v14 =	vld [tilespmem:$0x1FFE0]  }
0x1aa: {  	v48 =	vor.u32 v13, v26  }
0x1ab: {  	v18 =	vmul.f32 $8.000000000e+00, v18;
	_ =	sdelay $0x1  }
0x1ac: {  	[tilespmem:v59+s15+$0x0] =	vst.idx.msk $0xffff, v18;
	v59 =	vmul.f32 $8.000000000e+00, v45  }
0x1ad: {  	v27 =	vor.u32 v14, v30  }
0x1ae: {  	[tilespmem:v48+s15+$0x0] =	vst.idx.msk $0xffff, v59  }
0x1af: {  	v57 =	vor.u32 v14, v1;
	v15 =	vld [tilespmem:$0x1FFF0];
	_ =	sdelay $0x2  }
0x1b0: {  	v18 =	vld.idx.msk [tilespmem:v27+s12+$0x0], $0xffff  }
0x1b1: {  	v19 =	vor.u32 $0x10, v25  }
0x1b2: {  	v48 =	vand.u32 $0x1F, v19;
	v27 =	vld.idx.msk [tilespmem:v57+s12+$0x0], $0xffff;
	v45 =	vor.u32 v15, v49  }
0x1b3: {  	v39 =	vor.u32 v28, v48;
	v57 =	vor.u32 $0x10, v37  }
0x1b4: {  	v59 =	vor.u32 v15, v26;
	v49 =	vand.u32 $0x1F, v57  }
0x1b5: {  	v18 =	vmul.f32 $8.000000000e+00, v18;
	v41 =	vor.u32 v28, v49;
	_ =	sdelay $0x1  }
0x1b6: {  	[tilespmem:v45+s15+$0x0] =	vst.idx.msk $0xffff, v18;
	v45 =	vshll.u32 v19, $0x7;
	v18 =	vmul.f32 $8.000000000e+00, v27  }
0x1b7: {  	v27 =	vand.u32 $0x380, v47;
	v19 =	vld.idx.msk [tilespmem:v39+s12+$0x0], $0xffff;
	v17 =	vand.u32 $0xC00, v45  }
0x1b8: {  	v57 =	vshll.u32 v57, $0x7;
	v28 =	vlaneseq.u32;
	v45 =	vor.u32 v27, v17;
	[tilespmem:v59+s15+$0x0] =	vst.idx.msk $0xffff, v18  }
0x1b9: {  	[tilespmem:v62+s15+$0x0] =	vst.idx.msk $0xffff, v16;
	v62 =	vand.u32 $0x380, v26;
	v17 =	vand.u32 $0x7FFFFC00, v57;
	v16 =	vor.u32 v28, v45;
	v18 =	vld.idx.msk [tilespmem:v41+s12+$0x0], $0xffff  }
0x1ba: {  	v39 =	vmovc v27;
	v59 =	vmul.f32 $8.000000000e+00, v61;
	v27 =	vld.idx.msk [tilespmem:v63+s12+$0x0], $0xffff;
	v41 =	vor.u32 v2, v48;
	v47 =	vor.u32 v62, v17  }
0x1bb: {  	v17 =	vor.u32 v28, v47  }
0x1bc: {  	v26 =	vor.u32 v2, v49;
	[tilespmem:v0+s15+$0x0] =	vst.idx.msk $0xffff, v59;
	v0 =	vor.u32 v3, v44;
	v19 =	vmul.f32 $8.000000000e+00, v19  }
0x1bd: {  	v59 =	vor.u32 v4, v43;
	v57 =	vld.idx.msk [tilespmem:v60+s12+$0x0], $0xffff  }
0x1be: {  	[tilespmem:v16+s15+$0x0] =	vst.idx.msk $0xffff, v19;
	v60 =	vmul.f32 $8.000000000e+00, v18  }
0x1bf: {  	v63 =	vmul.f32 $8.000000000e+00, v27;
	v18 =	vor.u32 v5, v42;
	v27 =	vld.idx.msk [tilespmem:v41+s12+$0x0], $0xffff  }
0x1c0: {  	[tilespmem:v17+s15+$0x0] =	vst.idx.msk $0xffff, v60  }
0x1c1: {  	[tilespmem:v0+s15+$0x0] =	vst.idx.msk $0xffff, v63;
	v0 =	vor.u32 v3, v45;
	v16 =	vld.idx.msk [tilespmem:v26+s12+$0x0], $0xffff  }
0x1c2: {  	v60 =	vmul.f32 $8.000000000e+00, v57;
	v19 =	vld.idx.msk [tilespmem:v59+s12+$0x0], $0xffff;
	v26 =	vor.u32 v4, v48  }
0x1c3: {  	v41 =	vor.u32 v3, v47  }
0x1c4: {  	v17 =	vor.u32 v5, v44;
	[tilespmem:v18+s15+$0x0] =	vst.idx.msk $0xffff, v60;
	v63 =	vmul.f32 $8.000000000e+00, v27;
	v27 =	vor.u32 v4, v49  }
0x1c5: {  	v60 =	vld.idx.msk [tilespmem:v58+s12+$0x0], $0xffff;
	v58 =	vor.u32 v6, v43  }
0x1c6: {  	[tilespmem:v0+s15+$0x0] =	vst.idx.msk $0xffff, v63;
	v0 =	vmul.f32 $8.000000000e+00, v16  }
0x1c7: {  	v16 =	vor.u32 v7, v42;
	v63 =	vmul.f32 $8.000000000e+00, v19;
	v59 =	vld.idx.msk [tilespmem:v26+s12+$0x0], $0xffff  }
0x1c8: {  	[tilespmem:v41+s15+$0x0] =	vst.idx.msk $0xffff, v0  }
0x1c9: {  	[tilespmem:v17+s15+$0x0] =	vst.idx.msk $0xffff, v63;
	v0 =	vor.u32 v5, v45;
	v17 =	vld.idx.msk [tilespmem:v27+s12+$0x0], $0xffff  }
0x1ca: {  	v60 =	vmul.f32 $8.000000000e+00, v60;
	v26 =	vld.idx.msk [tilespmem:v58+s12+$0x0], $0xffff  }
0x1cb: {  	v41 =	vor.u32 v5, v47;
	v27 =	vor.u32 v6, v48  }
0x1cc: {  	v19 =	vor.u32 v6, v49;
	[tilespmem:v16+s15+$0x0] =	vst.idx.msk $0xffff, v60;
	v16 =	vor.u32 v7, v44;
	v63 =	vmul.f32 $8.000000000e+00, v59  }
0x1cd: {  	v57 =	vor.u32 v8, v43;
	v53 =	vld.idx.msk [tilespmem:v53+s12+$0x0], $0xffff  }
0x1ce: {  	[tilespmem:v0+s15+$0x0] =	vst.idx.msk $0xffff, v63;
	v0 =	vmul.f32 $8.000000000e+00, v17  }
0x1cf: {  	v60 =	vor.u32 v9, v42;
	v63 =	vmul.f32 $8.000000000e+00, v26  }
0x1d0: {  	v58 =	vld.idx.msk [tilespmem:v27+s12+$0x0], $0xffff;
	v27 =	vor.u32 v10, v38;
	[tilespmem:v41+s15+$0x0] =	vst.idx.msk $0xffff, v0  }
0x1d1: {  	[tilespmem:v16+s15+$0x0] =	vst.idx.msk $0xffff, v63;
	v16 =	vld.idx.msk [tilespmem:v19+s12+$0x0], $0xffff  }
0x1d2: {  	v0 =	vor.u32 v7, v45;
	v59 =	vmul.f32 $8.000000000e+00, v53;
	v19 =	vld.idx.msk [tilespmem:v57+s12+$0x0], $0xffff  }
0x1d3: {  	v41 =	vor.u32 v8, v48  }
0x1d4: {  	v17 =	vor.u32 v9, v44;
	[tilespmem:v60+s15+$0x0] =	vst.idx.msk $0xffff, v59  }
0x1d5: {  	v63 =	vor.u32 v10, v43;
	v53 =	vor.u32 v7, v47;
	v60 =	vmul.f32 $8.000000000e+00, v58;
	v27 =	vld.idx.msk [tilespmem:v27+s12+$0x0], $0xffff  }
0x1d6: {  	v26 =	vor.u32 v8, v49  }
0x1d7: {  	v18 =	vor.u32 v11, v42;
	[tilespmem:v0+s15+$0x0] =	vst.idx.msk $0xffff, v60;
	v59 =	vmul.f32 $8.000000000e+00, v19  }
0x1d8: {  	v0 =	vmul.f32 $8.000000000e+00, v16;
	v60 =	vld.idx.msk [tilespmem:v41+s12+$0x0], $0xffff;
	v41 =	vor.u32 v12, v38  }
0x1d9: {  	[tilespmem:v17+s15+$0x0] =	vst.idx.msk $0xffff, v59  }
0x1da: {  	[tilespmem:v53+s15+$0x0] =	vst.idx.msk $0xffff, v0;
	v17 =	vld.idx.msk [tilespmem:v63+s12+$0x0], $0xffff;
	v63 =	vmul.f32 $8.000000000e+00, v27  }
0x1db: {  	v0 =	vor.u32 v9, v45;
	v16 =	vld.idx.msk [tilespmem:v26+s12+$0x0], $0xffff  }
0x1dc: {  	[tilespmem:v18+s15+$0x0] =	vst.idx.msk $0xffff, v63  }
0x1dd: {  	v53 =	vor.u32 v9, v47;
	v27 =	vor.u32 v10, v48;
	v41 =	vld.idx.msk [tilespmem:v41+s12+$0x0], $0xffff  }
0x1de: {  	v57 =	vor.u32 v11, v44;
	v19 =	vor.u32 v10, v49;
	v60 =	vmul.f32 $8.000000000e+00, v60  }
0x1df: {  	v59 =	vor.u32 v13, v42;
	v63 =	vor.u32 v12, v43  }
0x1e0: {  	[tilespmem:v0+s15+$0x0] =	vst.idx.msk $0xffff, v60;
	v0 =	vmul.f32 $8.000000000e+00, v16  }
0x1e1: {  	v58 =	vmul.f32 $8.000000000e+00, v17  }
0x1e2: {  	v18 =	vld.idx.msk [tilespmem:v27+s12+$0x0], $0xffff;
	[tilespmem:v53+s15+$0x0] =	vst.idx.msk $0xffff, v0;
	v27 =	vmul.f32 $8.000000000e+00, v41  }
0x1e3: {  	[tilespmem:v57+s15+$0x0] =	vst.idx.msk $0xffff, v58;
	v19 =	vld.idx.msk [tilespmem:v19+s12+$0x0], $0xffff  }
0x1e4: {  	v60 =	vor.u32 v11, v45;
	v26 =	vld.idx.msk [tilespmem:v63+s12+$0x0], $0xffff;
	[tilespmem:v59+s15+$0x0] =	vst.idx.msk $0xffff, v27  }
0x1e5: {  	v0 =	vor.u32 v14, v38;
	v41 =	vor.u32 v11, v47;
	v27 =	vld [tilespmem:$0x1FE90]  }
0x1e6: {  	v38 =	vor.u32 v12, v48;
	v63 =	vor.u32 v13, v44  }
0x1e7: {  	v18 =	vmul.f32 $8.000000000e+00, v18  }
0x1e8: {  	v58 =	vmul.f32 $8.000000000e+00, v19  }
0x1e9: {  	v43 =	vor.u32 v14, v43;
	[tilespmem:v60+s15+$0x0] =	vst.idx.msk $0xffff, v18;
	v26 =	vmul.f32 $8.000000000e+00, v26  }
0x1ea: {  	v53 =	vor.u32 v12, v49;
	v0 =	vld.idx.msk [tilespmem:v0+s12+$0x0], $0xffff;
	[tilespmem:v41+s15+$0x0] =	vst.idx.msk $0xffff, v58;
	v57 =	vor.u32 $0x20, v27  }
0x1eb: {  	v59 =	vand.u32 $0x7, v21;
	v38 =	vld.idx.msk [tilespmem:v38+s12+$0x0], $0xffff;
	[tilespmem:v63+s15+$0x0] =	vst.idx.msk $0xffff, v26;
	v60 =	vand.u32 $0x28, v57  }
0x1ec: {  	v27 =	vor.u32 v59, v60;
	v60 =	vld [tilespmem:$0x1FF10]  }
0x1ed: {  	v26 =	vld [tilespmem:$0x1FEF0]  }
0x1ee: {  	v42 =	vor.u32 v15, v42;
	v19 =	vld.idx.msk [tilespmem:v43+s12+$0x0], $0xffff  }
0x1ef: {  	v28 =	vand.u32 $0x7, v20;
	v17 =	vor.u32 v13, v45;
	v49 =	vor.u32 v14, v49;
	v18 =	vld.idx.msk [tilespmem:v53+s12+$0x0], $0xffff  }
0x1f0: {  	v44 =	vor.u32 v15, v44;
	v41 =	vor.u32 v14, v48;
	v48 =	vor.u32 v13, v47  }
0x1f1: {  	v0 =	vmul.f32 $8.000000000e+00, v0;
	v63 =	vshll.u32 v57, $0x7;
	v16 =	vor.u32 v60, v27  }
0x1f2: {  	v57 =	vand.u32 $0x7, v25;
	v59 =	vmovc v20;
	v20 =	vmul.f32 $8.000000000e+00, v38;
	v26 =	vor.u32 $0x20, v26  }
0x1f3: {  	[tilespmem:v42+s15+$0x0] =	vst.idx.msk $0xffff, v0;
	v0 =	vmul.f32 $8.000000000e+00, v19;
	v19 =	vor.u32 $0x20, v30;
	v43 =	vand.u32 $0x28, v26  }
0x1f4: {  	[tilespmem:v17+s15+$0x0] =	vst.idx.msk $0xffff, v20;
	v38 =	vor.u32 v28, v43;
	v28 =	vand.u32 $0x1400, v63;
	v63 =	vmul.f32 $8.000000000e+00, v18  }
0x1f5: {  	v17 =	vor.u32 v15, v45;
	v30 =	vld.idx.msk [tilespmem:v41+s12+$0x0], $0xffff;
	v41 =	vor.u32 v2, v27;
	v58 =	vand.u32 $0x28, v19  }
0x1f6: {  	v61 =	vlaneseq.u32;
	v45 =	vor.u32 v57, v58;
	v43 =	vor.u32 v60, v38;
	[tilespmem:v48+s15+$0x0] =	vst.idx.msk $0xffff, v63;
	v16 =	vld.idx.msk [tilespmem:v16+s12+$0x0], $0xffff  }
0x1f7: {  	v28 =	vor.u32 v29, v28;
	v53 =	vor.u32 v60, v45;
	v48 =	vld.idx.msk [tilespmem:v49+s12+$0x0], $0xffff;
	v49 =	vor.u32 $0x20, v1  }
0x1f8: {  	v18 =	vor.u32 v61, v28;
	v63 =	vand.u32 $0x7, v37;
	v20 =	vand.u32 $0x28, v49  }
0x1f9: {  	[tilespmem:v44+s15+$0x0] =	vst.idx.msk $0xffff, v0;
	v0 =	vshll.u32 v26, $0x7;
	v26 =	vor.u32 v15, v47;
	v44 =	vor.u32 v63, v20  }
0x1fa: {  	v30 =	vmul.f32 $8.000000000e+00, v30;
	v57 =	vor.u32 v60, v44  }
0x1fb: {  	v0 =	vand.u32 $0x1400, v0;
	v63 =	vld.idx.msk [tilespmem:v43+s12+$0x0], $0xffff;
	v16 =	vmul.f32 $8.000000000e+00, v16  }
0x1fc: {  	v42 =	vor.u32 v31, v0;
	[tilespmem:v17+s15+$0x0] =	vst.idx.msk $0xffff, v30;
	v43 =	vshll.u32 v19, $0x7;
	v48 =	vmul.f32 $8.000000000e+00, v48  }
0x1fd: {  	v0 =	vor.u32 v61, v42;
	v17 =	vand.u32 $0x1400, v43;
	[tilespmem:v18+s15+$0x0] =	vst.idx.msk $0xffff, v16;
	v18 =	vld.idx.msk [tilespmem:v53+s12+$0x0], $0xffff  }
0x1fe: {  	v43 =	vor.u32 v39, v17;
	[tilespmem:v26+s15+$0x0] =	vst.idx.msk $0xffff, v48;
	v16 =	vor.u32 v2, v38;
	v41 =	vld.idx.msk [tilespmem:v41+s12+$0x0], $0xffff  }
0x1ff: {  	v26 =	vor.u32 v61, v43;
	v48 =	vor.u32 v3, v28;
	v47 =	vld.idx.msk [tilespmem:v57+s12+$0x0], $0xffff;
	v53 =	vshll.u32 v49, $0x7  }
0x200: {  	v19 =	vmul.f32 $8.000000000e+00, v63;
	v49 =	vor.u32 v2, v45;
	v17 =	vand.u32 $0x1400, v53  }
0x201: {  	v58 =	vmul.f32 $8.000000000e+00, v54;
	v53 =	vor.u32 v4, v27;
	v30 =	vor.u32 v62, v17  }
0x202: {  	v52 =	vld.idx.msk [tilespmem:v52+s12+$0x0], $0xffff;
	[tilespmem:v0+s15+$0x0] =	vst.idx.msk $0xffff, v19;
	v63 =	vor.u32 v61, v30;
	v0 =	vmul.f32 $8.000000000e+00, v18  }
0x203: {  	[tilespmem:v55+s15+$0x0] =	vst.idx.msk $0xffff, v58;
	v57 =	vor.u32 v2, v44;
	v16 =	vld.idx.msk [tilespmem:v16+s12+$0x0], $0xffff;
	v58 =	vmul.f32 $8.000000000e+00, v41  }
0x204: {  	v19 =	vor.u32 v7, v34;
	v41 =	vld.idx.msk [tilespmem:v56+s12+$0x0], $0xffff;
	[tilespmem:v26+s15+$0x0] =	vst.idx.msk $0xffff, v0;
	v0 =	vmul.f32 $8.000000000e+00, v47  }
0x205: {  	v26 =	vor.u32 v8, v35;
	v47 =	vor.u32 v3, v42;
	[tilespmem:v48+s15+$0x0] =	vst.idx.msk $0xffff, v58;
	v17 =	vld.idx.msk [tilespmem:v49+s12+$0x0], $0xffff  }
0x206: {  	v48 =	vor.u32 v7, v33;
	v49 =	vor.u32 v4, v38;
	v53 =	vld.idx.msk [tilespmem:v53+s12+$0x0], $0xffff  }
0x207: {  	[tilespmem:v63+s15+$0x0] =	vst.idx.msk $0xffff, v0;
	v0 =	vmul.f32 $8.000000000e+00, v52;
	v52 =	vor.u32 v8, v32;
	v63 =	vor.u32 v3, v43  }
0x208: {  	v55 =	vor.u32 v5, v28;
	v56 =	vor.u32 v4, v45;
	v18 =	vld.idx.msk [tilespmem:v57+s12+$0x0], $0xffff;
	v16 =	vmul.f32 $8.000000000e+00, v16  }
0x209: {  	[tilespmem:v19+s15+$0x0] =	vst.idx.msk $0xffff, v0;
	v0 =	vmul.f32 $8.000000000e+00, v41;
	v19 =	vor.u32 v6, v27  }
0x20a: {  	v41 =	vor.u32 v3, v30;
	v26 =	vld.idx.msk [tilespmem:v26+s12+$0x0], $0xffff;
	[tilespmem:v47+s15+$0x0] =	vst.idx.msk $0xffff, v16;
	v20 =	vmul.f32 $8.000000000e+00, v17  }
0x20b: {  	v57 =	vor.u32 v4, v44;
	[tilespmem:v48+s15+$0x0] =	vst.idx.msk $0xffff, v0;
	v0 =	vld.idx.msk [tilespmem:v49+s12+$0x0], $0xffff;
	v58 =	vmul.f32 $8.000000000e+00, v53  }
0x20c: {  	v48 =	vor.u32 v9, v34;
	v49 =	vld.idx.msk [tilespmem:v52+s12+$0x0], $0xffff;
	v52 =	vor.u32 v5, v42;
	[tilespmem:v63+s15+$0x0] =	vst.idx.msk $0xffff, v20  }
0x20d: {  	v63 =	vmul.f32 $8.000000000e+00, v18;
	v18 =	vor.u32 v10, v35;
	[tilespmem:v55+s15+$0x0] =	vst.idx.msk $0xffff, v58;
	v47 =	vld.idx.msk [tilespmem:v56+s12+$0x0], $0xffff  }
0x20e: {  	v54 =	vor.u32 v6, v38;
	v53 =	vor.u32 v9, v33;
	v19 =	vld.idx.msk [tilespmem:v19+s12+$0x0], $0xffff  }
0x20f: {  	[tilespmem:v41+s15+$0x0] =	vst.idx.msk $0xffff, v63;
	v20 =	vmul.f32 $8.000000000e+00, v26;
	v26 =	vor.u32 v10, v32;
	v41 =	vor.u32 v5, v43  }
0x210: {  	v55 =	vor.u32 v7, v28;
	v56 =	vor.u32 v6, v45;
	v17 =	vld.idx.msk [tilespmem:v57+s12+$0x0], $0xffff;
	v0 =	vmul.f32 $8.000000000e+00, v0  }
0x211: {  	[tilespmem:v48+s15+$0x0] =	vst.idx.msk $0xffff, v20;
	v58 =	vmul.f32 $8.000000000e+00, v49;
	v48 =	vor.u32 v8, v27  }
0x212: {  	v63 =	vor.u32 v5, v30;
	v18 =	vld.idx.msk [tilespmem:v18+s12+$0x0], $0xffff;
	[tilespmem:v52+s15+$0x0] =	vst.idx.msk $0xffff, v0;
	v0 =	vmul.f32 $8.000000000e+00, v47  }
0x213: {  	v47 =	vor.u32 v6, v44;
	[tilespmem:v53+s15+$0x0] =	vst.idx.msk $0xffff, v58;
	v16 =	vld.idx.msk [tilespmem:v54+s12+$0x0], $0xffff;
	v19 =	vmul.f32 $8.000000000e+00, v19  }
0x214: {  	v57 =	vor.u32 v7, v42;
	v52 =	vor.u32 v11, v34;
	v26 =	vld.idx.msk [tilespmem:v26+s12+$0x0], $0xffff;
	[tilespmem:v41+s15+$0x0] =	vst.idx.msk $0xffff, v0  }
0x215: {  	v0 =	vmul.f32 $8.000000000e+00, v17;
	v17 =	vor.u32 v12, v35;
	[tilespmem:v55+s15+$0x0] =	vst.idx.msk $0xffff, v19;
	v58 =	vld.idx.msk [tilespmem:v56+s12+$0x0], $0xffff  }
0x216: {  	v53 =	vor.u32 v11, v33;
	v54 =	vor.u32 v8, v38;
	v48 =	vld.idx.msk [tilespmem:v48+s12+$0x0], $0xffff  }
0x217: {  	[tilespmem:v63+s15+$0x0] =	vst.idx.msk $0xffff, v0;
	v0 =	vmul.f32 $8.000000000e+00, v18;
	v63 =	vor.u32 v7, v43  }
0x218: {  	v49 =	vor.u32 v9, v28;
	v55 =	vor.u32 v8, v45;
	v47 =	vld.idx.msk [tilespmem:v47+s12+$0x0], $0xffff;
	v16 =	vmul.f32 $8.000000000e+00, v16  }
0x219: {  	v18 =	vor.u32 v9, v42;
	[tilespmem:v52+s15+$0x0] =	vst.idx.msk $0xffff, v0;
	v0 =	vmul.f32 $8.000000000e+00, v26;
	v26 =	vor.u32 v10, v27  }
0x21a: {  	v52 =	vor.u32 v7, v30;
	v17 =	vld.idx.msk [tilespmem:v17+s12+$0x0], $0xffff;
	[tilespmem:v57+s15+$0x0] =	vst.idx.msk $0xffff, v16;
	v56 =	vmul.f32 $8.000000000e+00, v58  }
0x21b: {  	v57 =	vor.u32 v8, v44;
	[tilespmem:v53+s15+$0x0] =	vst.idx.msk $0xffff, v0;
	v0 =	vld.idx.msk [tilespmem:v54+s12+$0x0], $0xffff;
	v48 =	vmul.f32 $8.000000000e+00, v48  }
0x21c: {  	v58 =	vor.u32 v12, v32;
	v53 =	vor.u32 v13, v34;
	[tilespmem:v63+s15+$0x0] =	vst.idx.msk $0xffff, v56  }
0x21d: {  	v63 =	vmul.f32 $8.000000000e+00, v47;
	[tilespmem:v49+s15+$0x0] =	vst.idx.msk $0xffff, v48;
	v48 =	vld.idx.msk [tilespmem:v55+s12+$0x0], $0xffff;
	v49 =	vor.u32 v14, v35  }
0x21e: {  	v26 =	vld.idx.msk [tilespmem:v26+s12+$0x0], $0xffff  }
0x21f: {  	[tilespmem:v52+s15+$0x0] =	vst.idx.msk $0xffff, v63;
	v35 =	vmul.f32 $8.000000000e+00, v17;
	v17 =	vor.u32 v10, v38;
	v63 =	vor.u32 v9, v43  }
0x220: {  	v56 =	vor.u32 v10, v45;
	v55 =	vor.u32 v11, v28;
	v19 =	vld.idx.msk [tilespmem:v57+s12+$0x0], $0xffff;
	v0 =	vmul.f32 $8.000000000e+00, v0  }
0x221: {  	v41 =	vld.idx.msk [tilespmem:v58+s12+$0x0], $0xffff;
	[tilespmem:v53+s15+$0x0] =	vst.idx.msk $0xffff, v35  }
0x222: {  	v57 =	vor.u32 v9, v30;
	[tilespmem:v18+s15+$0x0] =	vst.idx.msk $0xffff, v0;
	v0 =	vmul.f32 $8.000000000e+00, v48;
	v49 =	vld.idx.msk [tilespmem:v49+s12+$0x0], $0xffff  }
0x223: {  	v18 =	vor.u32 v10, v44;
	v48 =	vor.u32 v13, v33;
	v16 =	vld [tilespmem:$0x1FEB0];
	v26 =	vmul.f32 $8.000000000e+00, v26  }
0x224: {  	v53 =	vor.u32 v12, v27;
	v17 =	vld.idx.msk [tilespmem:v17+s12+$0x0], $0xffff;
	[tilespmem:v63+s15+$0x0] =	vst.idx.msk $0xffff, v0  }
0x225: {  	v34 =	vor.u32 v15, v34;
	v0 =	vmul.f32 $8.000000000e+00, v19;
	[tilespmem:v55+s15+$0x0] =	vst.idx.msk $0xffff, v26;
	v26 =	vld.idx.msk [tilespmem:v56+s12+$0x0], $0xffff  }
0x226: {  	v52 =	vor.u32 v11, v42;
	v63 =	vmul.f32 $8.000000000e+00, v41  }
0x227: {  	v32 =	vor.u32 v14, v32;
	v56 =	vor.u32 v11, v43;
	[tilespmem:v57+s15+$0x0] =	vst.idx.msk $0xffff, v0  }
0x228: {  	v58 =	vor.u32 $0x30, v16;
	v18 =	vld.idx.msk [tilespmem:v18+s12+$0x0], $0xffff;
	[tilespmem:v48+s15+$0x0] =	vst.idx.msk $0xffff, v63;
	v63 =	vmul.f32 $8.000000000e+00, v49  }
0x229: {  	v53 =	vld.idx.msk [tilespmem:v53+s12+$0x0], $0xffff;
	v16 =	vand.u32 $0x3F, v58;
	v0 =	vshll.u32 v58, $0x7;
	v17 =	vmul.f32 $8.000000000e+00, v17  }
0x22a: {  	v57 =	vld [tilespmem:$0x1FEC0];
	v58 =	vor.u32 v11, v30;
	v41 =	vor.u32 v60, v16;
	[tilespmem:v34+s15+$0x0] =	vst.idx.msk $0xffff, v63;
	v26 =	vmul.f32 $8.000000000e+00, v26  }
0x22b: {  	v63 =	vor.u32 v12, v44;
	[tilespmem:v52+s15+$0x0] =	vst.idx.msk $0xffff, v17  }
0x22c: {  	v48 =	vor.u32 v13, v28;
	v49 =	vor.u32 v12, v45;
	v32 =	vld.idx.msk [tilespmem:v32+s12+$0x0], $0xffff;
	[tilespmem:v56+s15+$0x0] =	vst.idx.msk $0xffff, v26  }
0x22d: {  	v55 =	vor.u32 v12, v38;
	v18 =	vmul.f32 $8.000000000e+00, v18;
	v17 =	vld [tilespmem:$0x1FEE0]  }
0x22e: {  	v19 =	vor.u32 v15, v33;
	v33 =	vor.u32 v14, v27  }
0x22f: {  	v34 =	vld.idx.msk [tilespmem:v41+s12+$0x0], $0xffff;
	v41 =	vmul.f32 $8.000000000e+00, v53;
	[tilespmem:v58+s15+$0x0] =	vst.idx.msk $0xffff, v18  }
0x230: {  	v50 =	vmul.f32 $8.000000000e+00, v50;
	v51 =	vmul.f32 $8.000000000e+00, v51;
	v54 =	vor.u32 v9, v24;
	v52 =	vld.idx.msk [tilespmem:v63+s12+$0x0], $0xffff  }
0x231: {  	v0 =	vand.u32 $0x1C00, v0;
	v57 =	vor.u32 $0x30, v57;
	v32 =	vmul.f32 $8.000000000e+00, v32;
	[tilespmem:v48+s15+$0x0] =	vst.idx.msk $0xffff, v41;
	v48 =	vld.idx.msk [tilespmem:v49+s12+$0x0], $0xffff  }
0x232: {  	v35 =	vor.u32 v11, v22;
	v27 =	vand.u32 $0x3F, v57;
	v17 =	vor.u32 v17, v0;
	v0 =	vld.idx.msk [tilespmem:v55+s12+$0x0], $0xffff  }
0x233: {  	v58 =	vor.u32 v13, v43;
	v26 =	vor.u32 v60, v27;
	[tilespmem:v19+s15+$0x0] =	vst.idx.msk $0xffff, v32;
	v33 =	vld.idx.msk [tilespmem:v33+s12+$0x0], $0xffff  }
0x234: {  	v45 =	vor.u32 v14, v45;
	v56 =	vor.u32 $0x30, v21;
	v53 =	vor.u32 v13, v42;
	v19 =	vld [tilespmem:$0x1FF00]  }
0x235: {  	v38 =	vor.u32 v14, v38;
	v44 =	vor.u32 v14, v44;
	v20 =	vand.u32 $0x3F, v56  }
0x236: {  	v57 =	vshll.u32 v57, $0x7;
	v63 =	vor.u32 v15, v28;
	v28 =	vmul.f32 $8.000000000e+00, v48  }
0x237: {  	v18 =	vand.u32 $0x7FFFFC00, v57;
	v57 =	vor.u32 v13, v30;
	v0 =	vmul.f32 $8.000000000e+00, v0  }
0x238: {  	v32 =	vor.u32 v2, v20;
	v26 =	vld.idx.msk [tilespmem:v26+s12+$0x0], $0xffff;
	v48 =	vor.u32 $0x30, v59;
	v59 =	vmul.f32 $8.000000000e+00, v52;
	[tilespmem:v58+s15+$0x0] =	vst.idx.msk $0xffff, v28  }
0x239: {  	v52 =	vor.u32 $0x30, v25;
	v18 =	vor.u32 v19, v18;
	v33 =	vmul.f32 $8.000000000e+00, v33;
	v45 =	vld.idx.msk [tilespmem:v45+s12+$0x0], $0xffff;
	[tilespmem:v53+s15+$0x0] =	vst.idx.msk $0xffff, v0  }
0x23a: {  	v28 =	vor.u32 v60, v20;
	v58 =	vshll.u32 v56, $0x7;
	v0 =	vor.u32 v61, v18;
	v38 =	vld.idx.msk [tilespmem:v38+s12+$0x0], $0xffff  }
0x23b: {  	v25 =	vand.u32 $0x3F, v52;
	v56 =	vor.u32 v15, v43;
	[tilespmem:v63+s15+$0x0] =	vst.idx.msk $0xffff, v33;
	v55 =	vand.u32 $0x1C00, v58  }
0x23c: {  	v63 =	vor.u32 v15, v42;
	v19 =	vor.u32 v29, v55;
	v29 =	vor.u32 v60, v25  }
0x23d: {  	v49 =	vor.u32 v2, v16;
	v21 =	vand.u32 $0x3F, v48;
	[tilespmem:v57+s15+$0x0] =	vst.idx.msk $0xffff, v59;
	v26 =	vmul.f32 $8.000000000e+00, v26  }
0x23e: {  	v37 =	vor.u32 $0x30, v37;
	[tilespmem:v54+s15+$0x0] =	vst.idx.msk $0xffff, v51;
	v42 =	vor.u32 v60, v21;
	v44 =	vld.idx.msk [tilespmem:v44+s12+$0x0], $0xffff;
	v58 =	vmul.f32 $8.000000000e+00, v45  }
0x23f: {  	v41 =	vor.u32 v61, v17;
	v34 =	vmul.f32 $8.000000000e+00, v34;
	v57 =	vld.idx.msk [tilespmem:v28+s12+$0x0], $0xffff;
	[tilespmem:v0+s15+$0x0] =	vst.idx.msk $0xffff, v26;
	v28 =	vmul.f32 $8.000000000e+00, v38  }
0x240: {  	v51 =	vshll.u32 v52, $0x7;
	v43 =	vor.u32 v2, v27;
	v59 =	vor.u32 v15, v30;
	[tilespmem:v56+s15+$0x0] =	vst.idx.msk $0xffff, v58  }
0x241: {  	v30 =	vand.u32 $0x3F, v37;
	v0 =	vld.idx.msk [tilespmem:v29+s12+$0x0], $0xffff;
	[tilespmem:v63+s15+$0x0] =	vst.idx.msk $0xffff, v28;
	v63 =	vor.u32 v61, v19;
	v28 =	vshll.u32 v48, $0x7  }
0x242: {  	[tilespmem:v46+s15+$0x0] =	vst.idx.msk $0xffff, v50;
	v52 =	vand.u32 $0x1C00, v51;
	v48 =	vor.u32 v60, v30;
	v28 =	vand.u32 $0x7FFFFC00, v28  }
0x243: {  	v29 =	vor.u32 v39, v52;
	v50 =	vld.idx.msk [tilespmem:v42+s12+$0x0], $0xffff;
	v28 =	vor.u32 v31, v28;
	v31 =	vmul.f32 $8.000000000e+00, v44  }
0x244: {  	[tilespmem:v41+s15+$0x0] =	vst.idx.msk $0xffff, v34;
	v34 =	vld.idx.msk [tilespmem:v40+s12+$0x0], $0xffff;
	v54 =	vmul.f32 $8.000000000e+00, v57;
	v57 =	vor.u32 v61, v29  }
0x245: {  	v53 =	vld.idx.msk [tilespmem:v49+s12+$0x0], $0xffff;
	v56 =	vor.u32 v2, v21;
	v55 =	vor.u32 v61, v28;
	[tilespmem:v59+s15+$0x0] =	vst.idx.msk $0xffff, v31  }
0x246: {  	v58 =	vor.u32 v2, v25;
	v43 =	vld.idx.msk [tilespmem:v43+s12+$0x0], $0xffff;
	v31 =	vshll.u32 v37, $0x7;
	v0 =	vmul.f32 $8.000000000e+00, v0;
	[tilespmem:v63+s15+$0x0] =	vst.idx.msk $0xffff, v54  }
0x247: {  	v59 =	vld.idx.msk [tilespmem:v48+s12+$0x0], $0xffff;
	v31 =	vand.u32 $0x7FFFFC00, v31;
	v63 =	vor.u32 v3, v17;
	v48 =	vor.u32 v4, v16  }
0x248: {  	v38 =	vmul.f32 $8.000000000e+00, v50;
	v31 =	vor.u32 v62, v31;
	v32 =	vld.idx.msk [tilespmem:v32+s12+$0x0], $0xffff;
	v50 =	vor.u32 v3, v18  }
0x249: {  	v34 =	vmul.f32 $8.000000000e+00, v34;
	[tilespmem:v57+s15+$0x0] =	vst.idx.msk $0xffff, v0;
	v0 =	vor.u32 v4, v27;
	v49 =	vor.u32 v61, v31  }
0x24a: {  	v51 =	vor.u32 v2, v30;
	v52 =	vor.u32 v3, v19;
	v42 =	vmul.f32 $8.000000000e+00, v53;
	[tilespmem:v55+s15+$0x0] =	vst.idx.msk $0xffff, v38  }
0x24b: {  	[tilespmem:v35+s15+$0x0] =	vst.idx.msk $0xffff, v34;
	v53 =	vor.u32 v4, v20;
	v55 =	vmul.f32 $8.000000000e+00, v43;
	v26 =	vld.idx.msk [tilespmem:v56+s12+$0x0], $0xffff  }
0x24c: {  	v47 =	vor.u32 v10, v23;
	v33 =	vld.idx.msk [tilespmem:v58+s12+$0x0], $0xffff;
	v54 =	vmul.f32 $8.000000000e+00, v59;
	[tilespmem:v63+s15+$0x0] =	vst.idx.msk $0xffff, v42  }
0x24d: {  	v56 =	vor.u32 v3, v28;
	v39 =	vld.idx.msk [tilespmem:v48+s12+$0x0], $0xffff;
	v32 =	vmul.f32 $8.000000000e+00, v32;
	[tilespmem:v50+s15+$0x0] =	vst.idx.msk $0xffff, v55  }
0x24e: {  	v57 =	vor.u32 v3, v29;
	v59 =	vor.u32 v4, v21;
	[tilespmem:v49+s15+$0x0] =	vst.idx.msk $0xffff, v54;
	v0 =	vld.idx.msk [tilespmem:v0+s12+$0x0], $0xffff  }
0x24f: {  	v62 =	vor.u32 v4, v25;
	v58 =	vor.u32 v5, v17;
	v61 =	vld.idx.msk [tilespmem:v51+s12+$0x0], $0xffff;
	[tilespmem:v52+s15+$0x0] =	vst.idx.msk $0xffff, v32  }
0x250: {  	v63 =	vor.u32 v6, v16;
	v26 =	vmul.f32 $8.000000000e+00, v26;
	v34 =	vld.idx.msk [tilespmem:v53+s12+$0x0], $0xffff;
	v53 =	vor.u32 v5, v18  }
0x251: {  	v36 =	vld.idx.msk [tilespmem:v36+s12+$0x0], $0xffff;
	v48 =	vmovc v4;
	v55 =	vor.u32 v5, v19;
	v33 =	vmul.f32 $8.000000000e+00, v33;
	v52 =	vor.u32 v3, v31  }
0x252: {  	v54 =	vor.u32 v4, v30;
	v4 =	vor.u32 v8, v16;
	[tilespmem:v56+s15+$0x0] =	vst.idx.msk $0xffff, v26;
	v39 =	vmul.f32 $8.000000000e+00, v39  }
0x253: {  	[tilespmem:v57+s15+$0x0] =	vst.idx.msk $0xffff, v33;
	v57 =	vor.u32 v6, v27;
	v38 =	vld.idx.msk [tilespmem:v59+s12+$0x0], $0xffff;
	v0 =	vmul.f32 $8.000000000e+00, v0  }
0x254: {  	v32 =	vld.idx.msk [tilespmem:v62+s12+$0x0], $0xffff;
	v41 =	vmul.f32 $8.000000000e+00, v61;
	[tilespmem:v58+s15+$0x0] =	vst.idx.msk $0xffff, v39;
	v58 =	vor.u32 v6, v20  }
0x255: {  	v37 =	vld.idx.msk [tilespmem:v47+s12+$0x0], $0xffff;
	v59 =	vor.u32 v5, v28;
	v61 =	vor.u32 v5, v29;
	[tilespmem:v53+s15+$0x0] =	vst.idx.msk $0xffff, v0  }
0x256: {  	v39 =	vld.idx.msk [tilespmem:v63+s12+$0x0], $0xffff;
	v34 =	vmul.f32 $8.000000000e+00, v34;
	v0 =	vor.u32 v6, v21;
	[tilespmem:v52+s15+$0x0] =	vst.idx.msk $0xffff, v41  }
0x257: {  	v51 =	vor.u32 v6, v30;
	v56 =	vor.u32 v11, v24;
	v63 =	vor.u32 v6, v25;
	v26 =	vld.idx.msk [tilespmem:v54+s12+$0x0], $0xffff  }
0x258: {  	v62 =	vor.u32 v7, v17;
	v43 =	vld.idx.msk [tilespmem:v57+s12+$0x0], $0xffff;
	[tilespmem:v55+s15+$0x0] =	vst.idx.msk $0xffff, v34;
	v38 =	vmul.f32 $8.000000000e+00, v38  }
0x259: {  	v49 =	vmovc v5;
	v5 =	vor.u32 v5, v31;
	v53 =	vor.u32 v7, v18;
	v32 =	vmul.f32 $8.000000000e+00, v32;
	v46 =	vld.idx.msk [tilespmem:v58+s12+$0x0], $0xffff  }
0x25a: {  	v37 =	vmul.f32 $8.000000000e+00, v37;
	v57 =	vor.u32 v8, v20;
	v54 =	vor.u32 v8, v27;
	[tilespmem:v59+s15+$0x0] =	vst.idx.msk $0xffff, v38  }
0x25b: {  	v55 =	vor.u32 v7, v19;
	[tilespmem:v61+s15+$0x0] =	vst.idx.msk $0xffff, v32;
	v52 =	vmul.f32 $8.000000000e+00, v39;
	v0 =	vld.idx.msk [tilespmem:v0+s12+$0x0], $0xffff  }
0x25c: {  	[tilespmem:v56+s15+$0x0] =	vst.idx.msk $0xffff, v37;
	v56 =	vor.u32 v13, v22;
	v34 =	vld.idx.msk [tilespmem:v63+s12+$0x0], $0xffff;
	v26 =	vmul.f32 $8.000000000e+00, v26  }
0x25d: {  	v59 =	vor.u32 v7, v28;
	v63 =	vor.u32 v7, v29;
	v58 =	vmul.f32 $8.000000000e+00, v43;
	[tilespmem:v62+s15+$0x0] =	vst.idx.msk $0xffff, v52  }
0x25e: {  	v36 =	vmul.f32 $8.000000000e+00, v36;
	v62 =	vor.u32 v8, v21;
	v42 =	vld.idx.msk [tilespmem:v4+s12+$0x0], $0xffff;
	[tilespmem:v5+s15+$0x0] =	vst.idx.msk $0xffff, v26;
	v61 =	vmul.f32 $8.000000000e+00, v46  }
0x25f: {  	v45 =	vor.u32 v7, v31;
	[tilespmem:v53+s15+$0x0] =	vst.idx.msk $0xffff, v58;
	v5 =	vor.u32 v8, v25;
	v35 =	vld.idx.msk [tilespmem:v51+s12+$0x0], $0xffff  }
0x260: {  	v50 =	vmov v6;
	v4 =	vor.u32 v9, v17;
	v6 =	vld.idx.msk [tilespmem:v54+s12+$0x0], $0xffff;
	[tilespmem:v55+s15+$0x0] =	vst.idx.msk $0xffff, v61;
	v0 =	vmul.f32 $8.000000000e+00, v0  }
0x261: {  	[tilespmem:v56+s15+$0x0] =	vst.idx.msk $0xffff, v36;
	v56 =	vor.u32 v10, v16;
	v34 =	vmul.f32 $8.000000000e+00, v34;
	v46 =	vld.idx.msk [tilespmem:v57+s12+$0x0], $0xffff  }
0x262: {  	v55 =	vor.u32 v8, v30;
	[tilespmem:v59+s15+$0x0] =	vst.idx.msk $0xffff, v0;
	v0 =	vor.u32 v9, v18  }
0x263: {  	v58 =	vor.u32 v9, v19;
	[tilespmem:v63+s15+$0x0] =	vst.idx.msk $0xffff, v34;
	v57 =	vmul.f32 $8.000000000e+00, v42;
	v33 =	vld.idx.msk [tilespmem:v62+s12+$0x0], $0xffff  }
0x264: {  	v52 =	vmov v8;
	v61 =	vor.u32 v10, v27;
	v62 =	vld.idx.msk [tilespmem:v5+s12+$0x0], $0xffff;
	v59 =	vmul.f32 $8.000000000e+00, v35  }
0x265: {  	v8 =	vor.u32 v9, v29;
	v63 =	vor.u32 v12, v23;
	v26 =	vmul.f32 $8.000000000e+00, v6;
	[tilespmem:v4+s15+$0x0] =	vst.idx.msk $0xffff, v57  }
0x266: {  	v51 =	vmov v7;
	v5 =	vor.u32 v10, v20;
	v39 =	vld.idx.msk [tilespmem:v56+s12+$0x0], $0xffff;
	[tilespmem:v45+s15+$0x0] =	vst.idx.msk $0xffff, v59;
	v6 =	vmul.f32 $8.000000000e+00, v46  }
0x267: {  	v4 =	vor.u32 v9, v28;
	v57 =	vor.u32 v10, v25;
	v7 =	vld.idx.msk [tilespmem:v55+s12+$0x0], $0xffff;
	[tilespmem:v0+s15+$0x0] =	vst.idx.msk $0xffff, v26  }
0x268: {  	v59 =	vor.u32 v11, v17;
	v0 =	vor.u32 v10, v21;
	[tilespmem:v58+s15+$0x0] =	vst.idx.msk $0xffff, v6  }
0x269: {  	v58 =	vor.u32 v9, v31;
	v35 =	vld.idx.msk [tilespmem:v61+s12+$0x0], $0xffff;
	v38 =	vmul.f32 $8.000000000e+00, v62;
	v62 =	vor.u32 v12, v16  }
0x26a: {  	v40 =	vld.idx.msk [tilespmem:v63+s12+$0x0], $0xffff;
	v56 =	vmul.f32 $8.000000000e+00, v33;
	v61 =	vor.u32 v10, v30  }
0x26b: {  	v63 =	vor.u32 v11, v18;
	v32 =	vld.idx.msk [tilespmem:v5+s12+$0x0], $0xffff;
	[tilespmem:v8+s15+$0x0] =	vst.idx.msk $0xffff, v38;
	v5 =	vmul.f32 $8.000000000e+00, v39  }
0x26c: {  	[tilespmem:v4+s15+$0x0] =	vst.idx.msk $0xffff, v56;
	v4 =	vor.u32 v13, v24;
	v33 =	vld.idx.msk [tilespmem:v57+s12+$0x0], $0xffff;
	v36 =	vmul.f32 $8.000000000e+00, v7  }
0x26d: {  	v6 =	vor.u32 v12, v27;
	v0 =	vld.idx.msk [tilespmem:v0+s12+$0x0], $0xffff;
	v7 =	vor.u32 v11, v19;
	[tilespmem:v59+s15+$0x0] =	vst.idx.msk $0xffff, v5  }
0x26e: {  	v44 =	vmov v9;
	v45 =	vor.u32 v11, v29;
	v35 =	vmul.f32 $8.000000000e+00, v35;
	v26 =	vld.idx.msk [tilespmem:v62+s12+$0x0], $0xffff;
	[tilespmem:v58+s15+$0x0] =	vst.idx.msk $0xffff, v36  }
0x26f: {  	v53 =	vmovc v10;
	v10 =	vor.u32 v12, v20;
	v8 =	vor.u32 v11, v28;
	v40 =	vmul.f32 $8.000000000e+00, v40;
	v9 =	vld.idx.msk [tilespmem:v61+s12+$0x0], $0xffff  }
0x270: {  	v59 =	vor.u32 v13, v17;
	v32 =	vmul.f32 $8.000000000e+00, v32;
	v58 =	vor.u32 v12, v25;
	[tilespmem:v63+s15+$0x0] =	vst.idx.msk $0xffff, v35  }
0x271: {  	v46 =	vor.u32 v12, v21;
	v56 =	vor.u32 v11, v31;
	[tilespmem:v4+s15+$0x0] =	vst.idx.msk $0xffff, v40;
	v33 =	vmul.f32 $8.000000000e+00, v33  }
0x272: {  	v57 =	vld.idx.msk [tilespmem:v6+s12+$0x0], $0xffff;
	v0 =	vmul.f32 $8.000000000e+00, v0;
	[tilespmem:v7+s15+$0x0] =	vst.idx.msk $0xffff, v32  }
0x273: {  	v61 =	vor.u32 v12, v30;
	v63 =	vor.u32 v14, v23;
	[tilespmem:v45+s15+$0x0] =	vst.idx.msk $0xffff, v33;
	v26 =	vmul.f32 $8.000000000e+00, v26  }
0x274: {  	v4 =	vld.idx.msk [tilespmem:v10+s12+$0x0], $0xffff;
	[tilespmem:v8+s15+$0x0] =	vst.idx.msk $0xffff, v0;
	v0 =	vor.u32 v13, v18;
	v62 =	vmul.f32 $8.000000000e+00, v9  }
0x275: {  	v16 =	vor.u32 v14, v16;
	v7 =	vld.idx.msk [tilespmem:v58+s12+$0x0], $0xffff;
	[tilespmem:v59+s15+$0x0] =	vst.idx.msk $0xffff, v26  }
0x276: {  	v27 =	vor.u32 v14, v27;
	v6 =	vor.u32 v13, v19;
	v35 =	vld.idx.msk [tilespmem:v46+s12+$0x0], $0xffff;
	[tilespmem:v56+s15+$0x0] =	vst.idx.msk $0xffff, v62  }
0x277: {  	v1 =	vmovc v2;
	v54 =	vmovc v11;
	v20 =	vor.u32 v14, v20;
	v11 =	vor.u32 v13, v29;
	v5 =	vmul.f32 $8.000000000e+00, v57;
	v2 =	vld [tilespmem:$0x1FED0]  }
0x278: {  	v25 =	vor.u32 v14, v25;
	v8 =	vor.u32 v13, v28;
	v9 =	vld.idx.msk [tilespmem:v61+s12+$0x0], $0xffff  }
0x279: {  	v23 =	vld.idx.msk [tilespmem:v63+s12+$0x0], $0xffff;
	v33 =	vmul.f32 $8.000000000e+00, v4;
	[tilespmem:v0+s15+$0x0] =	vst.idx.msk $0xffff, v5;
	v0 =	vor.u32 v14, v21  }
0x27a: {  	v43 =	vor.u32 v15, v24;
	v40 =	vmovc v12;
	v12 =	vor.u32 v13, v31;
	v16 =	vld.idx.msk [tilespmem:v16+s12+$0x0], $0xffff;
	v45 =	vmul.f32 $8.000000000e+00, v7  }
0x27b: {  	v30 =	vor.u32 v14, v30;
	v35 =	vmul.f32 $8.000000000e+00, v35;
	[tilespmem:v6+s15+$0x0] =	vst.idx.msk $0xffff, v33;
	v27 =	vld.idx.msk [tilespmem:v27+s12+$0x0], $0xffff  }
0x27c: {  	v17 =	vor.u32 v15, v17;
	v20 =	vld.idx.msk [tilespmem:v20+s12+$0x0], $0xffff;
	[tilespmem:v11+s15+$0x0] =	vst.idx.msk $0xffff, v45  }
0x27d: {  	v18 =	vor.u32 v15, v18;
	[tilespmem:v8+s15+$0x0] =	vst.idx.msk $0xffff, v35;
	v25 =	vld.idx.msk [tilespmem:v25+s12+$0x0], $0xffff;
	v46 =	vmul.f32 $8.000000000e+00, v9  }
0x27e: {  	v19 =	vor.u32 v15, v19;
	v23 =	vmul.f32 $8.000000000e+00, v23;
	v0 =	vld.idx.msk [tilespmem:v0+s12+$0x0], $0xffff  }
0x27f: {  	v59 =	vor.u32 v15, v29;
	v16 =	vmul.f32 $8.000000000e+00, v16;
	[tilespmem:v12+s15+$0x0] =	vst.idx.msk $0xffff, v46;
	v10 =	vld.idx.msk [tilespmem:v2+s12+$0x0], $0xffff  }
0x280: {  	v56 =	vor.u32 v15, v28;
	[tilespmem:v43+s15+$0x0] =	vst.idx.msk $0xffff, v23;
	v58 =	vmul.f32 $8.000000000e+00, v27;
	v57 =	vld.idx.msk [tilespmem:v30+s12+$0x0], $0xffff  }
0x281: {  	v39 =	vmov v13;
	v13 =	vor.u32 v15, v22;
	[tilespmem:v17+s15+$0x0] =	vst.idx.msk $0xffff, v16;
	v61 =	vmul.f32 $8.000000000e+00, v20  }
0x282: {  	v62 =	vor.u32 v15, v31;
	[tilespmem:v18+s15+$0x0] =	vst.idx.msk $0xffff, v58;
	v63 =	vmul.f32 $8.000000000e+00, v25  }
0x283: {  	p1 =	sne.s32 s23, $0x63;
	[tilespmem:v19+s15+$0x0] =	vst.idx.msk $0xffff, v61;
	v0 =	vmul.f32 $8.000000000e+00, v0  }
.Ltmp3:
0x284: {  	[tilespmem:v59+s15+$0x0] =	vst.idx.msk $0xffff, v63;
	v55 =	vmul.f32 $8.000000000e+00, v10;
	(pc) =	sbr.rel @p1 .LBB2_6-.Ltmp3, $4  }
0x285: {  	s25 =	sshll.u32 s23, $0x10;
	[tilespmem:v56+s15+$0x0] =	vst.idx.msk $0xffff, v0;
	v0 =	vmul.f32 $8.000000000e+00, v57  }
0x286: {  	s25 =	sor.u32 s6, s25;
	[tilespmem:v13+s15+$0x0] =	vst.idx.msk $0xffff, v55  }
0x287: {  	s26 =	sadd.s32 s2, s25;
	[tilespmem:v62+s15+$0x0] =	vst.idx.msk $0xffff, v0  }
0x288: {  	v47 =	vmovc v3;
	v41 =	vmovc v14;
	v28 =	vmov v15;
	v45 =	vlaneseq.u32;
	v61 =	vmov v60;
	[hbm4b:s26+s16] =	stream.strided.scatter [tilespmem:s15], [sflag:$0x3], $0x2000, s17, s16, $0x38;
	[tilespmem:$0x12400] =	vst v63  }
.Ltmp4:
0x289: {  	(pc) =	sbr.rel .LBB2_7-.Ltmp4, $4  }
0x28a: {  	_ = 	snop  }
0x28b: {  	_ =	swait.ge [sflag:s18], $0x4000  }
0x28c: {  	[sflag:s18] =	ssyncset.done $0x0  }
0x28d: {  	[sflag:s18] =	ssyncadd.s32 $0xFFFFC000  }
.LBB2_6:
0x28e: {  	s26 =	sshrl.u32 s24, $0x2  }
.Ltmp5:
0x28f: {  	s26 =	sadd.s32 $0x100, s26;
	(pc) =	sbr.rel @p0 .LBB2_8-.Ltmp5, $4  }
0x290: {  	[tilespmem:s12], [sflag:$0x1] =	stream.indirect.gather [hbm4b:s4+s9], $0x80, s26, s9, $0xb8;
	[tilespmem:$0x12400] =	vst v63  }
0x291: {  	_ =	swait.ge [sflag:s18], $0x4000  }
0x292: {  	[sflag:s18] =	ssyncset.done $0x0  }
0x293: {  	[sflag:s18] =	ssyncadd.s32 $0xFFFFC000  }
.LBB2_7:
0x294: {  	_ =	swait.ge [sflag:s19], $0x2000  }
0x295: {  	[sflag:s19] =	ssyncset.done $0x0  }
0x296: {  	[sflag:s19] =	ssyncadd.s32 $0xFFFFE000  }
.LBB2_8:
0x297: {  	s26 =	simm.s32 $0x0  }
0x298: {  	v23 =	vadd.s32 s26, v45  }
0x299: {  	v19 =	vand.u32 $0xF, v23  }
0x29a: {  	v0 =	vor.u32 v61, v19  }
0x29b: {  	s29 =	simm.s32 $0x1  }
0x29c: {  	v22 =	vadd.s32 s29, v45  }
0x29d: {  	v18 =	vand.u32 $0xF, v22  }
0x29e: {  	v16 =	vor.u32 v61, v18  }
0x29f: {  	v17 =	vshll.u32 v23, $0x7;
	v0 =	vld.idx.msk [tilespmem:v0+s13+$0x0], $0xffff  }
0x2a0: {  	v20 =	vand.u32 $0x780, v17  }
0x2a1: {  	v21 =	vor.u32 v45, v20  }
0x2a2: {  	v24 =	vor.u32 v1, v19  }
0x2a3: {  	v16 =	vld.idx.msk [tilespmem:v16+s13+$0x0], $0xffff  }
0x2a4: {  	v25 =	vshll.u32 v18, $0x7;
	v0 =	vmul.f32 $8.000000000e+00, v0  }
0x2a5: {  	v26 =	vor.u32 v45, v25  }
0x2a6: {  	[tilespmem:v21+s20+$0x0] =	vst.idx.msk $0xffff, v0;
	v0 =	vor.u32 v1, v18  }
0x2a7: {  	v21 =	vld.idx.msk [tilespmem:v24+s13+$0x0], $0xffff  }
0x2a8: {  	v16 =	vmul.f32 $8.000000000e+00, v16  }
0x2a9: {  	v24 =	vor.u32 v47, v20  }
0x2aa: {  	v27 =	vor.u32 v48, v19;
	[tilespmem:v26+s20+$0x0] =	vst.idx.msk $0xffff, v16  }
0x2ab: {  	v0 =	vld.idx.msk [tilespmem:v0+s13+$0x0], $0xffff  }
0x2ac: {  	v16 =	vmul.f32 $8.000000000e+00, v21  }
0x2ad: {  	v21 =	vor.u32 v47, v25  }
0x2ae: {  	[tilespmem:v24+s20+$0x0] =	vst.idx.msk $0xffff, v16;
	v16 =	vor.u32 v48, v18  }
0x2af: {  	v24 =	vld.idx.msk [tilespmem:v27+s13+$0x0], $0xffff  }
0x2b0: {  	v0 =	vmul.f32 $8.000000000e+00, v0  }
0x2b1: {  	v26 =	vor.u32 v49, v20  }
0x2b2: {  	v27 =	vor.u32 v50, v19;
	[tilespmem:v21+s20+$0x0] =	vst.idx.msk $0xffff, v0  }
0x2b3: {  	v0 =	vld.idx.msk [tilespmem:v16+s13+$0x0], $0xffff  }
0x2b4: {  	v16 =	vmul.f32 $8.000000000e+00, v24  }
0x2b5: {  	v21 =	vor.u32 v49, v25  }
0x2b6: {  	[tilespmem:v26+s20+$0x0] =	vst.idx.msk $0xffff, v16;
	v16 =	vor.u32 v50, v18  }
0x2b7: {  	v24 =	vld.idx.msk [tilespmem:v27+s13+$0x0], $0xffff  }
0x2b8: {  	v0 =	vmul.f32 $8.000000000e+00, v0  }
0x2b9: {  	v26 =	vor.u32 v51, v20  }
0x2ba: {  	v27 =	vor.u32 v52, v19;
	[tilespmem:v21+s20+$0x0] =	vst.idx.msk $0xffff, v0  }
0x2bb: {  	v0 =	vld.idx.msk [tilespmem:v16+s13+$0x0], $0xffff  }
0x2bc: {  	v16 =	vmul.f32 $8.000000000e+00, v24  }
0x2bd: {  	v21 =	vor.u32 v51, v25  }
0x2be: {  	[tilespmem:v26+s20+$0x0] =	vst.idx.msk $0xffff, v16;
	v16 =	vor.u32 v52, v18  }
0x2bf: {  	v24 =	vld.idx.msk [tilespmem:v27+s13+$0x0], $0xffff  }
0x2c0: {  	v0 =	vmul.f32 $8.000000000e+00, v0  }
0x2c1: {  	v26 =	vor.u32 v44, v20  }
0x2c2: {  	v27 =	vor.u32 v53, v19;
	[tilespmem:v21+s20+$0x0] =	vst.idx.msk $0xffff, v0  }
0x2c3: {  	v0 =	vld.idx.msk [tilespmem:v16+s13+$0x0], $0xffff  }
0x2c4: {  	v16 =	vmul.f32 $8.000000000e+00, v24  }
0x2c5: {  	v21 =	vor.u32 v44, v25  }
0x2c6: {  	[tilespmem:v26+s20+$0x0] =	vst.idx.msk $0xffff, v16;
	v16 =	vor.u32 v53, v18  }
0x2c7: {  	v24 =	vld.idx.msk [tilespmem:v27+s13+$0x0], $0xffff  }
0x2c8: {  	v0 =	vmul.f32 $8.000000000e+00, v0  }
0x2c9: {  	v26 =	vor.u32 v54, v20  }
0x2ca: {  	v27 =	vor.u32 v40, v19;
	[tilespmem:v21+s20+$0x0] =	vst.idx.msk $0xffff, v0  }
0x2cb: {  	v0 =	vld.idx.msk [tilespmem:v16+s13+$0x0], $0xffff  }
0x2cc: {  	v16 =	vmul.f32 $8.000000000e+00, v24  }
0x2cd: {  	v21 =	vor.u32 v54, v25  }
0x2ce: {  	[tilespmem:v26+s20+$0x0] =	vst.idx.msk $0xffff, v16;
	v16 =	vor.u32 v40, v18  }
0x2cf: {  	v24 =	vld.idx.msk [tilespmem:v27+s13+$0x0], $0xffff  }
0x2d0: {  	v0 =	vmul.f32 $8.000000000e+00, v0  }
0x2d1: {  	v26 =	vor.u32 v39, v20  }
0x2d2: {  	v27 =	vor.u32 v41, v19;
	[tilespmem:v21+s20+$0x0] =	vst.idx.msk $0xffff, v0  }
0x2d3: {  	v0 =	vld.idx.msk [tilespmem:v16+s13+$0x0], $0xffff  }
0x2d4: {  	v16 =	vmul.f32 $8.000000000e+00, v24  }
0x2d5: {  	v21 =	vor.u32 v39, v25  }
0x2d6: {  	[tilespmem:v26+s20+$0x0] =	vst.idx.msk $0xffff, v16;
	v16 =	vor.u32 v41, v18  }
0x2d7: {  	v24 =	vld.idx.msk [tilespmem:v27+s13+$0x0], $0xffff  }
0x2d8: {  	v26 =	vor.u32 $0x10, v23;
	v27 =	vmul.f32 $8.000000000e+00, v0  }
0x2d9: {  	v20 =	vor.u32 v28, v20;
	v0 =	vand.u32 $0x1F, v26  }
0x2da: {  	v15 =	vmov v28;
	v28 =	vor.u32 v61, v0;
	[tilespmem:v21+s20+$0x0] =	vst.idx.msk $0xffff, v27  }
0x2db: {  	v16 =	vld.idx.msk [tilespmem:v16+s13+$0x0], $0xffff  }
0x2dc: {  	v21 =	vmul.f32 $8.000000000e+00, v24;
	v24 =	vor.u32 $0x10, v22  }
0x2dd: {  	v31 =	vor.u32 v15, v25;
	v30 =	vand.u32 $0x1F, v24  }
0x2de: {  	[tilespmem:v20+s20+$0x0] =	vst.idx.msk $0xffff, v21;
	v20 =	vshll.u32 v26, $0x7;
	v21 =	vor.u32 v61, v30  }
0x2df: {  	v29 =	vand.u32 $0x380, v17;
	v17 =	vld.idx.msk [tilespmem:v28+s13+$0x0], $0xffff;
	v20 =	vand.u32 $0xC00, v20  }
0x2e0: {  	v27 =	vor.u32 v29, v20;
	v16 =	vmul.f32 $8.000000000e+00, v16  }
0x2e1: {  	s30 =	simm.s32 $0x2;
	v20 =	vor.u32 v45, v27  }
0x2e2: {  	v59 =	vadd.s32 s30, v45;
	v26 =	vor.u32 v1, v0;
	[tilespmem:v31+s20+$0x0] =	vst.idx.msk $0xffff, v16;
	v16 =	vshll.u32 v24, $0x7  }
0x2e3: {  	v31 =	vand.u32 $0xF, v59;
	v24 =	vand.u32 $0x380, v25;
	v21 =	vld.idx.msk [tilespmem:v21+s13+$0x0], $0xffff;
	v16 =	vand.u32 $0x7FFFFC00, v16  }
0x2e4: {  	v25 =	vor.u32 v61, v31;
	v17 =	vmul.f32 $8.000000000e+00, v17;
	v28 =	vor.u32 v24, v16  }
0x2e5: {  	v16 =	vor.u32 v45, v28  }
0x2e6: {  	[tilespmem:v20+s20+$0x0] =	vst.idx.msk $0xffff, v17;
	v17 =	vor.u32 v1, v30  }
0x2e7: {  	v20 =	vld.idx.msk [tilespmem:v26+s13+$0x0], $0xffff  }
0x2e8: {  	s31 =	simm.s32 $0x3;
	v32 =	vmul.f32 $8.000000000e+00, v21  }
0x2e9: {  	v60 =	vadd.s32 s31, v45;
	v34 =	vor.u32 v47, v27;
	v21 =	vshll.u32 v59, $0x7;
	v33 =	vld.idx.msk [tilespmem:v25+s13+$0x0], $0xffff  }
0x2ea: {  	v35 =	vor.u32 v48, v0;
	v26 =	vand.u32 $0xF, v60;
	v25 =	vand.u32 $0x780, v21;
	[tilespmem:v16+s20+$0x0] =	vst.idx.msk $0xffff, v32  }
0x2eb: {  	v16 =	vor.u32 v61, v26;
	v55 =	vor.u32 v45, v25;
	v17 =	vld.idx.msk [tilespmem:v17+s13+$0x0], $0xffff  }
0x2ec: {  	v36 =	vor.u32 v1, v31;
	v20 =	vmul.f32 $8.000000000e+00, v20  }
0x2ed: {  	v37 =	vor.u32 v47, v28  }
0x2ee: {  	v56 =	vor.u32 v48, v30;
	[tilespmem:v34+s20+$0x0] =	vst.idx.msk $0xffff, v20;
	v20 =	vmul.f32 $8.000000000e+00, v33  }
0x2ef: {  	v34 =	vld.idx.msk [tilespmem:v35+s13+$0x0], $0xffff  }
0x2f0: {  	v16 =	vld.idx.msk [tilespmem:v16+s13+$0x0], $0xffff;
	[tilespmem:v55+s20+$0x0] =	vst.idx.msk $0xffff, v20;
	v17 =	vmul.f32 $8.000000000e+00, v17  }
0x2f1: {  	v57 =	vor.u32 v49, v27;
	v20 =	vshll.u32 v26, $0x7;
	v58 =	vld.idx.msk [tilespmem:v36+s13+$0x0], $0xffff  }
0x2f2: {  	v62 =	vor.u32 v50, v0;
	v38 =	vor.u32 v45, v20;
	[tilespmem:v37+s20+$0x0] =	vst.idx.msk $0xffff, v17  }
0x2f3: {  	v63 =	vor.u32 v1, v26;
	v17 =	vor.u32 v47, v25;
	v33 =	vld.idx.msk [tilespmem:v56+s13+$0x0], $0xffff  }
0x2f4: {  	v46 =	vor.u32 v48, v31;
	v34 =	vmul.f32 $8.000000000e+00, v34  }
0x2f5: {  	v13 =	vmov v40;
	v40 =	vor.u32 v49, v28;
	v16 =	vmul.f32 $8.000000000e+00, v16  }
0x2f6: {  	v56 =	vor.u32 v50, v30;
	[tilespmem:v57+s20+$0x0] =	vst.idx.msk $0xffff, v34;
	v55 =	vmul.f32 $8.000000000e+00, v58  }
0x2f7: {  	[tilespmem:v38+s20+$0x0] =	vst.idx.msk $0xffff, v16;
	v57 =	vld.idx.msk [tilespmem:v62+s13+$0x0], $0xffff  }
0x2f8: {  	v16 =	vld.idx.msk [tilespmem:v63+s13+$0x0], $0xffff;
	[tilespmem:v17+s20+$0x0] =	vst.idx.msk $0xffff, v55;
	v17 =	vmul.f32 $8.000000000e+00, v33  }
0x2f9: {  	v58 =	vor.u32 v51, v27;
	v62 =	vld.idx.msk [tilespmem:v46+s13+$0x0], $0xffff  }
0x2fa: {  	v63 =	vor.u32 v52, v0;
	v46 =	vor.u32 v47, v20;
	[tilespmem:v40+s20+$0x0] =	vst.idx.msk $0xffff, v17  }
0x2fb: {  	v55 =	vor.u32 v48, v26;
	v17 =	vor.u32 v49, v25;
	v34 =	vld.idx.msk [tilespmem:v56+s13+$0x0], $0xffff  }
0x2fc: {  	v35 =	vmul.f32 $8.000000000e+00, v57  }
0x2fd: {  	v56 =	vor.u32 v50, v31;
	v16 =	vmul.f32 $8.000000000e+00, v16;
	v57 =	vor.u32 v51, v28  }
0x2fe: {  	[tilespmem:v58+s20+$0x0] =	vst.idx.msk $0xffff, v35;
	v58 =	vmul.f32 $8.000000000e+00, v62;
	v62 =	vor.u32 v52, v30  }
0x2ff: {  	[tilespmem:v46+s20+$0x0] =	vst.idx.msk $0xffff, v16;
	v35 =	vld.idx.msk [tilespmem:v63+s13+$0x0], $0xffff  }
0x300: {  	v16 =	vld.idx.msk [tilespmem:v55+s13+$0x0], $0xffff;
	[tilespmem:v17+s20+$0x0] =	vst.idx.msk $0xffff, v58;
	v17 =	vmul.f32 $8.000000000e+00, v34  }
0x301: {  	v63 =	vor.u32 v44, v27  }
0x302: {  	v55 =	vor.u32 v49, v20;
	v46 =	vld.idx.msk [tilespmem:v56+s13+$0x0], $0xffff;
	[tilespmem:v57+s20+$0x0] =	vst.idx.msk $0xffff, v17;
	v17 =	vor.u32 v53, v0  }
0x303: {  	v57 =	vor.u32 v50, v26;
	v33 =	vld.idx.msk [tilespmem:v62+s13+$0x0], $0xffff  }
0x304: {  	v56 =	vor.u32 v51, v25;
	v35 =	vmul.f32 $8.000000000e+00, v35  }
0x305: {  	v58 =	vor.u32 v52, v31;
	v62 =	vor.u32 v44, v28;
	v16 =	vmul.f32 $8.000000000e+00, v16  }
0x306: {  	v42 =	vor.u32 v53, v30;
	[tilespmem:v63+s20+$0x0] =	vst.idx.msk $0xffff, v35  }
0x307: {  	v63 =	vmul.f32 $8.000000000e+00, v46;
	[tilespmem:v55+s20+$0x0] =	vst.idx.msk $0xffff, v16;
	v16 =	vld.idx.msk [tilespmem:v17+s13+$0x0], $0xffff  }
0x308: {  	v17 =	vld.idx.msk [tilespmem:v57+s13+$0x0], $0xffff;
	v43 =	vmul.f32 $8.000000000e+00, v33  }
0x309: {  	v46 =	vor.u32 v54, v27;
	[tilespmem:v56+s20+$0x0] =	vst.idx.msk $0xffff, v63  }
0x30a: {  	v55 =	vor.u32 v51, v20;
	v56 =	vor.u32 v13, v0;
	v33 =	vld.idx.msk [tilespmem:v58+s13+$0x0], $0xffff;
	[tilespmem:v62+s20+$0x0] =	vst.idx.msk $0xffff, v43  }
0x30b: {  	v58 =	vor.u32 v52, v26;
	v34 =	vld.idx.msk [tilespmem:v42+s13+$0x0], $0xffff  }
0x30c: {  	v57 =	vor.u32 v44, v25;
	v16 =	vmul.f32 $8.000000000e+00, v16  }
0x30d: {  	v63 =	vor.u32 v54, v28;
	v62 =	vor.u32 v53, v31;
	v17 =	vmul.f32 $8.000000000e+00, v17  }
0x30e: {  	[tilespmem:v46+s20+$0x0] =	vst.idx.msk $0xffff, v16;
	v16 =	vor.u32 v13, v30  }
0x30f: {  	v33 =	vmul.f32 $8.000000000e+00, v33;
	[tilespmem:v55+s20+$0x0] =	vst.idx.msk $0xffff, v17;
	v17 =	vld.idx.msk [tilespmem:v56+s13+$0x0], $0xffff  }
0x310: {  	v14 =	vmov v39;
	v32 =	vld.idx.msk [tilespmem:v58+s13+$0x0], $0xffff;
	v38 =	vmul.f32 $8.000000000e+00, v34  }
0x311: {  	v43 =	vor.u32 v14, v27;
	[tilespmem:v57+s20+$0x0] =	vst.idx.msk $0xffff, v33  }
0x312: {  	v0 =	vor.u32 v41, v0;
	v46 =	vor.u32 v44, v20;
	v42 =	vld.idx.msk [tilespmem:v62+s13+$0x0], $0xffff;
	[tilespmem:v63+s20+$0x0] =	vst.idx.msk $0xffff, v38  }
0x313: {  	v56 =	vor.u32 v53, v26;
	v16 =	vld.idx.msk [tilespmem:v16+s13+$0x0], $0xffff  }
0x314: {  	v55 =	vor.u32 v54, v25;
	v17 =	vmul.f32 $8.000000000e+00, v17  }
0x315: {  	v58 =	vor.u32 v14, v28;
	v57 =	vor.u32 v13, v31;
	v32 =	vmul.f32 $8.000000000e+00, v32  }
0x316: {  	[tilespmem:v43+s20+$0x0] =	vst.idx.msk $0xffff, v17;
	v17 =	vor.u32 v41, v30  }
0x317: {  	v19 =	vor.u32 $0x20, v19;
	v34 =	vmul.f32 $8.000000000e+00, v42;
	[tilespmem:v46+s20+$0x0] =	vst.idx.msk $0xffff, v32;
	v0 =	vld.idx.msk [tilespmem:v0+s13+$0x0], $0xffff  }
0x318: {  	v11 =	vmovc v44;
	v62 =	vand.u32 $0x28, v19;
	v30 =	vand.u32 $0x7, v23;
	v32 =	vld.idx.msk [tilespmem:v56+s13+$0x0], $0xffff;
	v16 =	vmul.f32 $8.000000000e+00, v16  }
0x319: {  	v18 =	vor.u32 $0x20, v18;
	v27 =	vor.u32 v15, v27;
	v30 =	vor.u32 v30, v62;
	[tilespmem:v55+s20+$0x0] =	vst.idx.msk $0xffff, v34  }
0x31a: {  	v33 =	vor.u32 v61, v30;
	v42 =	vld.idx.msk [tilespmem:v57+s13+$0x0], $0xffff;
	[tilespmem:v58+s20+$0x0] =	vst.idx.msk $0xffff, v16;
	v16 =	vor.u32 v54, v20  }
0x31b: {  	v44 =	vor.u32 v13, v26;
	v28 =	vor.u32 v15, v28;
	v43 =	vor.u32 v14, v25;
	v17 =	vld.idx.msk [tilespmem:v17+s13+$0x0], $0xffff  }
0x31c: {  	v12 =	vmovc v54;
	v46 =	vand.u32 $0x7, v22;
	v54 =	vand.u32 $0x28, v18;
	v0 =	vmul.f32 $8.000000000e+00, v0  }
0x31d: {  	v63 =	vor.u32 v41, v31;
	v39 =	vor.u32 v46, v54;
	v32 =	vmul.f32 $8.000000000e+00, v32  }
0x31e: {  	v19 =	vshll.u32 v19, $0x7;
	[tilespmem:v27+s20+$0x0] =	vst.idx.msk $0xffff, v0;
	v0 =	vor.u32 v61, v39  }
0x31f: {  	v19 =	vand.u32 $0x1400, v19;
	v35 =	vmul.f32 $8.000000000e+00, v42;
	[tilespmem:v16+s20+$0x0] =	vst.idx.msk $0xffff, v32;
	v16 =	vld.idx.msk [tilespmem:v33+s13+$0x0], $0xffff  }
0x320: {  	v25 =	vor.u32 v15, v25;
	v42 =	vor.u32 v29, v19;
	v27 =	vld.idx.msk [tilespmem:v44+s13+$0x0], $0xffff;
	v17 =	vmul.f32 $8.000000000e+00, v17  }
0x321: {  	v57 =	vor.u32 v1, v30;
	v56 =	vor.u32 v45, v42;
	[tilespmem:v43+s20+$0x0] =	vst.idx.msk $0xffff, v35  }
0x322: {  	v18 =	vshll.u32 v18, $0x7;
	v55 =	vld.idx.msk [tilespmem:v63+s13+$0x0], $0xffff;
	[tilespmem:v28+s20+$0x0] =	vst.idx.msk $0xffff, v17;
	v17 =	vor.u32 v14, v20  }
0x323: {  	v18 =	vand.u32 $0x1400, v18;
	v19 =	vor.u32 $0x10, v59;
	v28 =	vor.u32 v41, v26;
	v0 =	vld.idx.msk [tilespmem:v0+s13+$0x0], $0xffff  }
0x324: {  	v38 =	vor.u32 v24, v18;
	v34 =	vand.u32 $0x1F, v19;
	v16 =	vmul.f32 $8.000000000e+00, v16  }
0x325: {  	v58 =	vor.u32 v61, v34;
	v18 =	vmul.f32 $8.000000000e+00, v27;
	v27 =	vor.u32 v45, v38  }
0x326: {  	[tilespmem:v56+s20+$0x0] =	vst.idx.msk $0xffff, v16;
	v16 =	vor.u32 v1, v39  }
0x327: {  	v2 =	vand.u32 $0x380, v21;
	v32 =	vmul.f32 $8.000000000e+00, v55;
	[tilespmem:v17+s20+$0x0] =	vst.idx.msk $0xffff, v18;
	v17 =	vld.idx.msk [tilespmem:v57+s13+$0x0], $0xffff  }
0x328: {  	v62 =	vor.u32 $0x10, v60;
	v19 =	vshll.u32 v19, $0x7;
	v28 =	vld.idx.msk [tilespmem:v28+s13+$0x0], $0xffff;
	v0 =	vmul.f32 $8.000000000e+00, v0  }
0x329: {  	v19 =	vand.u32 $0xC00, v19;
	v35 =	vand.u32 $0x1F, v62;
	v63 =	vor.u32 v47, v42;
	[tilespmem:v25+s20+$0x0] =	vst.idx.msk $0xffff, v32  }
0x32a: {  	v25 =	vor.u32 v48, v30;
	v36 =	vld.idx.msk [tilespmem:v58+s13+$0x0], $0xffff;
	[tilespmem:v27+s20+$0x0] =	vst.idx.msk $0xffff, v0;
	v0 =	vor.u32 v15, v20  }
0x32b: {  	v32 =	vor.u32 v2, v19;
	v19 =	vor.u32 v61, v35;
	v16 =	vld.idx.msk [tilespmem:v16+s13+$0x0], $0xffff  }
0x32c: {  	v46 =	vor.u32 v45, v32;
	v17 =	vmul.f32 $8.000000000e+00, v17  }
0x32d: {  	s28 =	simm.s32 $0x4;
	v43 =	vor.u32 v47, v38;
	v57 =	vor.u32 v1, v34;
	v28 =	vmul.f32 $8.000000000e+00, v28  }
0x32e: {  	v21 =	vand.u32 $0x380, v20;
	v27 =	vadd.s32 s28, v45;
	[tilespmem:v63+s20+$0x0] =	vst.idx.msk $0xffff, v17;
	v17 =	vor.u32 v48, v39  }
0x32f: {  	v54 =	vand.u32 $0xF, v27;
	v36 =	vmul.f32 $8.000000000e+00, v36;
	[tilespmem:v0+s20+$0x0] =	vst.idx.msk $0xffff, v28;
	v0 =	vld.idx.msk [tilespmem:v25+s13+$0x0], $0xffff;
	v25 =	vshll.u32 v62, $0x7  }
0x330: {  	v58 =	vor.u32 v61, v54;
	v19 =	vld.idx.msk [tilespmem:v19+s13+$0x0], $0xffff;
	v16 =	vmul.f32 $8.000000000e+00, v16;
	v25 =	vand.u32 $0x7FFFFC00, v25  }
0x331: {  	v3 =	vmov v41;
	[tilespmem:v46+s20+$0x0] =	vst.idx.msk $0xffff, v36;
	v36 =	vor.u32 v21, v25;
	v25 =	vor.u32 v49, v42  }
0x332: {  	v62 =	vor.u32 v50, v30;
	v41 =	vld.idx.msk [tilespmem:v57+s13+$0x0], $0xffff;
	[tilespmem:v43+s20+$0x0] =	vst.idx.msk $0xffff, v16;
	v16 =	vor.u32 v45, v36  }
0x333: {  	v55 =	vor.u32 v48, v34;
	v63 =	vor.u32 v1, v35;
	v17 =	vld.idx.msk [tilespmem:v17+s13+$0x0], $0xffff  }
0x334: {  	s29 =	simm.s32 $0x5;
	v18 =	vlaneseq.u32;
	v46 =	vor.u32 v47, v32;
	v0 =	vmul.f32 $8.000000000e+00, v0  }
0x335: {  	v57 =	vor.u32 v49, v38;
	v56 =	vmul.f32 $8.000000000e+00, v19;
	v19 =	vadd.s32 s29, v18  }
0x336: {  	v40 =	vshll.u32 v27, $0x7;
	v37 =	vld.idx.msk [tilespmem:v58+s13+$0x0], $0xffff;
	[tilespmem:v25+s20+$0x0] =	vst.idx.msk $0xffff, v0;
	v0 =	vor.u32 v50, v39;
	v28 =	vand.u32 $0xF, v19  }
0x337: {  	v33 =	vand.u32 $0x780, v40;
	v25 =	vmul.f32 $8.000000000e+00, v41;
	[tilespmem:v16+s20+$0x0] =	vst.idx.msk $0xffff, v56;
	v16 =	vld.idx.msk [tilespmem:v62+s13+$0x0], $0xffff;
	v58 =	vor.u32 v61, v28  }
0x338: {  	v4 =	vmov v47;
	v62 =	vor.u32 v18, v33;
	v43 =	vld.idx.msk [tilespmem:v63+s13+$0x0], $0xffff;
	v17 =	vmul.f32 $8.000000000e+00, v17  }
0x339: {  	v6 =	vmov v48;
	v63 =	vor.u32 v1, v54;
	[tilespmem:v46+s20+$0x0] =	vst.idx.msk $0xffff, v25;
	v25 =	vor.u32 v51, v42  }
0x33a: {  	v45 =	vld.idx.msk [tilespmem:v55+s13+$0x0], $0xffff;
	v55 =	vor.u32 v52, v30;
	[tilespmem:v57+s20+$0x0] =	vst.idx.msk $0xffff, v17;
	v17 =	vor.u32 v4, v36  }
0x33b: {  	v7 =	vmov v49;
	v37 =	vmul.f32 $8.000000000e+00, v37;
	v56 =	vor.u32 v6, v35;
	v0 =	vld.idx.msk [tilespmem:v0+s13+$0x0], $0xffff  }
0x33c: {  	v49 =	vor.u32 v50, v34;
	v57 =	vor.u32 v7, v32;
	v41 =	vld.idx.msk [tilespmem:v58+s13+$0x0], $0xffff;
	v16 =	vmul.f32 $8.000000000e+00, v16  }
0x33d: {  	[tilespmem:v62+s20+$0x0] =	vst.idx.msk $0xffff, v37;
	v58 =	vor.u32 v51, v38;
	v37 =	vshll.u32 v28, $0x7;
	v43 =	vmul.f32 $8.000000000e+00, v43  }
0x33e: {  	v47 =	vld.idx.msk [tilespmem:v63+s13+$0x0], $0xffff;
	[tilespmem:v25+s20+$0x0] =	vst.idx.msk $0xffff, v16;
	v16 =	vor.u32 v52, v39;
	v25 =	vor.u32 v18, v37  }
0x33f: {  	v62 =	vor.u32 v1, v28;
	v45 =	vmul.f32 $8.000000000e+00, v45;
	[tilespmem:v17+s20+$0x0] =	vst.idx.msk $0xffff, v43;
	v17 =	vld.idx.msk [tilespmem:v55+s13+$0x0], $0xffff  }
0x340: {  	v8 =	vmov v50;
	v63 =	vor.u32 v4, v33;
	v48 =	vld.idx.msk [tilespmem:v56+s13+$0x0], $0xffff;
	v0 =	vmul.f32 $8.000000000e+00, v0  }
0x341: {  	v55 =	vor.u32 v6, v54;
	[tilespmem:v57+s20+$0x0] =	vst.idx.msk $0xffff, v45;
	v56 =	vor.u32 v11, v42;
	v41 =	vmul.f32 $8.000000000e+00, v41  }
0x342: {  	v57 =	vor.u32 v53, v30;
	v49 =	vld.idx.msk [tilespmem:v49+s13+$0x0], $0xffff;
	[tilespmem:v58+s20+$0x0] =	vst.idx.msk $0xffff, v0;
	v0 =	vor.u32 v7, v36  }
0x343: {  	v9 =	vmov v51;
	v50 =	vor.u32 v7, v33;
	v58 =	vmul.f32 $8.000000000e+00, v47;
	v16 =	vld.idx.msk [tilespmem:v16+s13+$0x0], $0xffff;
	[tilespmem:v25+s20+$0x0] =	vst.idx.msk $0xffff, v41  }
0x344: {  	v25 =	vor.u32 v8, v35;
	v41 =	vld.idx.msk [tilespmem:v62+s13+$0x0], $0xffff;
	v62 =	vor.u32 v9, v32;
	v17 =	vmul.f32 $8.000000000e+00, v17  }
0x345: {  	v46 =	vor.u32 v11, v38;
	v47 =	vor.u32 v52, v34;
	[tilespmem:v63+s20+$0x0] =	vst.idx.msk $0xffff, v58;
	v63 =	vmul.f32 $8.000000000e+00, v48  }
0x346: {  	v55 =	vld.idx.msk [tilespmem:v55+s13+$0x0], $0xffff;
	[tilespmem:v56+s20+$0x0] =	vst.idx.msk $0xffff, v17;
	v17 =	vor.u32 v53, v39;
	v56 =	vor.u32 v4, v37  }
0x347: {  	v5 =	vmov v53;
	v49 =	vmul.f32 $8.000000000e+00, v49;
	[tilespmem:v0+s20+$0x0] =	vst.idx.msk $0xffff, v63;
	v0 =	vld.idx.msk [tilespmem:v57+s13+$0x0], $0xffff;
	v57 =	vor.u32 v6, v28  }
0x348: {  	v51 =	vor.u32 v5, v54;
	v58 =	vor.u32 v8, v54;
	v16 =	vmul.f32 $8.000000000e+00, v16  }
0x349: {  	v63 =	vor.u32 v13, v30;
	v25 =	vld.idx.msk [tilespmem:v25+s13+$0x0], $0xffff;
	[tilespmem:v62+s20+$0x0] =	vst.idx.msk $0xffff, v49;
	v41 =	vmul.f32 $8.000000000e+00, v41  }
0x34a: {  	v62 =	vor.u32 v12, v42;
	v49 =	vor.u32 v53, v34;
	v47 =	vld.idx.msk [tilespmem:v47+s13+$0x0], $0xffff;
	[tilespmem:v46+s20+$0x0] =	vst.idx.msk $0xffff, v16  }
0x34b: {  	v10 =	vmov v52;
	v16 =	vor.u32 v9, v36;
	v55 =	vmul.f32 $8.000000000e+00, v55;
	v17 =	vld.idx.msk [tilespmem:v17+s13+$0x0], $0xffff;
	[tilespmem:v56+s20+$0x0] =	vst.idx.msk $0xffff, v41  }
0x34c: {  	v46 =	vor.u32 v12, v38;
	v56 =	vor.u32 v52, v35;
	v52 =	vor.u32 v52, v54;
	v44 =	vld.idx.msk [tilespmem:v57+s13+$0x0], $0xffff  }
0x34d: {  	v57 =	vor.u32 v11, v32;
	v0 =	vmul.f32 $8.000000000e+00, v0;
	[tilespmem:v50+s20+$0x0] =	vst.idx.msk $0xffff, v55;
	v55 =	vor.u32 v13, v34  }
0x34e: {  	v34 =	vor.u32 v3, v34;
	v25 =	vmul.f32 $8.000000000e+00, v25;
	v48 =	vld.idx.msk [tilespmem:v58+s13+$0x0], $0xffff;
	v58 =	vor.u32 v7, v37  }
0x34f: {  	[tilespmem:v62+s20+$0x0] =	vst.idx.msk $0xffff, v0;
	v0 =	vor.u32 v13, v39;
	v62 =	vor.u32 v9, v33  }
0x350: {  	s30 =	simm.s32 $0x6;
	v47 =	vmul.f32 $8.000000000e+00, v47;
	[tilespmem:v16+s20+$0x0] =	vst.idx.msk $0xffff, v25;
	v16 =	vld.idx.msk [tilespmem:v63+s13+$0x0], $0xffff;
	v63 =	vor.u32 v8, v28  }
0x351: {  	v25 =	vadd.s32 s30, v18;
	v41 =	vld.idx.msk [tilespmem:v56+s13+$0x0], $0xffff;
	v17 =	vmul.f32 $8.000000000e+00, v17;
	v56 =	vor.u32 v14, v42  }
0x352: {  	v42 =	vor.u32 v15, v42;
	[tilespmem:v57+s20+$0x0] =	vst.idx.msk $0xffff, v47;
	v44 =	vmul.f32 $8.000000000e+00, v44;
	v57 =	vor.u32 v3, v30  }
0x353: {  	v30 =	vand.u32 $0xF, v25;
	v47 =	vor.u32 v9, v37;
	[tilespmem:v46+s20+$0x0] =	vst.idx.msk $0xffff, v17;
	v48 =	vmul.f32 $8.000000000e+00, v48;
	v49 =	vld.idx.msk [tilespmem:v49+s13+$0x0], $0xffff  }
0x354: {  	v17 =	vor.u32 v11, v36;
	v20 =	vor.u32 v10, v30;
	v46 =	vld.idx.msk [tilespmem:v0+s13+$0x0], $0xffff;
	[tilespmem:v58+s20+$0x0] =	vst.idx.msk $0xffff, v44  }
0x355: {  	v45 =	vor.u32 v6, v30;
	v58 =	vor.u32 v53, v35;
	v16 =	vmul.f32 $8.000000000e+00, v16;
	[tilespmem:v62+s20+$0x0] =	vst.idx.msk $0xffff, v48  }
0x356: {  	v0 =	vor.u32 v3, v54;
	v62 =	vld.idx.msk [tilespmem:v63+s13+$0x0], $0xffff;
	v63 =	vor.u32 v14, v38;
	[tilespmem:$0x1FE10] =	vst v54  }
0x357: {  	v53 =	vor.u32 v13, v54;
	v41 =	vmul.f32 $8.000000000e+00, v41;
	v54 =	vor.u32 v12, v32;
	[tilespmem:v56+s20+$0x0] =	vst.idx.msk $0xffff, v16  }
0x358: {  	v23 =	vor.u32 $0x30, v23;
	v48 =	vor.u32 v1, v30;
	v16 =	vor.u32 v3, v39;
	v52 =	vld.idx.msk [tilespmem:v52+s13+$0x0], $0xffff;
	[tilespmem:$0x1FE20] =	vst v20  }
0x359: {  	v44 =	vand.u32 $0x3F, v23;
	v38 =	vor.u32 v15, v38;
	[tilespmem:v17+s20+$0x0] =	vst.idx.msk $0xffff, v41;
	v17 =	vld.idx.msk [tilespmem:v57+s13+$0x0], $0xffff;
	v46 =	vmul.f32 $8.000000000e+00, v46  }
0x35a: {  	v56 =	vor.u32 v11, v33;
	v49 =	vmul.f32 $8.000000000e+00, v49;
	v57 =	vor.u32 v10, v28;
	v43 =	vld.idx.msk [tilespmem:v58+s13+$0x0], $0xffff  }
0x35b: {  	v39 =	vor.u32 v61, v30;
	v41 =	vor.u32 v8, v30;
	v62 =	vmul.f32 $8.000000000e+00, v62;
	[tilespmem:v63+s20+$0x0] =	vst.idx.msk $0xffff, v46  }
0x35c: {  	v58 =	vor.u32 v61, v44;
	v63 =	vor.u32 v12, v36;
	[tilespmem:v54+s20+$0x0] =	vst.idx.msk $0xffff, v49;
	v49 =	vand.u32 $0x7, v59  }
0x35d: {  	v54 =	vor.u32 v13, v35;
	v16 =	vld.idx.msk [tilespmem:v16+s13+$0x0], $0xffff;
	v52 =	vmul.f32 $8.000000000e+00, v52;
	[tilespmem:$0x1FE30] =	vst v59;
	v59 =	vshll.u32 v23, $0x7  }
0x35e: {  	[tilespmem:v47+s20+$0x0] =	vst.idx.msk $0xffff, v62;
	v47 =	vld.idx.msk [tilespmem:v55+s13+$0x0], $0xffff;
	v55 =	vor.u32 $0x30, v22;
	v62 =	vor.u32 v14, v32;
	v17 =	vmul.f32 $8.000000000e+00, v17  }
0x35f: {  	[tilespmem:v56+s20+$0x0] =	vst.idx.msk $0xffff, v52;
	v52 =	vld.idx.msk [tilespmem:v57+s13+$0x0], $0xffff;
	v23 =	vand.u32 $0x3F, v55;
	v56 =	vor.u32 v12, v33;
	v22 =	vmul.f32 $8.000000000e+00, v43  }
0x360: {  	v57 =	vor.u32 v5, v28;
	v46 =	vshll.u32 v55, $0x7;
	v55 =	vor.u32 v12, v37;
	[tilespmem:v42+s20+$0x0] =	vst.idx.msk $0xffff, v17  }
0x361: {  	v51 =	vld.idx.msk [tilespmem:v51+s13+$0x0], $0xffff;
	v17 =	vor.u32 v61, v23;
	[tilespmem:v63+s20+$0x0] =	vst.idx.msk $0xffff, v22;
	v63 =	vor.u32 v11, v37  }
0x362: {  	v42 =	vor.u32 v3, v35;
	v22 =	vand.u32 $0x1C00, v59;
	v43 =	vld.idx.msk [tilespmem:v58+s13+$0x0], $0xffff;
	v16 =	vmul.f32 $8.000000000e+00, v16  }
0x363: {  	v59 =	vor.u32 v1, v44;
	v22 =	vor.u32 v29, v22;
	v47 =	vmul.f32 $8.000000000e+00, v47  }
0x364: {  	v54 =	vld.idx.msk [tilespmem:v54+s13+$0x0], $0xffff;
	v58 =	vor.u32 v18, v22;
	[tilespmem:v38+s20+$0x0] =	vst.idx.msk $0xffff, v16;
	v16 =	vmul.f32 $8.000000000e+00, v52  }
0x365: {  	v31 =	vor.u32 $0x20, v31;
	v29 =	vor.u32 v6, v44;
	v38 =	vor.u32 v14, v36;
	[tilespmem:v62+s20+$0x0] =	vst.idx.msk $0xffff, v47  }
0x366: {  	v52 =	vor.u32 v14, v33;
	v51 =	vmul.f32 $8.000000000e+00, v51;
	v62 =	vand.u32 $0x7FFFFC00, v46;
	v17 =	vld.idx.msk [tilespmem:v17+s13+$0x0], $0xffff;
	[tilespmem:v63+s20+$0x0] =	vst.idx.msk $0xffff, v16  }
0x367: {  	v36 =	vor.u32 v15, v36;
	v24 =	vor.u32 v24, v62;
	v16 =	vld.idx.msk [tilespmem:v34+s13+$0x0], $0xffff;
	v63 =	vmul.f32 $8.000000000e+00, v43;
	[tilespmem:$0x1FE40] =	vst v27  }
0x368: {  	v62 =	vor.u32 v1, v23;
	v43 =	vor.u32 $0x10, v27;
	v46 =	vor.u32 v18, v24;
	[tilespmem:v56+s20+$0x0] =	vst.idx.msk $0xffff, v51  }
0x369: {  	v12 =	vor.u32 v4, v24;
	v50 =	vmul.f32 $8.000000000e+00, v54;
	v47 =	vld.idx.msk [tilespmem:v57+s13+$0x0], $0xffff;
	v57 =	vand.u32 $0x28, v31;
	[tilespmem:v58+s20+$0x0] =	vst.idx.msk $0xffff, v63  }
0x36a: {  	v63 =	vor.u32 v15, v32;
	v58 =	vor.u32 v4, v22;
	v31 =	vshll.u32 v31, $0x7;
	v34 =	vld.idx.msk [tilespmem:v53+s13+$0x0], $0xffff  }
0x36b: {  	v35 =	vor.u32 v49, v57;
	[tilespmem:v38+s20+$0x0] =	vst.idx.msk $0xffff, v50;
	v50 =	vor.u32 v13, v28;
	v57 =	vor.u32 $0x20, v26  }
0x36c: {  	v49 =	vld.idx.msk [tilespmem:v59+s13+$0x0], $0xffff;
	v26 =	vand.u32 $0x7, v60;
	v38 =	vand.u32 $0x1F, v43;
	v59 =	vor.u32 v10, v44  }
0x36d: {  	v56 =	vor.u32 v61, v35;
	v17 =	vmul.f32 $8.000000000e+00, v17;
	v42 =	vld.idx.msk [tilespmem:v42+s13+$0x0], $0xffff;
	[tilespmem:$0x1FE50] =	vst v60;
	v60 =	vand.u32 $0x28, v57  }
0x36e: {  	v51 =	vor.u32 v61, v38;
	v53 =	vor.u32 v1, v35;
	v16 =	vmul.f32 $8.000000000e+00, v16  }
0x36f: {  	v54 =	vor.u32 v1, v38;
	v32 =	vor.u32 v26, v60;
	v60 =	vshll.u32 v57, $0x7;
	[tilespmem:v46+s20+$0x0] =	vst.idx.msk $0xffff, v17  }
0x370: {  	v57 =	vor.u32 v7, v22;
	v17 =	vmul.f32 $8.000000000e+00, v47;
	[tilespmem:v63+s20+$0x0] =	vst.idx.msk $0xffff, v16;
	v63 =	vor.u32 v3, v44  }
0x371: {  	v46 =	vor.u32 v11, v22;
	v62 =	vld.idx.msk [tilespmem:v62+s13+$0x0], $0xffff;
	v16 =	vor.u32 v61, v32;
	v34 =	vmul.f32 $8.000000000e+00, v34;
	[tilespmem:$0x1FE60] =	vst v63  }
0x372: {  	v31 =	vand.u32 $0x1400, v31;
	v49 =	vmul.f32 $8.000000000e+00, v49;
	[tilespmem:v55+s20+$0x0] =	vst.idx.msk $0xffff, v17;
	v17 =	vld.idx.msk [tilespmem:v56+s13+$0x0], $0xffff;
	v55 =	vor.u32 v15, v33  }
0x373: {  	v42 =	vmul.f32 $8.000000000e+00, v42;
	v56 =	vor.u32 v3, v28;
	[tilespmem:v52+s20+$0x0] =	vst.idx.msk $0xffff, v34;
	v34 =	vor.u32 v2, v31  }
0x374: {  	v50 =	vld.idx.msk [tilespmem:v50+s13+$0x0], $0xffff;
	[tilespmem:v58+s20+$0x0] =	vst.idx.msk $0xffff, v49;
	v31 =	vor.u32 v6, v23;
	v52 =	vor.u32 v8, v35  }
0x375: {  	v58 =	vor.u32 v8, v38;
	v0 =	vld.idx.msk [tilespmem:v0+s13+$0x0], $0xffff;
	v49 =	vor.u32 v18, v34;
	[tilespmem:v36+s20+$0x0] =	vst.idx.msk $0xffff, v42  }
0x376: {  	v42 =	vor.u32 v14, v37;
	v14 =	vor.u32 v8, v44;
	v47 =	vmul.f32 $8.000000000e+00, v62;
	v62 =	vld.idx.msk [tilespmem:v29+s13+$0x0], $0xffff;
	[tilespmem:$0x1FE70] =	vst v28  }
0x377: {  	v36 =	vor.u32 v13, v44;
	v13 =	vor.u32 v4, v34;
	v29 =	vand.u32 $0x1400, v60;
	v16 =	vld.idx.msk [tilespmem:v16+s13+$0x0], $0xffff  }
0x378: {  	[tilespmem:$0x1FE80] =	vst v21;
	v33 =	vor.u32 v21, v29;
	v29 =	vand.u32 $0x380, v40;
	v17 =	vmul.f32 $8.000000000e+00, v17  }
0x379: {  	v40 =	vor.u32 v5, v44;
	[tilespmem:v12+s20+$0x0] =	vst.idx.msk $0xffff, v47;
	v12 =	vor.u32 v18, v33;
	v63 =	vmul.f32 $8.000000000e+00, v50  }
0x37a: {  	v31 =	vld.idx.msk [tilespmem:v31+s13+$0x0], $0xffff;
	v0 =	vmul.f32 $8.000000000e+00, v0;
	[tilespmem:v49+s20+$0x0] =	vst.idx.msk $0xffff, v17;
	v17 =	vor.u32 v1, v32  }
0x37b: {  	[tilespmem:v42+s20+$0x0] =	vst.idx.msk $0xffff, v63;
	v60 =	vld.idx.msk [tilespmem:v53+s13+$0x0], $0xffff;
	v62 =	vmul.f32 $8.000000000e+00, v62;
	v63 =	vor.u32 v7, v24  }
0x37c: {  	[tilespmem:v55+s20+$0x0] =	vst.idx.msk $0xffff, v0;
	v49 =	vld.idx.msk [tilespmem:v56+s13+$0x0], $0xffff;
	v16 =	vmul.f32 $8.000000000e+00, v16;
	v55 =	vor.u32 v6, v35  }
0x37d: {  	v0 =	vshll.u32 v43, $0x7;
	v56 =	vor.u32 v8, v23;
	v51 =	vld.idx.msk [tilespmem:v51+s13+$0x0], $0xffff;
	[tilespmem:v57+s20+$0x0] =	vst.idx.msk $0xffff, v62;
	v57 =	vor.u32 $0x10, v19  }
0x37e: {  	v0 =	vand.u32 $0xC00, v0;
	[tilespmem:v12+s20+$0x0] =	vst.idx.msk $0xffff, v16;
	v16 =	vld.idx.msk [tilespmem:v14+s13+$0x0], $0xffff;
	v14 =	vor.u32 v15, v37;
	v43 =	vand.u32 $0x1F, v57  }
0x37f: {  	v31 =	vmul.f32 $8.000000000e+00, v31;
	v42 =	vor.u32 v29, v0;
	v17 =	vld.idx.msk [tilespmem:v17+s13+$0x0], $0xffff;
	v0 =	vor.u32 v61, v43  }
0x380: {  	v53 =	vor.u32 v10, v38;
	v12 =	vor.u32 v18, v42;
	v47 =	vmul.f32 $8.000000000e+00, v60  }
0x381: {  	v62 =	vshll.u32 v57, $0x7;
	[tilespmem:v63+s20+$0x0] =	vst.idx.msk $0xffff, v31;
	v63 =	vor.u32 v9, v22;
	v31 =	vmul.f32 $8.000000000e+00, v49  }
0x382: {  	v60 =	vor.u32 v4, v33;
	v49 =	vld.idx.msk [tilespmem:v56+s13+$0x0], $0xffff;
	v56 =	vor.u32 v6, v32;
	[tilespmem:v13+s20+$0x0] =	vst.idx.msk $0xffff, v47  }
0x383: {  	v20 =	vmovc v2;
	v13 =	vmul.f32 $8.000000000e+00, v51;
	v47 =	vshll.u32 v25, $0x7;
	v16 =	vmul.f32 $8.000000000e+00, v16;
	[tilespmem:v14+s20+$0x0] =	vst.idx.msk $0xffff, v31;
	v14 =	vld.idx.msk [tilespmem:v55+s13+$0x0], $0xffff  }
0x384: {  	v2 =	vmovc v61;
	v5 =	vmovc v19;
	v55 =	vor.u32 v9, v24;
	v31 =	vand.u32 $0x380, v37;
	v17 =	vmul.f32 $8.000000000e+00, v17;
	v9 =	vld.idx.msk [tilespmem:v0+s13+$0x0], $0xffff  }
0x385: {  	[tilespmem:v12+s20+$0x0] =	vst.idx.msk $0xffff, v13;
	v0 =	vand.u32 $0x7FFFFC00, v62;
	v12 =	vor.u32 v10, v23;
	v13 =	vor.u32 v7, v34  }
0x386: {  	v61 =	vld.idx.msk [tilespmem:v54+s13+$0x0], $0xffff;
	v44 =	vor.u32 v31, v0;
	[tilespmem:v63+s20+$0x0] =	vst.idx.msk $0xffff, v16;
	v0 =	vor.u32 v1, v43  }
0x387: {  	v21 =	vmovc v25;
	v63 =	vor.u32 v4, v42;
	v62 =	vor.u32 v18, v44;
	v16 =	vmul.f32 $8.000000000e+00, v49;
	v50 =	vld.idx.msk [tilespmem:v59+s13+$0x0], $0xffff  }
0x388: {  	[tilespmem:v60+s20+$0x0] =	vst.idx.msk $0xffff, v17;
	v60 =	vor.u32 v6, v38;
	v17 =	vld.idx.msk [tilespmem:v39+s13+$0x0], $0xffff;
	v49 =	vand.u32 $0x780, v47;
	v14 =	vmul.f32 $8.000000000e+00, v14  }
0x389: {  	s31 =	simm.s32 $0x7;
	v54 =	vld.idx.msk [tilespmem:v56+s13+$0x0], $0xffff;
	v59 =	vor.u32 v7, v49;
	v56 =	vor.u32 v8, v32;
	[tilespmem:v55+s20+$0x0] =	vst.idx.msk $0xffff, v16  }
0x38a: {  	s26 =	simm.s32 $0x8;
	v37 =	vadd.s32 s31, v18;
	v55 =	vor.u32 v7, v33;
	v16 =	vmul.f32 $8.000000000e+00, v9;
	v51 =	vld.idx.msk [tilespmem:v12+s13+$0x0], $0xffff;
	[tilespmem:v13+s20+$0x0] =	vst.idx.msk $0xffff, v14  }
.LBB2_9:
0x38b: {  	v6 =	vld [tilespmem:$0x1FF30]  }
0x38c: {  	v12 =	vld [tilespmem:$0x1FF90]  }
0x38d: {  	v13 =	vld [tilespmem:$0x1FFA0]  }
0x38e: {  	v10 =	vld [tilespmem:$0x1FF70]  }
0x38f: {  	v11 =	vld [tilespmem:$0x1FF80]  }
0x390: {  	v7 =	vld [tilespmem:$0x1FF40]  }
0x391: {  	v14 =	vld [tilespmem:$0x1FFB0]  }
0x392: {  	v8 =	vld [tilespmem:$0x1FF50]  }
0x393: {  	v15 =	vld [tilespmem:$0x1FFC0]  }
0x394: {  	v3 =	vld [tilespmem:$0x1FFD0]  }
0x395: {  	v57 =	vand.u32 $0xF, v37;
	v28 =	vld [tilespmem:$0x1FFE0]  }
0x396: {  	v1 =	vlaneseq.u32;
	v61 =	vmul.f32 $8.000000000e+00, v61;
	[tilespmem:v62+s20+$0x0] =	vst.idx.msk $0xffff, v16;
	v16 =	vld.idx.msk [tilespmem:v52+s13+$0x0], $0xffff;
	v52 =	vor.u32 v2, v57  }
0x397: {  	v4 =	vld [tilespmem:$0x1FE60];
	v18 =	vor.u32 v1, v49;
	v54 =	vmul.f32 $8.000000000e+00, v54  }
0x398: {  	v0 =	vld.idx.msk [tilespmem:v0+s13+$0x0], $0xffff;
	[tilespmem:v63+s20+$0x0] =	vst.idx.msk $0xffff, v61;
	v62 =	vor.u32 v12, v24  }
0x399: {  	v50 =	vmul.f32 $8.000000000e+00, v50;
	v60 =	vld.idx.msk [tilespmem:v60+s13+$0x0], $0xffff;
	v63 =	vor.u32 v10, v34;
	[tilespmem:v55+s20+$0x0] =	vst.idx.msk $0xffff, v54  }
0x39a: {  	v17 =	vmul.f32 $8.000000000e+00, v17;
	v61 =	vor.u32 v13, v23;
	v27 =	vor.u32 v11, v35;
	v55 =	vld.idx.msk [tilespmem:v56+s13+$0x0], $0xffff  }
0x39b: {  	v54 =	vor.u32 v6, v44;
	[tilespmem:v46+s20+$0x0] =	vst.idx.msk $0xffff, v50;
	v46 =	vmul.f32 $8.000000000e+00, v51;
	v52 =	vld.idx.msk [tilespmem:v52+s13+$0x0], $0xffff  }
0x39c: {  	v50 =	vor.u32 v7, v43;
	v16 =	vmul.f32 $8.000000000e+00, v16;
	v40 =	vld.idx.msk [tilespmem:v40+s13+$0x0], $0xffff;
	[tilespmem:v18+s20+$0x0] =	vst.idx.msk $0xffff, v17  }
0x39d: {  	v17 =	vor.u32 v10, v33;
	v48 =	vld.idx.msk [tilespmem:v48+s13+$0x0], $0xffff;
	[tilespmem:v62+s20+$0x0] =	vst.idx.msk $0xffff, v46  }
0x39e: {  	v39 =	vor.u32 v8, v42;
	v0 =	vmul.f32 $8.000000000e+00, v0;
	[tilespmem:v63+s20+$0x0] =	vst.idx.msk $0xffff, v16;
	v63 =	vld [tilespmem:$0x1FF20]  }
0x39f: {  	v26 =	vor.u32 v6, v49;
	v51 =	vor.u32 v14, v22;
	v18 =	vld.idx.msk [tilespmem:v61+s13+$0x0], $0xffff  }
0x3a0: {  	v16 =	vor.u32 v11, v32;
	[tilespmem:v54+s20+$0x0] =	vst.idx.msk $0xffff, v0;
	v0 =	vld.idx.msk [tilespmem:v27+s13+$0x0], $0xffff;
	v9 =	vmul.f32 $8.000000000e+00, v55  }
0x3a1: {  	v56 =	vor.u32 v13, v35;
	v60 =	vmul.f32 $8.000000000e+00, v60;
	v46 =	vshll.u32 v57, $0x7;
	v50 =	vld.idx.msk [tilespmem:v50+s13+$0x0], $0xffff  }
0x3a2: {  	v62 =	vor.u32 v12, v34;
	v61 =	vor.u32 v1, v46;
	[tilespmem:v17+s20+$0x0] =	vst.idx.msk $0xffff, v9;
	v9 =	vld [tilespmem:$0x1FF60]  }
0x3a3: {  	v25 =	vld [tilespmem:$0x1FFF0];
	v55 =	vor.u32 v14, v24;
	[tilespmem:v39+s20+$0x0] =	vst.idx.msk $0xffff, v60;
	v60 =	vor.u32 v15, v23;
	v40 =	vmul.f32 $8.000000000e+00, v40  }
0x3a4: {  	v52 =	vmul.f32 $8.000000000e+00, v52;
	v58 =	vld.idx.msk [tilespmem:v58+s13+$0x0], $0xffff;
	v54 =	vmul.f32 $8.000000000e+00, v48;
	v27 =	vor.u32 v63, v57  }
0x3a5: {  	v23 =	vor.u32 v28, v23;
	v17 =	vor.u32 v8, v44;
	[tilespmem:v51+s20+$0x0] =	vst.idx.msk $0xffff, v40;
	v16 =	vld.idx.msk [tilespmem:v16+s13+$0x0], $0xffff  }
0x3a6: {  	v51 =	vor.u32 v10, v42;
	v36 =	vld.idx.msk [tilespmem:v36+s13+$0x0], $0xffff;
	[tilespmem:v26+s20+$0x0] =	vst.idx.msk $0xffff, v54;
	v0 =	vmul.f32 $8.000000000e+00, v0  }
0x3a7: {  	v19 =	vld [tilespmem:$0x1FE30];
	v26 =	vor.u32 v12, v33;
	v18 =	vmul.f32 $8.000000000e+00, v18;
	[tilespmem:v61+s20+$0x0] =	vst.idx.msk $0xffff, v52;
	v48 =	vor.u32 v9, v43  }
0x3a8: {  	v54 =	vor.u32 v14, v34;
	v45 =	vld.idx.msk [tilespmem:v45+s13+$0x0], $0xffff;
	[tilespmem:v62+s20+$0x0] =	vst.idx.msk $0xffff, v0;
	v0 =	vor.u32 v13, v32  }
0x3a9: {  	v61 =	vmul.f32 $8.000000000e+00, v58;
	v27 =	vld.idx.msk [tilespmem:v27+s13+$0x0], $0xffff;
	[tilespmem:v55+s20+$0x0] =	vst.idx.msk $0xffff, v18;
	v18 =	vmul.f32 $8.000000000e+00, v50;
	v50 =	vor.u32 v3, v22  }
0x3aa: {  	v62 =	vor.u32 v3, v24;
	v24 =	vor.u32 v25, v24;
	v58 =	vor.u32 v9, v57;
	v40 =	vld.idx.msk [tilespmem:v60+s13+$0x0], $0xffff  }
0x3ab: {  	v16 =	vmul.f32 $8.000000000e+00, v16;
	v60 =	vor.u32 v6, v46;
	[tilespmem:v17+s20+$0x0] =	vst.idx.msk $0xffff, v18;
	v17 =	vld.idx.msk [tilespmem:v56+s13+$0x0], $0xffff  }
0x3ac: {  	v36 =	vmul.f32 $8.000000000e+00, v36;
	v18 =	vor.u32 v7, v57;
	[tilespmem:v51+s20+$0x0] =	vst.idx.msk $0xffff, v61;
	v48 =	vld.idx.msk [tilespmem:v48+s13+$0x0], $0xffff  }
0x3ad: {  	v22 =	vor.u32 v25, v22;
	v55 =	vor.u32 v10, v46;
	v53 =	vld.idx.msk [tilespmem:v53+s13+$0x0], $0xffff;
	[tilespmem:v26+s20+$0x0] =	vst.idx.msk $0xffff, v16  }
0x3ae: {  	v51 =	vor.u32 v15, v35;
	v0 =	vld.idx.msk [tilespmem:v0+s13+$0x0], $0xffff;
	v27 =	vmul.f32 $8.000000000e+00, v27;
	[tilespmem:v50+s20+$0x0] =	vst.idx.msk $0xffff, v36  }
0x3af: {  	v56 =	vor.u32 $0x30, v19;
	v16 =	vor.u32 v10, v44;
	v50 =	vmul.f32 $8.000000000e+00, v45;
	v45 =	vld.idx.msk [tilespmem:v4+s13+$0x0], $0xffff  }
0x3b0: {  	v36 =	vor.u32 v28, v30;
	v26 =	vmul.f32 $8.000000000e+00, v40;
	v40 =	vadd.s32 s26, v1;
	v4 =	vld [tilespmem:$0x1FE40];
	[tilespmem:v60+s20+$0x0] =	vst.idx.msk $0xffff, v27  }
0x3b1: {  	v27 =	vor.u32 v11, v43;
	v60 =	vor.u32 v12, v42;
	[tilespmem:v59+s20+$0x0] =	vst.idx.msk $0xffff, v50;
	v18 =	vld.idx.msk [tilespmem:v18+s13+$0x0], $0xffff  }
0x3b2: {  	v17 =	vmul.f32 $8.000000000e+00, v17;
	v50 =	vor.u32 $0x10, v21;
	[tilespmem:v62+s20+$0x0] =	vst.idx.msk $0xffff, v26;
	v62 =	vor.u32 v14, v33;
	v41 =	vld.idx.msk [tilespmem:v41+s13+$0x0], $0xffff  }
0x3b3: {  	v39 =	vmovc v21;
	v21 =	vor.u32 v10, v49;
	v61 =	vmul.f32 $8.000000000e+00, v48;
	v53 =	vmul.f32 $8.000000000e+00, v53;
	v23 =	vld.idx.msk [tilespmem:v23+s13+$0x0], $0xffff  }
0x3b4: {  	[tilespmem:v54+s20+$0x0] =	vst.idx.msk $0xffff, v17;
	v17 =	vor.u32 v15, v32;
	v54 =	vor.u32 v8, v46;
	v0 =	vmul.f32 $8.000000000e+00, v0  }
0x3b5: {  	[tilespmem:v16+s20+$0x0] =	vst.idx.msk $0xffff, v61;
	v16 =	vld.idx.msk [tilespmem:v51+s13+$0x0], $0xffff;
	v51 =	vor.u32 v13, v38;
	v61 =	vor.u32 v28, v35  }
0x3b6: {  	v26 =	vand.u32 $0x7, v4;
	v19 =	vmovc v4;
	v59 =	vmul.f32 $8.000000000e+00, v45;
	v4 =	vld [tilespmem:$0x1FE20];
	[tilespmem:v60+s20+$0x0] =	vst.idx.msk $0xffff, v53;
	v60 =	vor.u32 v3, v34  }
0x3b7: {  	v27 =	vld.idx.msk [tilespmem:v27+s13+$0x0], $0xffff;
	v53 =	vor.u32 v15, v30;
	v34 =	vor.u32 v25, v34;
	[tilespmem:v62+s20+$0x0] =	vst.idx.msk $0xffff, v0  }
0x3b8: {  	v18 =	vmul.f32 $8.000000000e+00, v18;
	v0 =	vand.u32 $0xF, v40;
	v62 =	vor.u32 v12, v44;
	[tilespmem:v22+s20+$0x0] =	vst.idx.msk $0xffff, v59  }
0x3b9: {  	[tilespmem:$0x1FE30] =	vst v19;
	v59 =	vor.u32 v11, v57;
	v17 =	vld.idx.msk [tilespmem:v17+s13+$0x0], $0xffff;
	v22 =	vmul.f32 $8.000000000e+00, v23;
	v19 =	vor.u32 v11, v0  }
0x3ba: {  	v23 =	vmul.f32 $8.000000000e+00, v41;
	v41 =	vor.u32 v9, v0;
	v45 =	vor.u32 v7, v0;
	[tilespmem:v54+s20+$0x0] =	vst.idx.msk $0xffff, v18  }
0x3bb: {  	v52 =	vand.u32 $0x3F, v56;
	v48 =	vor.u32 v63, v0;
	v18 =	vor.u32 v13, v43;
	v51 =	vld.idx.msk [tilespmem:v51+s13+$0x0], $0xffff;
	[tilespmem:$0x1FE20] =	vst v19  }
0x3bc: {  	v16 =	vmul.f32 $8.000000000e+00, v16;
	v54 =	vshll.u32 v56, $0x7;
	v56 =	vor.u32 v15, v38;
	v19 =	vld [tilespmem:$0x1FE50];
	[tilespmem:v24+s20+$0x0] =	vst.idx.msk $0xffff, v22  }
0x3bd: {  	[tilespmem:v21+s20+$0x0] =	vst.idx.msk $0xffff, v23;
	v23 =	vor.u32 v3, v33;
	v22 =	vld.idx.msk [tilespmem:v58+s13+$0x0], $0xffff;
	v21 =	vmul.f32 $8.000000000e+00, v27  }
0x3be: {  	v24 =	vld.idx.msk [tilespmem:v4+s13+$0x0], $0xffff;
	[tilespmem:v60+s20+$0x0] =	vst.idx.msk $0xffff, v16;
	v16 =	vor.u32 v28, v32;
	v32 =	vor.u32 v14, v42  }
0x3bf: {  	v33 =	vor.u32 v25, v33;
	v27 =	vor.u32 v13, v30;
	[tilespmem:v62+s20+$0x0] =	vst.idx.msk $0xffff, v21;
	v35 =	vld.idx.msk [tilespmem:v61+s13+$0x0], $0xffff  }
0x3c0: {  	v58 =	vor.u32 v12, v49;
	v17 =	vmul.f32 $8.000000000e+00, v17;
	v4 =	vmovc v39;
	v60 =	vor.u32 v2, v52;
	v18 =	vld.idx.msk [tilespmem:v18+s13+$0x0], $0xffff  }
0x3c1: {  	v39 =	vmovc v40;
	v62 =	vor.u32 v63, v52;
	[tilespmem:$0x1FE40] =	vst v4;
	v40 =	vmul.f32 $8.000000000e+00, v51;
	v51 =	vor.u32 v2, v0  }
0x3c2: {  	v4 =	vld [tilespmem:$0x1FE10];
	v61 =	vor.u32 v13, v57;
	[tilespmem:v23+s20+$0x0] =	vst.idx.msk $0xffff, v17;
	v17 =	vmul.f32 $8.000000000e+00, v22;
	v22 =	vor.u32 v14, v44  }
0x3c3: {  	v16 =	vld.idx.msk [tilespmem:v16+s13+$0x0], $0xffff;
	v23 =	vmul.f32 $8.000000000e+00, v24;
	[tilespmem:v32+s20+$0x0] =	vst.idx.msk $0xffff, v40;
	v24 =	vor.u32 v15, v43  }
0x3c4: {  	[tilespmem:v55+s20+$0x0] =	vst.idx.msk $0xffff, v17;
	v55 =	vor.u32 v7, v52;
	v17 =	vld.idx.msk [tilespmem:v56+s13+$0x0], $0xffff;
	v56 =	vmul.f32 $8.000000000e+00, v35;
	v35 =	vor.u32 $0x30, v19  }
0x3c5: {  	v40 =	vld.idx.msk [tilespmem:v59+s13+$0x0], $0xffff;
	v18 =	vmul.f32 $8.000000000e+00, v18;
	[tilespmem:v58+s20+$0x0] =	vst.idx.msk $0xffff, v23;
	v23 =	vand.u32 $0x3F, v35;
	v58 =	vor.u32 v28, v38  }
0x3c6: {  	v27 =	vld.idx.msk [tilespmem:v27+s13+$0x0], $0xffff;
	[tilespmem:v34+s20+$0x0] =	vst.idx.msk $0xffff, v56;
	v32 =	vor.u32 v2, v23;
	v34 =	vor.u32 v3, v42  }
0x3c7: {  	v19 =	vmovc v5;
	v5 =	vld [tilespmem:$0x1FE80];
	v56 =	vor.u32 $0x20, v4;
	[tilespmem:v22+s20+$0x0] =	vst.idx.msk $0xffff, v18;
	v22 =	vand.u32 $0x1C00, v54;
	v54 =	vor.u32 v12, v46  }
0x3c8: {  	v18 =	vld.idx.msk [tilespmem:v60+s13+$0x0], $0xffff;
	v60 =	vor.u32 v14, v49;
	v22 =	vor.u32 v20, v22;
	v16 =	vmul.f32 $8.000000000e+00, v16  }
0x3c9: {  	v4 =	vmovc v30;
	v30 =	vmovc v0;
	v20 =	vand.u32 $0x28, v56;
	v59 =	vld.idx.msk [tilespmem:v24+s13+$0x0], $0xffff;
	v24 =	vshll.u32 v35, $0x7;
	v0 =	vmul.f32 $8.000000000e+00, v17  }
0x3ca: {  	v35 =	vor.u32 v26, v20;
	v17 =	vor.u32 v1, v22;
	[tilespmem:v33+s20+$0x0] =	vst.idx.msk $0xffff, v16;
	v16 =	vmul.f32 $8.000000000e+00, v40  }
0x3cb: {  	v24 =	vand.u32 $0x7FFFFC00, v24;
	v33 =	vor.u32 v3, v44;
	v32 =	vld.idx.msk [tilespmem:v32+s13+$0x0], $0xffff;
	v27 =	vmul.f32 $8.000000000e+00, v27;
	[tilespmem:v34+s20+$0x0] =	vst.idx.msk $0xffff, v0  }
0x3cc: {  	v24 =	vor.u32 v5, v24;
	v40 =	vor.u32 v3, v49;
	[tilespmem:v54+s20+$0x0] =	vst.idx.msk $0xffff, v16;
	v16 =	vld.idx.msk [tilespmem:v58+s13+$0x0], $0xffff  }
0x3cd: {  	v38 =	vand.u32 $0x1F, v50;
	v5 =	vmov v31;
	v31 =	vor.u32 v15, v57;
	[tilespmem:v60+s20+$0x0] =	vst.idx.msk $0xffff, v27;
	v27 =	vld.idx.msk [tilespmem:v61+s13+$0x0], $0xffff  }
0x3ce: {  	v0 =	vor.u32 v28, v43;
	v34 =	vor.u32 v1, v24;
	v18 =	vmul.f32 $8.000000000e+00, v18;
	v61 =	vld [tilespmem:$0x1FE70]  }
0x3cf: {  	v21 =	vmovc v29;
	v43 =	vor.u32 v6, v22;
	v58 =	vmovc v57;
	v57 =	vor.u32 v25, v44;
	v29 =	vmul.f32 $8.000000000e+00, v59  }
0x3d0: {  	v60 =	vld.idx.msk [tilespmem:v53+s13+$0x0], $0xffff;
	[tilespmem:v17+s20+$0x0] =	vst.idx.msk $0xffff, v18;
	v17 =	vor.u32 v63, v23;
	v18 =	vor.u32 v25, v42  }
0x3d1: {  	v53 =	vor.u32 v11, v38;
	[tilespmem:v33+s20+$0x0] =	vst.idx.msk $0xffff, v29;
	v26 =	vld.idx.msk [tilespmem:v62+s13+$0x0], $0xffff;
	v29 =	vor.u32 v14, v46  }
0x3d2: {  	v33 =	vor.u32 v2, v35;
	v62 =	vand.u32 $0x7, v19;
	v32 =	vmul.f32 $8.000000000e+00, v32  }
0x3d3: {  	[tilespmem:$0x1FE50] =	vst v19;
	v19 =	vor.u32 v10, v24;
	v0 =	vld.idx.msk [tilespmem:v0+s13+$0x0], $0xffff;
	v16 =	vmul.f32 $8.000000000e+00, v16;
	v42 =	vor.u32 $0x20, v61  }
0x3d4: {  	[tilespmem:v34+s20+$0x0] =	vst.idx.msk $0xffff, v32;
	v27 =	vmul.f32 $8.000000000e+00, v27;
	v61 =	vor.u32 v6, v24;
	v14 =	vand.u32 $0x28, v42  }
0x3d5: {  	v59 =	vmul.f32 $8.000000000e+00, v60;
	[tilespmem:v18+s20+$0x0] =	vst.idx.msk $0xffff, v16;
	v60 =	vor.u32 v28, v52;
	v18 =	vor.u32 v2, v38  }
0x3d6: {  	v17 =	vld.idx.msk [tilespmem:v17+s13+$0x0], $0xffff;
	v32 =	vor.u32 v62, v14;
	[tilespmem:v29+s20+$0x0] =	vst.idx.msk $0xffff, v27;
	v29 =	vshll.u32 v56, $0x7;
	v26 =	vmul.f32 $8.000000000e+00, v26  }
0x3d7: {  	v62 =	vor.u32 v63, v35;
	v14 =	vor.u32 v3, v46;
	v56 =	vor.u32 v25, v49  }
0x3d8: {  	v27 =	vld.idx.msk [tilespmem:v33+s13+$0x0], $0xffff;
	v16 =	vor.u32 v2, v32;
	[tilespmem:v40+s20+$0x0] =	vst.idx.msk $0xffff, v59;
	v29 =	vand.u32 $0x1400, v29;
	v0 =	vmul.f32 $8.000000000e+00, v0  }
0x3d9: {  	v31 =	vld.idx.msk [tilespmem:v31+s13+$0x0], $0xffff;
	v59 =	vor.u32 v9, v52;
	v40 =	vor.u32 v13, v52;
	v13 =	vor.u32 v7, v35  }
0x3da: {  	v36 =	vld.idx.msk [tilespmem:v36+s13+$0x0], $0xffff;
	v34 =	vor.u32 v21, v29;
	[tilespmem:v43+s20+$0x0] =	vst.idx.msk $0xffff, v26;
	v26 =	vor.u32 v7, v23  }
0x3db: {  	v29 =	vor.u32 v1, v34;
	[tilespmem:v57+s20+$0x0] =	vst.idx.msk $0xffff, v0;
	v0 =	vld.idx.msk [tilespmem:v55+s13+$0x0], $0xffff;
	v55 =	vshll.u32 v42, $0x7  }
0x3dc: {  	[tilespmem:$0x1FE70] =	vst v58;
	v57 =	vor.u32 v28, v58;
	v58 =	vor.u32 v8, v22;
	v17 =	vmul.f32 $8.000000000e+00, v17  }
0x3dd: {  	[tilespmem:$0x1FE60] =	vst v60;
	v60 =	vor.u32 v6, v34;
	v33 =	vand.u32 $0x1400, v55;
	v55 =	vor.u32 v11, v52  }
0x3de: {  	v27 =	vmul.f32 $8.000000000e+00, v27;
	v33 =	vor.u32 v5, v33;
	v16 =	vld.idx.msk [tilespmem:v16+s13+$0x0], $0xffff;
	[tilespmem:v61+s20+$0x0] =	vst.idx.msk $0xffff, v17;
	v17 =	vmul.f32 $8.000000000e+00, v31  }
0x3df: {  	[tilespmem:$0x1FE10] =	vst v4;
	v4 =	vmovc v37;
	v31 =	vor.u32 v1, v33;
	v61 =	vmul.f32 $8.000000000e+00, v36;
	v36 =	vor.u32 v15, v52  }
0x3e0: {  	v26 =	vld.idx.msk [tilespmem:v26+s13+$0x0], $0xffff;
	v52 =	vor.u32 v9, v35;
	[tilespmem:v29+s20+$0x0] =	vst.idx.msk $0xffff, v27;
	v27 =	vor.u32 v63, v32  }
0x3e1: {  	v29 =	vand.u32 $0x380, v47;
	[tilespmem:v14+s20+$0x0] =	vst.idx.msk $0xffff, v17;
	v0 =	vmul.f32 $8.000000000e+00, v0;
	v14 =	vor.u32 $0x10, v4;
	v17 =	vld.idx.msk [tilespmem:v62+s13+$0x0], $0xffff  }
0x3e2: {  	v47 =	vor.u32 v8, v24;
	[tilespmem:v56+s20+$0x0] =	vst.idx.msk $0xffff, v61;
	v62 =	vshll.u32 v50, $0x7;
	v44 =	vld.idx.msk [tilespmem:v57+s13+$0x0], $0xffff;
	v43 =	vand.u32 $0x1F, v14  }
0x3e3: {  	v57 =	vor.u32 v10, v22;
	v56 =	vor.u32 v9, v32;
	v18 =	vld.idx.msk [tilespmem:v18+s13+$0x0], $0xffff;
	v42 =	vand.u32 $0xC00, v62  }
0x3e4: {  	[tilespmem:v58+s20+$0x0] =	vst.idx.msk $0xffff, v0;
	v0 =	vor.u32 v9, v23;
	v16 =	vmul.f32 $8.000000000e+00, v16;
	v42 =	vor.u32 v29, v42  }
0x3e5: {  	v61 =	vor.u32 v2, v43;
	v26 =	vmul.f32 $8.000000000e+00, v26;
	v62 =	vor.u32 v1, v42  }
0x3e6: {  	v58 =	vor.u32 v9, v38;
	[tilespmem:v31+s20+$0x0] =	vst.idx.msk $0xffff, v16;
	v16 =	vld.idx.msk [tilespmem:v59+s13+$0x0], $0xffff;
	v31 =	vor.u32 v25, v46  }
0x3e7: {  	v27 =	vld.idx.msk [tilespmem:v27+s13+$0x0], $0xffff;
	v17 =	vmul.f32 $8.000000000e+00, v17;
	[tilespmem:v47+s20+$0x0] =	vst.idx.msk $0xffff, v26;
	v26 =	vor.u32 v63, v38  }
0x3e8: {  	v44 =	vmul.f32 $8.000000000e+00, v44;
	v47 =	vor.u32 v6, v33;
	v18 =	vmul.f32 $8.000000000e+00, v18  }
0x3e9: {  	v0 =	vld.idx.msk [tilespmem:v0+s13+$0x0], $0xffff;
	[tilespmem:v60+s20+$0x0] =	vst.idx.msk $0xffff, v17;
	v17 =	vor.u32 v7, v32;
	v60 =	vor.u32 v7, v38  }
0x3ea: {  	v59 =	vld.idx.msk [tilespmem:v13+s13+$0x0], $0xffff;
	v13 =	vshll.u32 v14, $0x7;
	[tilespmem:v62+s20+$0x0] =	vst.idx.msk $0xffff, v18;
	v14 =	vor.u32 v11, v23  }
0x3eb: {  	[tilespmem:v31+s20+$0x0] =	vst.idx.msk $0xffff, v44;
	v16 =	vmul.f32 $8.000000000e+00, v16;
	v31 =	vand.u32 $0x380, v46;
	v18 =	vand.u32 $0x7FFFFC00, v13  }
0x3ec: {  	p0 =	slt.u32 s26, $0xE;
	v37 =	vld.idx.msk [tilespmem:v61+s13+$0x0], $0xffff;
	v27 =	vmul.f32 $8.000000000e+00, v27;
	v44 =	vor.u32 v31, v18;
	v18 =	vor.u32 v8, v34  }
.Ltmp6:
0x3ed: {  	v46 =	vor.u32 v12, v22;
	v61 =	vld.idx.msk [tilespmem:v26+s13+$0x0], $0xffff;
	v62 =	vor.u32 v1, v44;
	[tilespmem:v57+s20+$0x0] =	vst.idx.msk $0xffff, v16;
	(pc) =	sbr.rel @p0 .LBB2_9-.Ltmp6, $4  }
0x3ee: {  	v20 =	vmov v21;
	v16 =	vmul.f32 $8.000000000e+00, v0;
	v0 =	vor.u32 v63, v43;
	[tilespmem:v47+s20+$0x0] =	vst.idx.msk $0xffff, v27;
	v50 =	vld.idx.msk [tilespmem:v55+s13+$0x0], $0xffff  }
0x3ef: {  	[tilespmem:$0x1FE80] =	vst v5;
	v21 =	vmovc v39;
	v63 =	vor.u32 v6, v42;
	v47 =	vshll.u32 v39, $0x7;
	v54 =	vld.idx.msk [tilespmem:v17+s13+$0x0], $0xffff;
	v26 =	vmul.f32 $8.000000000e+00, v59  }
0x3f0: {  	s28 =	sadd.s32 $0x1, s26;
	v5 =	vmov v4;
	v55 =	vor.u32 v8, v33;
	v17 =	vld.idx.msk [tilespmem:v51+s13+$0x0], $0xffff;
	v49 =	vand.u32 $0x780, v47;
	[tilespmem:v19+s20+$0x0] =	vst.idx.msk $0xffff, v16  }
0x3f1: {  	s26 =	sadd.s32 $0x2, s26;
	v59 =	vor.u32 v8, v49;
	v51 =	vld.idx.msk [tilespmem:v14+s13+$0x0], $0xffff;
	v16 =	vmul.f32 $8.000000000e+00, v37;
	v37 =	vadd.s32 s28, v1;
	[tilespmem:v18+s20+$0x0] =	vst.idx.msk $0xffff, v26  }
0x3f2: {  	v6 =	vand.u32 $0xF, v37  }
0x3f3: {  	v18 =	vor.u32 v2, v6;
	_ =	sdelay $0x3  }
0x3f4: {  	v1 =	vlaneseq.u32  }
0x3f5: {  	v19 =	vor.u32 v1, v49;
	v18 =	vld.idx.msk [tilespmem:v18+s13+$0x0], $0xffff  }
0x3f6: {  	v26 =	vshll.u32 v6, $0x7  }
0x3f7: {  	v27 =	vor.u32 v1, v26  }
0x3f8: {  	v1 =	vld [tilespmem:$0x1FF20];
	v17 =	vmul.f32 $8.000000000e+00, v17;
	_ =	sdelay $0x1  }
0x3f9: {  	[tilespmem:v19+s20+$0x0] =	vst.idx.msk $0xffff, v17;
	v17 =	vmul.f32 $8.000000000e+00, v18;
	_ =	sdelay $0x1  }
0x3fa: {  	[tilespmem:v27+s20+$0x0] =	vst.idx.msk $0xffff, v17  }
0x3fb: {  	v57 =	vor.u32 v1, v6;
	v7 =	vld [tilespmem:$0x1FF30];
	_ =	sdelay $0x2  }
0x3fc: {  	v48 =	vld.idx.msk [tilespmem:v48+s13+$0x0], $0xffff;
	_ =	sdelay $0x1  }
0x3fd: {  	v19 =	vld.idx.msk [tilespmem:v57+s13+$0x0], $0xffff;
	v17 =	vor.u32 v7, v49  }
0x3fe: {  	v28 =	vld [tilespmem:$0x1FF40]  }
0x3ff: {  	v57 =	vor.u32 v7, v26  }
0x400: {  	v18 =	vmul.f32 $8.000000000e+00, v48;
	_ =	sdelay $0x1  }
0x401: {  	[tilespmem:v17+s20+$0x0] =	vst.idx.msk $0xffff, v18;
	v17 =	vmul.f32 $8.000000000e+00, v19  }
0x402: {  	v39 =	vor.u32 v28, v6  }
0x403: {  	[tilespmem:v57+s20+$0x0] =	vst.idx.msk $0xffff, v17  }
0x404: {  	v4 =	vld [tilespmem:$0x1FF50];
	_ =	sdelay $0x1  }
0x405: {  	v18 =	vld.idx.msk [tilespmem:v45+s13+$0x0], $0xffff  }
0x406: {  	v17 =	vld.idx.msk [tilespmem:v39+s13+$0x0], $0xffff;
	_ =	sdelay $0x1  }
0x407: {  	v48 =	vor.u32 v4, v26;
	_ =	sdelay $0x1  }
0x408: {  	v18 =	vmul.f32 $8.000000000e+00, v18  }
0x409: {  	v17 =	vmul.f32 $8.000000000e+00, v17  }
0x40a: {  	v10 =	vld [tilespmem:$0x1FF60];
	[tilespmem:v59+s20+$0x0] =	vst.idx.msk $0xffff, v18  }
0x40b: {  	[tilespmem:v48+s20+$0x0] =	vst.idx.msk $0xffff, v17  }
0x40c: {  	v9 =	vld [tilespmem:$0x1FF70];
	_ =	sdelay $0x2  }
0x40d: {  	v57 =	vor.u32 v10, v6;
	v18 =	vld.idx.msk [tilespmem:v41+s13+$0x0], $0xffff;
	_ =	sdelay $0x1  }
0x40e: {  	v17 =	vor.u32 v9, v49;
	_ =	sdelay $0x2  }
0x40f: {  	v19 =	vld.idx.msk [tilespmem:v57+s13+$0x0], $0xffff;
	v18 =	vmul.f32 $8.000000000e+00, v18;
	_ =	sdelay $0x1  }
0x410: {  	v25 =	vld [tilespmem:$0x1FF80];
	v59 =	vor.u32 v9, v26;
	[tilespmem:v17+s20+$0x0] =	vst.idx.msk $0xffff, v18  }
0x411: {  	v3 =	vld [tilespmem:$0x1FE20];
	_ =	sdelay $0x1  }
0x412: {  	v17 =	vmul.f32 $8.000000000e+00, v19;
	_ =	sdelay $0x1  }
0x413: {  	[tilespmem:v59+s20+$0x0] =	vst.idx.msk $0xffff, v17  }
0x414: {  	v45 =	vor.u32 v25, v6;
	v11 =	vld [tilespmem:$0x1FF90];
	_ =	sdelay $0x2  }
0x415: {  	v18 =	vld.idx.msk [tilespmem:v3+s13+$0x0], $0xffff;
	_ =	sdelay $0x1  }
0x416: {  	v48 =	vld.idx.msk [tilespmem:v45+s13+$0x0], $0xffff;
	v17 =	vor.u32 v11, v49  }
0x417: {  	v12 =	vld [tilespmem:$0x1FFA0]  }
0x418: {  	v39 =	vor.u32 v11, v26  }
0x419: {  	v18 =	vmul.f32 $8.000000000e+00, v18;
	_ =	sdelay $0x1  }
0x41a: {  	[tilespmem:v17+s20+$0x0] =	vst.idx.msk $0xffff, v18;
	v17 =	vmul.f32 $8.000000000e+00, v48  }
0x41b: {  	v57 =	vor.u32 v12, v30  }
0x41c: {  	[tilespmem:v39+s20+$0x0] =	vst.idx.msk $0xffff, v17  }
0x41d: {  	v59 =	vor.u32 v12, v6;
	v13 =	vld [tilespmem:$0x1FFB0];
	_ =	sdelay $0x2  }
0x41e: {  	v18 =	vld.idx.msk [tilespmem:v57+s13+$0x0], $0xffff;
	_ =	sdelay $0x1  }
0x41f: {  	v45 =	vld.idx.msk [tilespmem:v59+s13+$0x0], $0xffff;
	v17 =	vor.u32 v13, v49  }
0x420: {  	v14 =	vld [tilespmem:$0x1FFC0]  }
0x421: {  	v57 =	vor.u32 v13, v26  }
0x422: {  	v18 =	vmul.f32 $8.000000000e+00, v18;
	_ =	sdelay $0x1  }
0x423: {  	[tilespmem:v17+s20+$0x0] =	vst.idx.msk $0xffff, v18;
	v17 =	vmul.f32 $8.000000000e+00, v45  }
0x424: {  	v48 =	vor.u32 v14, v30  }
0x425: {  	[tilespmem:v57+s20+$0x0] =	vst.idx.msk $0xffff, v17  }
0x426: {  	v59 =	vor.u32 v14, v6;
	v15 =	vld [tilespmem:$0x1FFD0]  }
0x427: {  	v8 =	vld [tilespmem:$0x1FFE0];
	_ =	sdelay $0x1  }
0x428: {  	v18 =	vld.idx.msk [tilespmem:v48+s13+$0x0], $0xffff;
	_ =	sdelay $0x1  }
0x429: {  	v45 =	vld.idx.msk [tilespmem:v59+s13+$0x0], $0xffff;
	v17 =	vor.u32 v15, v49  }
0x42a: {  	v48 =	vor.u32 v8, v30  }
0x42b: {  	v57 =	vor.u32 v15, v26  }
0x42c: {  	v18 =	vmul.f32 $8.000000000e+00, v18;
	_ =	sdelay $0x1  }
0x42d: {  	[tilespmem:v17+s20+$0x0] =	vst.idx.msk $0xffff, v18;
	v17 =	vmul.f32 $8.000000000e+00, v45  }
0x42e: {  	v18 =	vld.idx.msk [tilespmem:v48+s13+$0x0], $0xffff;
	[tilespmem:$0x1FDF0] =	vst v21  }
0x42f: {  	[tilespmem:v57+s20+$0x0] =	vst.idx.msk $0xffff, v17  }
0x430: {  	v3 =	vld [tilespmem:$0x1FFF0]  }
0x431: {  	v59 =	vor.u32 v8, v6;
	_ =	sdelay $0x3  }
0x432: {  	v19 =	vor.u32 $0x10, v21;
	v17 =	vor.u32 v3, v49  }
0x433: {  	v48 =	vand.u32 $0x1F, v19;
	v21 =	vld.idx.msk [tilespmem:v59+s13+$0x0], $0xffff  }
0x434: {  	v45 =	vor.u32 v2, v48;
	v57 =	vor.u32 $0x10, v37  }
0x435: {  	v18 =	vmul.f32 $8.000000000e+00, v18;
	v59 =	vor.u32 v3, v26;
	v49 =	vand.u32 $0x1F, v57  }
0x436: {  	v41 =	vor.u32 v2, v49  }
0x437: {  	v47 =	vand.u32 $0x380, v47;
	[tilespmem:v17+s20+$0x0] =	vst.idx.msk $0xffff, v18  }
0x438: {  	v27 =	vmul.f32 $8.000000000e+00, v21;
	v17 =	vshll.u32 v19, $0x7;
	[tilespmem:$0x1FE00] =	vst v47  }
0x439: {  	v17 =	vand.u32 $0xC00, v17;
	v19 =	vld.idx.msk [tilespmem:v45+s13+$0x0], $0xffff  }
0x43a: {  	v45 =	vor.u32 v47, v17;
	[tilespmem:v59+s20+$0x0] =	vst.idx.msk $0xffff, v27;
	v17 =	vshll.u32 v57, $0x7;
	v57 =	vlaneseq.u32  }
0x43b: {  	v39 =	vand.u32 $0x380, v26;
	[tilespmem:v62+s20+$0x0] =	vst.idx.msk $0xffff, v16;
	v16 =	vor.u32 v57, v45;
	v18 =	vld.idx.msk [tilespmem:v41+s13+$0x0], $0xffff;
	v17 =	vand.u32 $0x7FFFFC00, v17  }
0x43c: {  	v59 =	vmul.f32 $8.000000000e+00, v61;
	v27 =	vor.u32 v1, v48;
	v0 =	vld.idx.msk [tilespmem:v0+s13+$0x0], $0xffff;
	v47 =	vor.u32 v39, v17  }
0x43d: {  	v17 =	vor.u32 v57, v47  }
0x43e: {  	v26 =	vor.u32 v7, v44;
	v41 =	vor.u32 v1, v49;
	[tilespmem:v63+s20+$0x0] =	vst.idx.msk $0xffff, v59;
	v19 =	vmul.f32 $8.000000000e+00, v19  }
0x43f: {  	v63 =	vor.u32 v28, v43;
	v60 =	vld.idx.msk [tilespmem:v60+s13+$0x0], $0xffff  }
0x440: {  	[tilespmem:v16+s20+$0x0] =	vst.idx.msk $0xffff, v19;
	v16 =	vmul.f32 $8.000000000e+00, v18  }
0x441: {  	v21 =	vor.u32 v4, v42;
	v0 =	vmul.f32 $8.000000000e+00, v0;
	v19 =	vld.idx.msk [tilespmem:v27+s13+$0x0], $0xffff  }
0x442: {  	[tilespmem:v17+s20+$0x0] =	vst.idx.msk $0xffff, v16  }
0x443: {  	[tilespmem:v26+s20+$0x0] =	vst.idx.msk $0xffff, v0;
	v0 =	vor.u32 v7, v45;
	v16 =	vld.idx.msk [tilespmem:v41+s13+$0x0], $0xffff  }
0x444: {  	v27 =	vor.u32 v28, v48;
	v17 =	vmul.f32 $8.000000000e+00, v60;
	v26 =	vld.idx.msk [tilespmem:v63+s13+$0x0], $0xffff  }
0x445: {  	v41 =	vor.u32 v7, v47  }
0x446: {  	[tilespmem:v21+s20+$0x0] =	vst.idx.msk $0xffff, v17;
	v17 =	vor.u32 v4, v44;
	v63 =	vmul.f32 $8.000000000e+00, v19;
	v19 =	vor.u32 v28, v49  }
0x447: {  	v21 =	vor.u32 v10, v43;
	v57 =	vld.idx.msk [tilespmem:v58+s13+$0x0], $0xffff  }
0x448: {  	[tilespmem:v0+s20+$0x0] =	vst.idx.msk $0xffff, v63;
	v0 =	vmul.f32 $8.000000000e+00, v16  }
0x449: {  	v59 =	vmov v28;
	v28 =	vmul.f32 $8.000000000e+00, v26;
	v16 =	vor.u32 v9, v42;
	v26 =	vld.idx.msk [tilespmem:v27+s13+$0x0], $0xffff  }
0x44a: {  	[tilespmem:v41+s20+$0x0] =	vst.idx.msk $0xffff, v0  }
0x44b: {  	[tilespmem:v17+s20+$0x0] =	vst.idx.msk $0xffff, v28;
	v0 =	vor.u32 v4, v45;
	v17 =	vld.idx.msk [tilespmem:v19+s13+$0x0], $0xffff  }
0x44c: {  	v57 =	vmul.f32 $8.000000000e+00, v57;
	v19 =	vld.idx.msk [tilespmem:v21+s13+$0x0], $0xffff;
	v21 =	vor.u32 v10, v48  }
0x44d: {  	v41 =	vor.u32 v4, v47  }
0x44e: {  	[tilespmem:v16+s20+$0x0] =	vst.idx.msk $0xffff, v57;
	v16 =	vor.u32 v9, v44;
	v28 =	vmul.f32 $8.000000000e+00, v26;
	v26 =	vor.u32 v10, v49  }
0x44f: {  	v57 =	vor.u32 v25, v43;
	v53 =	vld.idx.msk [tilespmem:v53+s13+$0x0], $0xffff  }
0x450: {  	[tilespmem:v0+s20+$0x0] =	vst.idx.msk $0xffff, v28;
	v0 =	vmul.f32 $8.000000000e+00, v17  }
0x451: {  	v17 =	vor.u32 v11, v42;
	v58 =	vmul.f32 $8.000000000e+00, v19;
	v21 =	vld.idx.msk [tilespmem:v21+s13+$0x0], $0xffff  }
0x452: {  	v27 =	vor.u32 v12, v38;
	[tilespmem:v41+s20+$0x0] =	vst.idx.msk $0xffff, v0  }
0x453: {  	[tilespmem:v16+s20+$0x0] =	vst.idx.msk $0xffff, v58;
	v0 =	vor.u32 v9, v45;
	v16 =	vld.idx.msk [tilespmem:v26+s13+$0x0], $0xffff  }
0x454: {  	v41 =	vor.u32 v25, v48;
	v58 =	vmul.f32 $8.000000000e+00, v53;
	v26 =	vld.idx.msk [tilespmem:v57+s13+$0x0], $0xffff  }
0x455: {  	v53 =	vor.u32 v9, v47  }
0x456: {  	v19 =	vor.u32 v25, v49;
	[tilespmem:v17+s20+$0x0] =	vst.idx.msk $0xffff, v58;
	v17 =	vor.u32 v11, v44;
	v18 =	vmul.f32 $8.000000000e+00, v21  }
0x457: {  	v21 =	vor.u32 v12, v43;
	v27 =	vld.idx.msk [tilespmem:v27+s13+$0x0], $0xffff  }
0x458: {  	[tilespmem:v0+s20+$0x0] =	vst.idx.msk $0xffff, v18;
	v0 =	vmul.f32 $8.000000000e+00, v16  }
0x459: {  	v16 =	vmul.f32 $8.000000000e+00, v26;
	v18 =	vor.u32 v13, v42;
	v26 =	vld.idx.msk [tilespmem:v41+s13+$0x0], $0xffff  }
0x45a: {  	[tilespmem:v53+s20+$0x0] =	vst.idx.msk $0xffff, v0  }
0x45b: {  	v41 =	vor.u32 v14, v38;
	[tilespmem:v17+s20+$0x0] =	vst.idx.msk $0xffff, v16;
	v0 =	vor.u32 v11, v45;
	v16 =	vld.idx.msk [tilespmem:v19+s13+$0x0], $0xffff  }
0x45c: {  	v17 =	vld.idx.msk [tilespmem:v21+s13+$0x0], $0xffff;
	v21 =	vmul.f32 $8.000000000e+00, v27;
	v27 =	vor.u32 v12, v48;
	_ =	sdelay $0x1  }
0x45d: {  	v57 =	vor.u32 v13, v44;
	[tilespmem:v18+s20+$0x0] =	vst.idx.msk $0xffff, v21;
	v21 =	vmul.f32 $8.000000000e+00, v26;
	_ =	sdelay $0x1  }
0x45e: {  	v58 =	vor.u32 v14, v43;
	v53 =	vor.u32 v11, v47;
	v41 =	vld.idx.msk [tilespmem:v41+s13+$0x0], $0xffff;
	[tilespmem:v0+s20+$0x0] =	vst.idx.msk $0xffff, v21  }
0x45f: {  	v28 =	vor.u32 v12, v49;
	v0 =	vmul.f32 $8.000000000e+00, v16;
	v16 =	vmul.f32 $8.000000000e+00, v17;
	v18 =	vld.idx.msk [tilespmem:v27+s13+$0x0], $0xffff  }
0x460: {  	v17 =	vor.u32 v15, v42  }
0x461: {  	[tilespmem:v57+s20+$0x0] =	vst.idx.msk $0xffff, v16;
	v16 =	vor.u32 v13, v45;
	_ =	sdelay $0x1  }
0x462: {  	[tilespmem:v53+s20+$0x0] =	vst.idx.msk $0xffff, v0;
	v26 =	vld.idx.msk [tilespmem:v58+s13+$0x0], $0xffff;
	v21 =	vmul.f32 $8.000000000e+00, v41  }
0x463: {  	v0 =	vor.u32 v8, v38;
	v38 =	vor.u32 v14, v48;
	v19 =	vld.idx.msk [tilespmem:v28+s13+$0x0], $0xffff;
	v18 =	vmul.f32 $8.000000000e+00, v18  }
0x464: {  	[tilespmem:v17+s20+$0x0] =	vst.idx.msk $0xffff, v21;
	v17 =	vor.u32 v15, v44  }
0x465: {  	v61 =	vmov v1;
	v43 =	vor.u32 v8, v43;
	v41 =	vor.u32 v13, v47;
	v1 =	vld [tilespmem:$0x1FE10];
	[tilespmem:v16+s20+$0x0] =	vst.idx.msk $0xffff, v18  }
0x466: {  	v21 =	vld [tilespmem:$0x1FE40]  }
0x467: {  	v53 =	vor.u32 v14, v49;
	v26 =	vmul.f32 $8.000000000e+00, v26  }
0x468: {  	v16 =	vmul.f32 $8.000000000e+00, v19;
	v38 =	vld.idx.msk [tilespmem:v38+s13+$0x0], $0xffff  }
0x469: {  	v42 =	vor.u32 v3, v42;
	v0 =	vld.idx.msk [tilespmem:v0+s13+$0x0], $0xffff;
	[tilespmem:v17+s20+$0x0] =	vst.idx.msk $0xffff, v26  }
0x46a: {  	[tilespmem:v41+s20+$0x0] =	vst.idx.msk $0xffff, v16;
	v17 =	vor.u32 v15, v45;
	v57 =	vor.u32 $0x20, v1;
	v19 =	vld.idx.msk [tilespmem:v43+s13+$0x0], $0xffff  }
0x46b: {  	v41 =	vor.u32 v8, v48;
	v1 =	vld [tilespmem:$0x1FE70];
	v58 =	vand.u32 $0x28, v57;
	v28 =	vand.u32 $0x7, v21  }
0x46c: {  	v18 =	vld.idx.msk [tilespmem:v53+s13+$0x0], $0xffff;
	v27 =	vor.u32 v28, v58  }
0x46d: {  	v60 =	vmovc v7;
	v7 =	vmovc v10;
	v10 =	vmov v25;
	v25 =	vmul.f32 $8.000000000e+00, v38;
	v16 =	vor.u32 v2, v27  }
0x46e: {  	v48 =	vor.u32 v15, v47;
	v0 =	vmul.f32 $8.000000000e+00, v0  }
0x46f: {  	v44 =	vor.u32 v3, v44;
	v53 =	vshll.u32 v57, $0x7;
	[tilespmem:v17+s20+$0x0] =	vst.idx.msk $0xffff, v25  }
0x470: {  	[tilespmem:v42+s20+$0x0] =	vst.idx.msk $0xffff, v0;
	v26 =	vor.u32 $0x20, v1;
	v0 =	vmul.f32 $8.000000000e+00, v19;
	v19 =	vor.u32 $0x20, v30;
	v30 =	vld.idx.msk [tilespmem:v41+s13+$0x0], $0xffff  }
0x471: {  	v28 =	vand.u32 $0x7, v5;
	v17 =	vmul.f32 $8.000000000e+00, v18;
	v43 =	vand.u32 $0x28, v26;
	v25 =	vld [tilespmem:$0x1FDF0]  }
0x472: {  	v49 =	vor.u32 v8, v49;
	v53 =	vand.u32 $0x1400, v53;
	v38 =	vor.u32 v28, v43;
	v16 =	vld.idx.msk [tilespmem:v16+s13+$0x0], $0xffff  }
0x473: {  	v62 =	vlaneseq.u32;
	v28 =	vor.u32 v29, v53;
	[tilespmem:v48+s20+$0x0] =	vst.idx.msk $0xffff, v17;
	v17 =	vor.u32 v3, v45  }
0x474: {  	v43 =	vor.u32 v2, v38;
	v18 =	vor.u32 v62, v28;
	_ =	sdelay $0x1  }
0x475: {  	v58 =	vand.u32 $0x28, v19;
	[tilespmem:v44+s20+$0x0] =	vst.idx.msk $0xffff, v0;
	v0 =	vshll.u32 v26, $0x7;
	v30 =	vmul.f32 $8.000000000e+00, v30  }
0x476: {  	v26 =	vor.u32 v3, v47;
	v57 =	vand.u32 $0x7, v25;
	v16 =	vmul.f32 $8.000000000e+00, v16  }
0x477: {  	v48 =	vld.idx.msk [tilespmem:v49+s13+$0x0], $0xffff;
	v49 =	vor.u32 $0x20, v6;
	v45 =	vor.u32 v57, v58;
	[tilespmem:v17+s20+$0x0] =	vst.idx.msk $0xffff, v30  }
0x478: {  	v42 =	vand.u32 $0x7, v37;
	v57 =	vand.u32 $0x28, v49;
	v53 =	vor.u32 v2, v45;
	v47 =	vld.idx.msk [tilespmem:v43+s13+$0x0], $0xffff;
	[tilespmem:v18+s20+$0x0] =	vst.idx.msk $0xffff, v16  }
0x479: {  	v63 =	vmov v4;
	v41 =	vor.u32 v61, v27;
	v44 =	vor.u32 v42, v57;
	v4 =	vld [tilespmem:$0x1FE00]  }
0x47a: {  	v0 =	vand.u32 $0x1400, v0;
	v57 =	vor.u32 v2, v44  }
0x47b: {  	v42 =	vor.u32 v31, v0  }
0x47c: {  	v17 =	vshll.u32 v19, $0x7;
	v48 =	vmul.f32 $8.000000000e+00, v48;
	v0 =	vor.u32 v62, v42  }
0x47d: {  	v17 =	vand.u32 $0x1400, v17;
	v16 =	vor.u32 v61, v38;
	v18 =	vld.idx.msk [tilespmem:v53+s13+$0x0], $0xffff  }
0x47e: {  	v41 =	vld.idx.msk [tilespmem:v41+s13+$0x0], $0xffff;
	[tilespmem:v26+s20+$0x0] =	vst.idx.msk $0xffff, v48;
	v58 =	vmul.f32 $8.000000000e+00, v47;
	v43 =	vor.u32 v4, v17;
	v17 =	vshll.u32 v49, $0x7  }
0x47f: {  	v48 =	vor.u32 v60, v28;
	v47 =	vld.idx.msk [tilespmem:v57+s13+$0x0], $0xffff;
	v26 =	vor.u32 v62, v43;
	v17 =	vand.u32 $0x1400, v17  }
0x480: {  	v49 =	vor.u32 v61, v45;
	v30 =	vor.u32 v39, v17;
	v17 =	vmul.f32 $8.000000000e+00, v54  }
0x481: {  	v52 =	vld.idx.msk [tilespmem:v52+s13+$0x0], $0xffff;
	v53 =	vor.u32 v59, v27;
	[tilespmem:v0+s20+$0x0] =	vst.idx.msk $0xffff, v58;
	v57 =	vor.u32 v62, v30  }
0x482: {  	v58 =	vor.u32 v61, v44;
	v16 =	vld.idx.msk [tilespmem:v16+s13+$0x0], $0xffff;
	v0 =	vmul.f32 $8.000000000e+00, v18;
	[tilespmem:v55+s20+$0x0] =	vst.idx.msk $0xffff, v17  }
0x483: {  	v19 =	vor.u32 v9, v34;
	v17 =	vmul.f32 $8.000000000e+00, v41;
	v41 =	vld.idx.msk [tilespmem:v56+s13+$0x0], $0xffff  }
0x484: {  	[tilespmem:v26+s20+$0x0] =	vst.idx.msk $0xffff, v0;
	v0 =	vmul.f32 $8.000000000e+00, v47;
	v26 =	vor.u32 v10, v35;
	v47 =	vor.u32 v60, v42  }
0x485: {  	[tilespmem:v48+s20+$0x0] =	vst.idx.msk $0xffff, v17;
	v48 =	vor.u32 v9, v33;
	v17 =	vld.idx.msk [tilespmem:v49+s13+$0x0], $0xffff;
	v49 =	vor.u32 v59, v38  }
0x486: {  	v53 =	vld.idx.msk [tilespmem:v53+s13+$0x0], $0xffff;
	[tilespmem:v57+s20+$0x0] =	vst.idx.msk $0xffff, v0;
	v0 =	vmul.f32 $8.000000000e+00, v52;
	v52 =	vor.u32 v10, v32  }
0x487: {  	v54 =	vor.u32 v60, v43;
	v16 =	vmul.f32 $8.000000000e+00, v16;
	v18 =	vld.idx.msk [tilespmem:v58+s13+$0x0], $0xffff  }
0x488: {  	v55 =	vor.u32 v63, v28;
	v56 =	vor.u32 v59, v45;
	[tilespmem:v19+s20+$0x0] =	vst.idx.msk $0xffff, v0;
	v0 =	vmul.f32 $8.000000000e+00, v41  }
0x489: {  	v57 =	vor.u32 v60, v30;
	v19 =	vor.u32 v7, v27;
	v26 =	vld.idx.msk [tilespmem:v26+s13+$0x0], $0xffff;
	[tilespmem:v47+s20+$0x0] =	vst.idx.msk $0xffff, v16  }
0x48a: {  	v16 =	vmul.f32 $8.000000000e+00, v17;
	v17 =	vor.u32 v59, v44;
	[tilespmem:v48+s20+$0x0] =	vst.idx.msk $0xffff, v0;
	v0 =	vld.idx.msk [tilespmem:v49+s13+$0x0], $0xffff  }
0x48b: {  	v58 =	vmul.f32 $8.000000000e+00, v53;
	v48 =	vor.u32 v11, v34;
	v49 =	vld.idx.msk [tilespmem:v52+s13+$0x0], $0xffff  }
0x48c: {  	v52 =	vor.u32 v63, v42;
	[tilespmem:v54+s20+$0x0] =	vst.idx.msk $0xffff, v16;
	v16 =	vmul.f32 $8.000000000e+00, v18;
	v18 =	vor.u32 v12, v35  }
0x48d: {  	v53 =	vor.u32 v11, v33;
	[tilespmem:v55+s20+$0x0] =	vst.idx.msk $0xffff, v58;
	v54 =	vor.u32 v7, v38;
	v47 =	vld.idx.msk [tilespmem:v56+s13+$0x0], $0xffff  }
0x48e: {  	v19 =	vld.idx.msk [tilespmem:v19+s13+$0x0], $0xffff;
	[tilespmem:v57+s20+$0x0] =	vst.idx.msk $0xffff, v16;
	v16 =	vmul.f32 $8.000000000e+00, v26;
	v26 =	vor.u32 v12, v32  }
0x48f: {  	v41 =	vor.u32 v63, v43;
	v17 =	vld.idx.msk [tilespmem:v17+s13+$0x0], $0xffff;
	v0 =	vmul.f32 $8.000000000e+00, v0  }
0x490: {  	v55 =	vor.u32 v9, v28;
	v56 =	vor.u32 v7, v45;
	[tilespmem:v48+s20+$0x0] =	vst.idx.msk $0xffff, v16;
	v16 =	vmul.f32 $8.000000000e+00, v49  }
0x491: {  	v48 =	vor.u32 v10, v27;
	v49 =	vor.u32 v63, v30;
	v18 =	vld.idx.msk [tilespmem:v18+s13+$0x0], $0xffff;
	[tilespmem:v52+s20+$0x0] =	vst.idx.msk $0xffff, v0  }
0x492: {  	v0 =	vmul.f32 $8.000000000e+00, v47;
	v47 =	vor.u32 v7, v44;
	[tilespmem:v53+s20+$0x0] =	vst.idx.msk $0xffff, v16;
	v16 =	vld.idx.msk [tilespmem:v54+s13+$0x0], $0xffff  }
0x493: {  	v52 =	vor.u32 v13, v34;
	v19 =	vmul.f32 $8.000000000e+00, v19;
	v26 =	vld.idx.msk [tilespmem:v26+s13+$0x0], $0xffff  }
0x494: {  	v57 =	vor.u32 v9, v42;
	[tilespmem:v41+s20+$0x0] =	vst.idx.msk $0xffff, v0;
	v0 =	vmul.f32 $8.000000000e+00, v17;
	v17 =	vor.u32 v14, v35  }
0x495: {  	v53 =	vor.u32 v13, v33;
	v54 =	vor.u32 v10, v38;
	[tilespmem:v55+s20+$0x0] =	vst.idx.msk $0xffff, v19;
	v58 =	vld.idx.msk [tilespmem:v56+s13+$0x0], $0xffff  }
0x496: {  	v48 =	vld.idx.msk [tilespmem:v48+s13+$0x0], $0xffff;
	[tilespmem:v49+s20+$0x0] =	vst.idx.msk $0xffff, v0;
	v0 =	vmul.f32 $8.000000000e+00, v18  }
0x497: {  	v18 =	vor.u32 v9, v43;
	v47 =	vld.idx.msk [tilespmem:v47+s13+$0x0], $0xffff;
	v16 =	vmul.f32 $8.000000000e+00, v16  }
0x498: {  	v55 =	vor.u32 v10, v45;
	v49 =	vor.u32 v11, v28;
	[tilespmem:v52+s20+$0x0] =	vst.idx.msk $0xffff, v0;
	v0 =	vmul.f32 $8.000000000e+00, v26  }
0x499: {  	v26 =	vor.u32 v12, v27;
	v52 =	vor.u32 v9, v30;
	v17 =	vld.idx.msk [tilespmem:v17+s13+$0x0], $0xffff;
	[tilespmem:v57+s20+$0x0] =	vst.idx.msk $0xffff, v16  }
0x49a: {  	v57 =	vor.u32 v10, v44;
	v16 =	vmul.f32 $8.000000000e+00, v58;
	[tilespmem:v53+s20+$0x0] =	vst.idx.msk $0xffff, v0;
	v0 =	vld.idx.msk [tilespmem:v54+s13+$0x0], $0xffff  }
0x49b: {  	v58 =	vor.u32 v14, v32;
	v48 =	vmul.f32 $8.000000000e+00, v48;
	v53 =	vor.u32 v15, v34  }
0x49c: {  	[tilespmem:v18+s20+$0x0] =	vst.idx.msk $0xffff, v16;
	v16 =	vmul.f32 $8.000000000e+00, v47;
	v18 =	vor.u32 v11, v42  }
0x49d: {  	[tilespmem:v49+s20+$0x0] =	vst.idx.msk $0xffff, v48;
	v48 =	vld.idx.msk [tilespmem:v55+s13+$0x0], $0xffff  }
0x49e: {  	v49 =	vor.u32 v8, v35;
	v26 =	vld.idx.msk [tilespmem:v26+s13+$0x0], $0xffff;
	[tilespmem:v52+s20+$0x0] =	vst.idx.msk $0xffff, v16;
	v16 =	vmul.f32 $8.000000000e+00, v17  }
0x49f: {  	v17 =	vor.u32 v12, v38;
	v52 =	vor.u32 v11, v43;
	v19 =	vld.idx.msk [tilespmem:v57+s13+$0x0], $0xffff;
	v0 =	vmul.f32 $8.000000000e+00, v0  }
0x4a0: {  	v56 =	vor.u32 v12, v45;
	v55 =	vor.u32 v13, v28;
	v41 =	vld.idx.msk [tilespmem:v58+s13+$0x0], $0xffff;
	[tilespmem:v53+s20+$0x0] =	vst.idx.msk $0xffff, v16  }
0x4a1: {  	v57 =	vor.u32 v11, v30;
	v53 =	vor.u32 v14, v27;
	[tilespmem:v18+s20+$0x0] =	vst.idx.msk $0xffff, v0  }
0x4a2: {  	v18 =	vor.u32 v12, v44;
	v0 =	vmul.f32 $8.000000000e+00, v48;
	v48 =	vor.u32 v15, v33;
	v16 =	vld [tilespmem:$0x1FE30]  }
0x4a3: {  	v32 =	vor.u32 v8, v32;
	v49 =	vld.idx.msk [tilespmem:v49+s13+$0x0], $0xffff;
	v26 =	vmul.f32 $8.000000000e+00, v26  }
0x4a4: {  	v17 =	vld.idx.msk [tilespmem:v17+s13+$0x0], $0xffff;
	[tilespmem:v52+s20+$0x0] =	vst.idx.msk $0xffff, v0;
	v0 =	vmul.f32 $8.000000000e+00, v19  }
0x4a5: {  	v50 =	vmul.f32 $8.000000000e+00, v50;
	v34 =	vor.u32 v3, v34;
	v19 =	vmul.f32 $8.000000000e+00, v41;
	[tilespmem:v55+s20+$0x0] =	vst.idx.msk $0xffff, v26;
	v26 =	vld.idx.msk [tilespmem:v56+s13+$0x0], $0xffff  }
0x4a6: {  	v54 =	vor.u32 v11, v24;
	v52 =	vor.u32 v13, v42;
	v53 =	vld.idx.msk [tilespmem:v53+s13+$0x0], $0xffff;
	[tilespmem:v57+s20+$0x0] =	vst.idx.msk $0xffff, v0  }
0x4a7: {  	v51 =	vmul.f32 $8.000000000e+00, v51;
	v55 =	vor.u32 v14, v38;
	v58 =	vor.u32 $0x30, v16;
	v18 =	vld.idx.msk [tilespmem:v18+s13+$0x0], $0xffff;
	[tilespmem:v48+s20+$0x0] =	vst.idx.msk $0xffff, v19  }
0x4a8: {  	v56 =	vor.u32 v13, v43;
	v19 =	vmul.f32 $8.000000000e+00, v49;
	v16 =	vand.u32 $0x3F, v58;
	v32 =	vld.idx.msk [tilespmem:v32+s13+$0x0], $0xffff  }
0x4a9: {  	v0 =	vshll.u32 v58, $0x7;
	v1 =	vld [tilespmem:$0x1FE50];
	v58 =	vor.u32 v13, v30;
	v41 =	vor.u32 v2, v16  }
0x4aa: {  	v47 =	vor.u32 v12, v23;
	v17 =	vmul.f32 $8.000000000e+00, v17;
	[tilespmem:v34+s20+$0x0] =	vst.idx.msk $0xffff, v19;
	v19 =	vor.u32 v3, v33  }
0x4ab: {  	v48 =	vor.u32 v15, v28;
	v49 =	vor.u32 v14, v45;
	v26 =	vmul.f32 $8.000000000e+00, v26  }
0x4ac: {  	v33 =	vor.u32 v8, v27;
	v0 =	vand.u32 $0x1C00, v0;
	[tilespmem:v52+s20+$0x0] =	vst.idx.msk $0xffff, v17;
	v18 =	vmul.f32 $8.000000000e+00, v18  }
0x4ad: {  	v21 =	vor.u32 $0x30, v21;
	v17 =	vor.u32 v20, v0;
	v0 =	vld.idx.msk [tilespmem:v55+s13+$0x0], $0xffff;
	[tilespmem:v56+s20+$0x0] =	vst.idx.msk $0xffff, v26;
	v32 =	vmul.f32 $8.000000000e+00, v32  }
0x4ae: {  	v52 =	vor.u32 v14, v44;
	v57 =	vor.u32 $0x30, v1;
	v34 =	vld.idx.msk [tilespmem:v41+s13+$0x0], $0xffff;
	v41 =	vmul.f32 $8.000000000e+00, v53;
	[tilespmem:v58+s20+$0x0] =	vst.idx.msk $0xffff, v18  }
0x4af: {  	v35 =	vor.u32 v13, v22;
	v38 =	vor.u32 v8, v38;
	v27 =	vand.u32 $0x3F, v57;
	[tilespmem:v19+s20+$0x0] =	vst.idx.msk $0xffff, v32  }
0x4b0: {  	v53 =	vor.u32 v15, v42;
	v26 =	vor.u32 v2, v27;
	[tilespmem:v48+s20+$0x0] =	vst.idx.msk $0xffff, v41;
	v48 =	vld.idx.msk [tilespmem:v49+s13+$0x0], $0xffff  }
0x4b1: {  	v45 =	vor.u32 v8, v45;
	v20 =	vand.u32 $0x3F, v21;
	v41 =	vor.u32 v62, v17;
	v1 =	vld [tilespmem:$0x1FE80]  }
0x4b2: {  	v44 =	vor.u32 v8, v44;
	v57 =	vshll.u32 v57, $0x7;
	v58 =	vor.u32 v15, v43;
	v33 =	vld.idx.msk [tilespmem:v33+s13+$0x0], $0xffff  }
0x4b3: {  	v56 =	vor.u32 v2, v20;
	v18 =	vand.u32 $0x7FFFFC00, v57;
	v52 =	vld.idx.msk [tilespmem:v52+s13+$0x0], $0xffff;
	v0 =	vmul.f32 $8.000000000e+00, v0  }
0x4b4: {  	v19 =	vor.u32 v3, v28;
	v32 =	vor.u32 v15, v30;
	[tilespmem:v46+s20+$0x0] =	vst.idx.msk $0xffff, v50;
	v34 =	vmul.f32 $8.000000000e+00, v34  }
0x4b5: {  	v57 =	vshll.u32 v21, $0x7;
	v49 =	vor.u32 v61, v16;
	[tilespmem:v53+s20+$0x0] =	vst.idx.msk $0xffff, v0;
	v26 =	vld.idx.msk [tilespmem:v26+s13+$0x0], $0xffff;
	v48 =	vmul.f32 $8.000000000e+00, v48  }
0x4b6: {  	v37 =	vor.u32 $0x30, v37;
	v46 =	vand.u32 $0x1C00, v57;
	v38 =	vld.idx.msk [tilespmem:v38+s13+$0x0], $0xffff;
	[tilespmem:v41+s20+$0x0] =	vst.idx.msk $0xffff, v34;
	v18 =	vor.u32 v1, v18  }
0x4b7: {  	v34 =	vld.idx.msk [tilespmem:v40+s13+$0x0], $0xffff;
	v33 =	vmul.f32 $8.000000000e+00, v33;
	v0 =	vor.u32 v62, v18;
	[tilespmem:v58+s20+$0x0] =	vst.idx.msk $0xffff, v48;
	v48 =	vor.u32 $0x30, v5  }
0x4b8: {  	[tilespmem:v54+s20+$0x0] =	vst.idx.msk $0xffff, v51;
	v58 =	vmul.f32 $8.000000000e+00, v52;
	v52 =	vor.u32 $0x30, v25;
	v21 =	vand.u32 $0x3F, v48;
	v45 =	vld.idx.msk [tilespmem:v45+s13+$0x0], $0xffff  }
0x4b9: {  	[tilespmem:v19+s20+$0x0] =	vst.idx.msk $0xffff, v33;
	v33 =	vor.u32 v3, v42;
	v25 =	vand.u32 $0x3F, v52;
	v19 =	vor.u32 v29, v46  }
0x4ba: {  	v48 =	vshll.u32 v48, $0x7;
	v42 =	vor.u32 v2, v21;
	[tilespmem:v32+s20+$0x0] =	vst.idx.msk $0xffff, v58;
	v32 =	vor.u32 v3, v43  }
0x4bb: {  	v51 =	vshll.u32 v52, $0x7;
	v43 =	vor.u32 v61, v27;
	v53 =	vor.u32 v2, v25;
	v44 =	vld.idx.msk [tilespmem:v44+s13+$0x0], $0xffff  }
0x4bc: {  	v26 =	vmul.f32 $8.000000000e+00, v26;
	v55 =	vld.idx.msk [tilespmem:v56+s13+$0x0], $0xffff;
	v56 =	vmul.f32 $8.000000000e+00, v38;
	v58 =	vor.u32 v3, v30  }
0x4bd: {  	v54 =	vld.idx.msk [tilespmem:v49+s13+$0x0], $0xffff;
	v30 =	vand.u32 $0x3F, v37;
	v28 =	vand.u32 $0x7FFFFC00, v48;
	v57 =	vmul.f32 $8.000000000e+00, v45  }
0x4be: {  	v52 =	vand.u32 $0x1C00, v51;
	v48 =	vor.u32 v61, v25;
	v50 =	vor.u32 v2, v30;
	[tilespmem:v33+s20+$0x0] =	vst.idx.msk $0xffff, v56  }
0x4bf: {  	v51 =	vor.u32 v59, v16;
	v28 =	vor.u32 v31, v28;
	v38 =	vld.idx.msk [tilespmem:v42+s13+$0x0], $0xffff;
	[tilespmem:v32+s20+$0x0] =	vst.idx.msk $0xffff, v57  }
0x4c0: {  	v46 =	vshll.u32 v37, $0x7;
	[tilespmem:v0+s20+$0x0] =	vst.idx.msk $0xffff, v26;
	v33 =	vor.u32 v62, v19;
	v0 =	vld.idx.msk [tilespmem:v53+s13+$0x0], $0xffff;
	v53 =	vmul.f32 $8.000000000e+00, v44  }
0x4c1: {  	v29 =	vor.u32 v4, v52;
	v56 =	vor.u32 v62, v28;
	v32 =	vor.u32 v61, v20  }
0x4c2: {  	v34 =	vmul.f32 $8.000000000e+00, v34;
	v31 =	vand.u32 $0x7FFFFC00, v46;
	[tilespmem:v58+s20+$0x0] =	vst.idx.msk $0xffff, v53;
	v58 =	vor.u32 v62, v29  }
0x4c3: {  	v31 =	vor.u32 v39, v31;
	v55 =	vmul.f32 $8.000000000e+00, v55;
	v57 =	vor.u32 v61, v21;
	v49 =	vld.idx.msk [tilespmem:v50+s13+$0x0], $0xffff  }
0x4c4: {  	[tilespmem:v35+s20+$0x0] =	vst.idx.msk $0xffff, v34;
	v43 =	vld.idx.msk [tilespmem:v43+s13+$0x0], $0xffff;
	v50 =	vor.u32 v60, v17;
	v38 =	vmul.f32 $8.000000000e+00, v38  }
0x4c5: {  	v37 =	vld.idx.msk [tilespmem:v47+s13+$0x0], $0xffff;
	v52 =	vor.u32 v62, v31;
	v42 =	vmul.f32 $8.000000000e+00, v54;
	[tilespmem:v33+s20+$0x0] =	vst.idx.msk $0xffff, v55;
	v0 =	vmul.f32 $8.000000000e+00, v0  }
0x4c6: {  	v54 =	vor.u32 v61, v30;
	v53 =	vor.u32 v60, v18;
	v32 =	vld.idx.msk [tilespmem:v32+s13+$0x0], $0xffff;
	[tilespmem:v56+s20+$0x0] =	vst.idx.msk $0xffff, v38  }
0x4c7: {  	v36 =	vld.idx.msk [tilespmem:v36+s13+$0x0], $0xffff;
	[tilespmem:v58+s20+$0x0] =	vst.idx.msk $0xffff, v0;
	v0 =	vor.u32 v59, v27  }
0x4c8: {  	v55 =	vor.u32 v60, v19;
	v26 =	vld.idx.msk [tilespmem:v57+s13+$0x0], $0xffff;
	v57 =	vmul.f32 $8.000000000e+00, v49  }
0x4c9: {  	v56 =	vor.u32 v59, v20;
	v58 =	vmul.f32 $8.000000000e+00, v43;
	v33 =	vld.idx.msk [tilespmem:v48+s13+$0x0], $0xffff;
	[tilespmem:v50+s20+$0x0] =	vst.idx.msk $0xffff, v42  }
0x4ca: {  	v62 =	vor.u32 v60, v28;
	v48 =	vor.u32 v60, v29;
	v39 =	vld.idx.msk [tilespmem:v51+s13+$0x0], $0xffff;
	[tilespmem:v52+s20+$0x0] =	vst.idx.msk $0xffff, v57  }
0x4cb: {  	v50 =	vor.u32 v59, v21;
	v32 =	vmul.f32 $8.000000000e+00, v32;
	[tilespmem:v53+s20+$0x0] =	vst.idx.msk $0xffff, v58;
	v51 =	vld.idx.msk [tilespmem:v54+s13+$0x0], $0xffff  }
0x4cc: {  	v49 =	vor.u32 v63, v17;
	v52 =	vor.u32 v59, v25;
	v0 =	vld.idx.msk [tilespmem:v0+s13+$0x0], $0xffff  }
0x4cd: {  	v53 =	vor.u32 v7, v16;
	[tilespmem:v55+s20+$0x0] =	vst.idx.msk $0xffff, v32;
	v26 =	vmul.f32 $8.000000000e+00, v26;
	v54 =	vor.u32 v60, v31  }
0x4ce: {  	v58 =	vor.u32 v13, v24;
	v55 =	vor.u32 v63, v18;
	v34 =	vld.idx.msk [tilespmem:v56+s13+$0x0], $0xffff;
	v33 =	vmul.f32 $8.000000000e+00, v33  }
0x4cf: {  	v57 =	vor.u32 v63, v19;
	v56 =	vor.u32 v59, v30;
	[tilespmem:v62+s20+$0x0] =	vst.idx.msk $0xffff, v26;
	v39 =	vmul.f32 $8.000000000e+00, v39  }
0x4d0: {  	v5 =	vmov v59;
	v59 =	vor.u32 v7, v27;
	v38 =	vld.idx.msk [tilespmem:v50+s13+$0x0], $0xffff;
	[tilespmem:v48+s20+$0x0] =	vst.idx.msk $0xffff, v33;
	v41 =	vmul.f32 $8.000000000e+00, v51  }
0x4d1: {  	v62 =	vor.u32 v7, v20;
	[tilespmem:v49+s20+$0x0] =	vst.idx.msk $0xffff, v39;
	v32 =	vld.idx.msk [tilespmem:v52+s13+$0x0], $0xffff;
	v0 =	vmul.f32 $8.000000000e+00, v0  }
0x4d2: {  	v37 =	vmul.f32 $8.000000000e+00, v37;
	v48 =	vor.u32 v63, v28;
	v49 =	vor.u32 v63, v29;
	[tilespmem:v54+s20+$0x0] =	vst.idx.msk $0xffff, v41  }
0x4d3: {  	v39 =	vld.idx.msk [tilespmem:v53+s13+$0x0], $0xffff;
	v34 =	vmul.f32 $8.000000000e+00, v34;
	[tilespmem:v55+s20+$0x0] =	vst.idx.msk $0xffff, v0;
	v0 =	vor.u32 v7, v21  }
0x4d4: {  	[tilespmem:v58+s20+$0x0] =	vst.idx.msk $0xffff, v37;
	v51 =	vor.u32 v7, v25;
	v26 =	vld.idx.msk [tilespmem:v56+s13+$0x0], $0xffff  }
0x4d5: {  	v50 =	vor.u32 v9, v17;
	[tilespmem:v57+s20+$0x0] =	vst.idx.msk $0xffff, v34;
	v38 =	vmul.f32 $8.000000000e+00, v38;
	v43 =	vld.idx.msk [tilespmem:v59+s13+$0x0], $0xffff  }
0x4d6: {  	v52 =	vor.u32 v10, v16;
	v53 =	vor.u32 v63, v31;
	v54 =	vld.idx.msk [tilespmem:v62+s13+$0x0], $0xffff;
	v32 =	vmul.f32 $8.000000000e+00, v32  }
0x4d7: {  	v55 =	vor.u32 v7, v30;
	v62 =	vor.u32 v15, v22;
	[tilespmem:v48+s20+$0x0] =	vst.idx.msk $0xffff, v38  }
0x4d8: {  	v57 =	vor.u32 v9, v18;
	v56 =	vmul.f32 $8.000000000e+00, v39;
	[tilespmem:v49+s20+$0x0] =	vst.idx.msk $0xffff, v32;
	v0 =	vld.idx.msk [tilespmem:v0+s13+$0x0], $0xffff  }
0x4d9: {  	v58 =	vor.u32 v10, v27;
	v59 =	vor.u32 v9, v19;
	v26 =	vmul.f32 $8.000000000e+00, v26;
	v34 =	vld.idx.msk [tilespmem:v51+s13+$0x0], $0xffff  }
0x4da: {  	v36 =	vmul.f32 $8.000000000e+00, v36;
	v48 =	vor.u32 v10, v20;
	[tilespmem:v50+s20+$0x0] =	vst.idx.msk $0xffff, v56;
	v50 =	vor.u32 v9, v28  }
0x4db: {  	v49 =	vmul.f32 $8.000000000e+00, v43;
	v42 =	vld.idx.msk [tilespmem:v52+s13+$0x0], $0xffff;
	v51 =	vmul.f32 $8.000000000e+00, v54;
	[tilespmem:v53+s20+$0x0] =	vst.idx.msk $0xffff, v26;
	v53 =	vor.u32 v9, v29  }
0x4dc: {  	v52 =	vor.u32 v10, v21;
	[tilespmem:v62+s20+$0x0] =	vst.idx.msk $0xffff, v36;
	v35 =	vld.idx.msk [tilespmem:v55+s13+$0x0], $0xffff;
	v55 =	vor.u32 v10, v25  }
0x4dd: {  	v54 =	vor.u32 v11, v17;
	v62 =	vor.u32 v12, v16;
	[tilespmem:v57+s20+$0x0] =	vst.idx.msk $0xffff, v49;
	v0 =	vmul.f32 $8.000000000e+00, v0  }
0x4de: {  	[tilespmem:v59+s20+$0x0] =	vst.idx.msk $0xffff, v51;
	v57 =	vor.u32 v9, v31;
	v56 =	vld.idx.msk [tilespmem:v58+s13+$0x0], $0xffff;
	v34 =	vmul.f32 $8.000000000e+00, v34  }
0x4df: {  	v59 =	vor.u32 v10, v30;
	[tilespmem:v50+s20+$0x0] =	vst.idx.msk $0xffff, v0  }
0x4e0: {  	v58 =	vld.idx.msk [tilespmem:v48+s13+$0x0], $0xffff;
	v45 =	vmul.f32 $8.000000000e+00, v42;
	v0 =	vor.u32 v11, v18;
	[tilespmem:v53+s20+$0x0] =	vst.idx.msk $0xffff, v34  }
0x4e1: {  	v46 =	vor.u32 v11, v19;
	v50 =	vor.u32 v14, v23;
	v47 =	vmul.f32 $8.000000000e+00, v35;
	v49 =	vld.idx.msk [tilespmem:v55+s13+$0x0], $0xffff  }
0x4e2: {  	v48 =	vor.u32 v12, v27;
	v33 =	vld.idx.msk [tilespmem:v52+s13+$0x0], $0xffff;
	[tilespmem:v54+s20+$0x0] =	vst.idx.msk $0xffff, v45;
	v52 =	vor.u32 v12, v20  }
0x4e3: {  	v55 =	vor.u32 v11, v29;
	v26 =	vmul.f32 $8.000000000e+00, v56;
	v39 =	vld.idx.msk [tilespmem:v62+s13+$0x0], $0xffff;
	[tilespmem:v57+s20+$0x0] =	vst.idx.msk $0xffff, v47  }
0x4e4: {  	v44 =	vor.u32 v14, v16;
	v51 =	vor.u32 v11, v28;
	v57 =	vor.u32 v12, v25;
	v54 =	vld.idx.msk [tilespmem:v59+s13+$0x0], $0xffff  }
0x4e5: {  	v53 =	vmul.f32 $8.000000000e+00, v58;
	v59 =	vor.u32 v13, v17;
	[tilespmem:v0+s20+$0x0] =	vst.idx.msk $0xffff, v26;
	v0 =	vor.u32 v12, v21  }
0x4e6: {  	v45 =	vor.u32 v13, v18;
	v58 =	vor.u32 v11, v31;
	v40 =	vld.idx.msk [tilespmem:v50+s13+$0x0], $0xffff;
	v38 =	vmul.f32 $8.000000000e+00, v49  }
0x4e7: {  	v62 =	vor.u32 v12, v30;
	[tilespmem:v46+s20+$0x0] =	vst.idx.msk $0xffff, v53;
	v56 =	vmul.f32 $8.000000000e+00, v33;
	v35 =	vld.idx.msk [tilespmem:v48+s13+$0x0], $0xffff  }
0x4e8: {  	v46 =	vor.u32 v15, v24;
	v32 =	vld.idx.msk [tilespmem:v52+s13+$0x0], $0xffff;
	v47 =	vmul.f32 $8.000000000e+00, v39;
	[tilespmem:v55+s20+$0x0] =	vst.idx.msk $0xffff, v38  }
0x4e9: {  	v53 =	vor.u32 v13, v29;
	[tilespmem:v51+s20+$0x0] =	vst.idx.msk $0xffff, v56;
	v36 =	vmul.f32 $8.000000000e+00, v54;
	v33 =	vld.idx.msk [tilespmem:v57+s13+$0x0], $0xffff  }
0x4ea: {  	v48 =	vor.u32 v14, v27;
	v49 =	vor.u32 v13, v19;
	[tilespmem:v59+s20+$0x0] =	vst.idx.msk $0xffff, v47;
	v0 =	vld.idx.msk [tilespmem:v0+s13+$0x0], $0xffff  }
0x4eb: {  	v52 =	vor.u32 v14, v20;
	v40 =	vmul.f32 $8.000000000e+00, v40;
	v26 =	vld.idx.msk [tilespmem:v44+s13+$0x0], $0xffff;
	[tilespmem:v58+s20+$0x0] =	vst.idx.msk $0xffff, v36  }
0x4ec: {  	v50 =	vor.u32 v13, v28;
	v35 =	vmul.f32 $8.000000000e+00, v35;
	v51 =	vld.idx.msk [tilespmem:v62+s13+$0x0], $0xffff  }
0x4ed: {  	v57 =	vor.u32 v14, v25;
	v32 =	vmul.f32 $8.000000000e+00, v32;
	v58 =	vor.u32 v15, v17;
	[tilespmem:v46+s20+$0x0] =	vst.idx.msk $0xffff, v40  }
0x4ee: {  	v55 =	vor.u32 v13, v31;
	v54 =	vor.u32 v14, v21;
	[tilespmem:v45+s20+$0x0] =	vst.idx.msk $0xffff, v35;
	v33 =	vmul.f32 $8.000000000e+00, v33  }
0x4ef: {  	[tilespmem:v49+s20+$0x0] =	vst.idx.msk $0xffff, v32;
	v56 =	vld.idx.msk [tilespmem:v48+s13+$0x0], $0xffff;
	v0 =	vmul.f32 $8.000000000e+00, v0  }
0x4f0: {  	v59 =	vor.u32 v14, v30;
	v43 =	vld.idx.msk [tilespmem:v52+s13+$0x0], $0xffff;
	v26 =	vmul.f32 $8.000000000e+00, v26;
	[tilespmem:v53+s20+$0x0] =	vst.idx.msk $0xffff, v33  }
0x4f1: {  	v16 =	vor.u32 v8, v16;
	[tilespmem:v50+s20+$0x0] =	vst.idx.msk $0xffff, v0;
	v0 =	vor.u32 v15, v18;
	v62 =	vmul.f32 $8.000000000e+00, v51  }
0x4f2: {  	v40 =	vor.u32 v8, v23;
	v45 =	vor.u32 v15, v19;
	v46 =	vld.idx.msk [tilespmem:v57+s13+$0x0], $0xffff;
	[tilespmem:v58+s20+$0x0] =	vst.idx.msk $0xffff, v26  }
0x4f3: {  	v20 =	vor.u32 v8, v20;
	v35 =	vld.idx.msk [tilespmem:v54+s13+$0x0], $0xffff;
	[tilespmem:v55+s20+$0x0] =	vst.idx.msk $0xffff, v62  }
0x4f4: {  	v27 =	vor.u32 v8, v27;
	v50 =	vor.u32 v15, v29;
	v44 =	vmul.f32 $8.000000000e+00, v56;
	v1 =	vld [tilespmem:$0x1FE60]  }
0x4f5: {  	v47 =	vor.u32 v15, v28;
	v25 =	vor.u32 v8, v25;
	v33 =	vmul.f32 $8.000000000e+00, v43;
	v48 =	vld.idx.msk [tilespmem:v59+s13+$0x0], $0xffff  }
0x4f6: {  	v16 =	vld.idx.msk [tilespmem:v16+s13+$0x0], $0xffff;
	[tilespmem:v0+s20+$0x0] =	vst.idx.msk $0xffff, v44;
	v0 =	vor.u32 v8, v21  }
0x4f7: {  	v23 =	vld.idx.msk [tilespmem:v40+s13+$0x0], $0xffff;
	v51 =	vor.u32 v15, v31;
	[tilespmem:v45+s20+$0x0] =	vst.idx.msk $0xffff, v33;
	v54 =	vmul.f32 $8.000000000e+00, v46  }
0x4f8: {  	v30 =	vor.u32 v8, v30;
	v17 =	vor.u32 v3, v17;
	v20 =	vld.idx.msk [tilespmem:v20+s13+$0x0], $0xffff;
	v35 =	vmul.f32 $8.000000000e+00, v35  }
0x4f9: {  	v53 =	vor.u32 v3, v24;
	v27 =	vld.idx.msk [tilespmem:v27+s13+$0x0], $0xffff;
	[tilespmem:v50+s20+$0x0] =	vst.idx.msk $0xffff, v54  }
0x4fa: {  	v19 =	vor.u32 v3, v19;
	[tilespmem:v47+s20+$0x0] =	vst.idx.msk $0xffff, v35;
	v55 =	vmul.f32 $8.000000000e+00, v48;
	v25 =	vld.idx.msk [tilespmem:v25+s13+$0x0], $0xffff  }
0x4fb: {  	v18 =	vor.u32 v3, v18;
	v16 =	vmul.f32 $8.000000000e+00, v16;
	v0 =	vld.idx.msk [tilespmem:v0+s13+$0x0], $0xffff  }
0x4fc: {  	v62 =	vor.u32 v3, v29;
	v23 =	vmul.f32 $8.000000000e+00, v23;
	[tilespmem:v51+s20+$0x0] =	vst.idx.msk $0xffff, v55;
	v49 =	vld.idx.msk [tilespmem:v1+s13+$0x0], $0xffff  }
0x4fd: {  	v57 =	vor.u32 v3, v28;
	[tilespmem:v17+s20+$0x0] =	vst.idx.msk $0xffff, v16;
	v16 =	vmul.f32 $8.000000000e+00, v20;
	v58 =	vld.idx.msk [tilespmem:v30+s13+$0x0], $0xffff  }
0x4fe: {  	v52 =	vor.u32 v3, v22;
	[tilespmem:v53+s20+$0x0] =	vst.idx.msk $0xffff, v23;
	v59 =	vmul.f32 $8.000000000e+00, v27  }
0x4ff: {  	v17 =	vor.u32 v3, v31;
	[tilespmem:v19+s20+$0x0] =	vst.idx.msk $0xffff, v16;
	v16 =	vmul.f32 $8.000000000e+00, v25  }
0x500: {  	p0 =	seq.s32 s23, $0x63;
	[tilespmem:v18+s20+$0x0] =	vst.idx.msk $0xffff, v59;
	v0 =	vmul.f32 $8.000000000e+00, v0  }
.Ltmp7:
0x501: {  	[tilespmem:v62+s20+$0x0] =	vst.idx.msk $0xffff, v16;
	v56 =	vmul.f32 $8.000000000e+00, v49;
	(pc) =	sbr.rel @p0 .LBB2_12-.Ltmp7, $4  }
0x502: {  	[tilespmem:v57+s20+$0x0] =	vst.idx.msk $0xffff, v0;
	v0 =	vmul.f32 $8.000000000e+00, v58  }
0x503: {  	v4 =	vmov v60;
	v45 =	vlaneseq.u32;
	v46 =	vmov v3;
	[tilespmem:v52+s20+$0x0] =	vst.idx.msk $0xffff, v56  }
0x504: {  	s25 =	sadd.s32 s25, s7;
	v48 =	vmovc v9;
	v9 =	vmovc v10;
	v10 =	vmov v11;
	v11 =	vmov v12;
	v12 =	vmov v13;
	[tilespmem:v17+s20+$0x0] =	vst.idx.msk $0xffff, v0  }
0x505: {  	v13 =	vmovc v14;
	v14 =	vmovc v15;
	v15 =	vmov v8;
	v1 =	vmov v2;
	v2 =	vmov v61;
	[hbm4b:s25+s16] =	stream.strided.scatter [tilespmem:s20], [sflag:$0x4], $0x2000, s17, s16, $0x38;
	[tilespmem:$0x12400] =	vst v63  }
.Ltmp8:
0x506: {  	(pc) =	sbr.rel .LBB2_2-.Ltmp8, $4  }
0x507: {  	_ = 	snop  }
0x508: {  	s24 =	sshrl.u32 s24, $0x2  }
0x509: {  	s23 =	sadd.s32 $0x1, s23;
	s24 =	sadd.s32 $0x180, s24  }
0x50a: {  	[tilespmem:s13], [sflag:$0x2] =	stream.indirect.gather [hbm4b:s4+s9], $0x80, s24, s9, $0xb8;
	[tilespmem:$0x12400] =	vst v63  }
.LBB2_13:
0x50b: {  	_ =	sfence.sel $0x180000  }
0x50c: {  	[bflag:$0x0] =	sbarrier.arrive $0xFFFF  }
0x50d: {  	p0 =	sne.s32 s1, $0x0;
	_ =	strace $0x90000047  }
0x50e: {  	s0 =	sadd.s32 @!p0 $0x100000, s0;
	[bflag:$0x2] =	sbarrier.arrive $0xFFFF  }
0x50f: {  	[sflag:s0] =	ssyncadd.tile.s32 @!p0 $0x1;
	_ =	shalt  }
.Lfunc_end2:
_tile_overlayer_lowered:
.L_overlay_start_2:
0x510: {  	(tag) =	ssettag $0x2  }
0x511: {  	s0 =	rddreg [dreg:$0x0];
	s2 =	stileid.u32  }
0x512: {  	s1 =	rddreg [dreg:$0x1];
	p0 =	sne.s32 s2, $0x0  }
0x513: {  	s3 =	rddreg [dreg:$0x2];
	[bflag:$0x3] =	sbarrier.arrive $0xFFFF;
	s2 =	simm.s32 @!p0 $0x1C05  }
0x514: {  	[timem:s3], [sflag:s2] =	dma.local @!p0 [hbm:s0], s1  }
0x515: {  	s0 =	simm.s32 @!p0 $0x5  }
0x516: {  	_ =	swait.ge @!p0 [sflag:s0], s1  }
0x517: {  	s1 =	ssub.s32 @!p0 $0x0, s1;
	[sflag:s0] =	ssyncset.done @!p0 $0x0  }
0x518: {  	[sflag:s0] =	ssyncadd.s32 @!p0 s1  }
0x519: {  	[bflag:$0x3] =	sbarrier.arrive $0xFFFF  }
0x51a: {  	_ =	shalt  }

</sc_bundles>
